<compile_context>
chip_gen: v7x
topology: tpu7x:2x2x1
jax: 0.10.2.dev20260603
libtpu: 0.0.44.dev20260713+nightly
codegen_flags: <defaults>
</compile_context>

<pallas_src>
import functools

import jax
import jax.numpy as jnp
from jax import lax
from jax.experimental import pallas as pl
from jax.experimental.pallas import tpu as pltpu, tpu_sc as plsc

N_NODES = 10000
N_EDGES = 320000
D = 128
R = 8
NC, NS, L = 2, 16, 16
NW = NC * NS
CHUNK = 128
NCHUNK = N_EDGES // CHUNK
ITERS = (NCHUNK + NW - 1) // NW
NPAD = 10240
ROWS_PER_TILE = NPAD // NS
NR = NPAD * R

_mesh = plsc.VectorSubcoreMesh(core_axis_name="c", subcore_axis_name="s",
                               num_cores=NC, num_subcores=NS)
_sc_params = pltpu.CompilerParams(needs_layout_passes=False)


def _wid(c, s):
    return s * NC + c


@functools.partial(
    pl.kernel,
    out_type=jax.ShapeDtypeStruct((NW, NR), jnp.float32),
    mesh=_mesh,
    compiler_params=_sc_params,
    scratch_types=[
        pltpu.VMEM((NR,), jnp.float32),
        pltpu.VMEM((CHUNK,), jnp.int32),
        pltpu.VMEM((CHUNK,), jnp.int32),
        pltpu.SemaphoreType.DMA,
    ],
)
def _sc_counts(dst_hbm, type_hbm, cnt_hbm, acc, dbuf, tbuf, sem):
    c = lax.axis_index("c")
    s = lax.axis_index("s")
    wid = _wid(c, s)

    def _z(i, _):
        acc[pl.ds(i * 16, 16)] = jnp.zeros((16,), jnp.float32)
        return 0
    lax.fori_loop(0, NR // 16, _z, 0)

    ones = jnp.ones((16,), jnp.float32)

    def _step(i, _):
        cid = wid + i * NW

        @pl.when(cid < NCHUNK)
        def _():
            base = cid * CHUNK
            cp1 = pltpu.async_copy(dst_hbm.at[pl.ds(base, CHUNK)], dbuf, sem)
            cp2 = pltpu.async_copy(type_hbm.at[pl.ds(base, CHUNK)], tbuf, sem)
            cp1.wait()
            cp2.wait()
            for j in range(CHUNK // 16):
                dv = dbuf[pl.ds(j * 16, 16)]
                tv = tbuf[pl.ds(j * 16, 16)]
                plsc.addupdate_scatter(acc, [dv * 8 + tv], ones)
        return 0

    lax.fori_loop(0, ITERS, _step, 0)
    pltpu.sync_copy(acc, cnt_hbm.at[wid])


@functools.partial(
    pl.kernel,
    out_type=jax.ShapeDtypeStruct((N_EDGES,), jnp.float32),
    mesh=_mesh,
    compiler_params=_sc_params,
    scratch_types=[
        pltpu.VMEM((NR,), jnp.float32),
        pltpu.VMEM((CHUNK,), jnp.int32),
        pltpu.VMEM((CHUNK,), jnp.int32),
        pltpu.VMEM((CHUNK,), jnp.float32),
        pltpu.SemaphoreType.DMA,
    ],
)
def _sc_edge_w(dst_hbm, type_hbm, inv_hbm, w_hbm, inv_v, dbuf, tbuf, wbuf, sem):
    c = lax.axis_index("c")
    s = lax.axis_index("s")
    wid = _wid(c, s)
    pltpu.sync_copy(inv_hbm, inv_v)

    def _step(i, _):
        cid = wid + i * NW

        @pl.when(cid < NCHUNK)
        def _():
            base = cid * CHUNK
            cp1 = pltpu.async_copy(dst_hbm.at[pl.ds(base, CHUNK)], dbuf, sem)
            cp2 = pltpu.async_copy(type_hbm.at[pl.ds(base, CHUNK)], tbuf, sem)
            cp1.wait()
            cp2.wait()
            for j in range(CHUNK // 16):
                dv = dbuf[pl.ds(j * 16, 16)]
                tv = tbuf[pl.ds(j * 16, 16)]
                wbuf[pl.ds(j * 16, 16)] = plsc.load_gather(inv_v, [dv * 8 + tv])
            pltpu.sync_copy(wbuf, w_hbm.at[pl.ds(base, CHUNK)])
        return 0

    lax.fori_loop(0, ITERS, _step, 0)


@functools.partial(
    pl.kernel,
    out_type=jax.ShapeDtypeStruct((NC, NPAD, D), jnp.float32),
    mesh=_mesh,
    compiler_params=_sc_params,
    scratch_types=[
        pltpu.VMEM((CHUNK, D), jnp.float32),
        pltpu.VMEM((CHUNK,), jnp.int32),
        pltpu.VMEM((CHUNK,), jnp.int32),
        pltpu.VMEM((CHUNK,), jnp.int32),
        pltpu.VMEM((CHUNK,), jnp.int32),
        pltpu.VMEM((CHUNK,), jnp.float32),
        pltpu.VMEM_SHARED((NPAD, D), jnp.float32),
        pltpu.SemaphoreType.DMA,
    ],
)
def _sc_main(src_hbm, dst_hbm, type_hbm, y_hbm, w_hbm, agg_hbm,
             msg, sbuf, dbuf, tbuf, gidx, wbuf, agg_sh, sem1):
    c = lax.axis_index("c")
    s = lax.axis_index("s")
    wid = _wid(c, s)
    row0 = s * ROWS_PER_TILE

    def _zm(i, _):
        for f in range(D // 16):
            msg[i, pl.ds(f * 16, 16)] = jnp.zeros((16,), jnp.float32)
        return 0
    lax.fori_loop(0, CHUNK, _zm, 0)
    for k in range(ROWS_PER_TILE // CHUNK):
        pltpu.sync_copy(msg, agg_sh.at[pl.ds(row0 + k * CHUNK, CHUNK)])
    plsc.subcore_barrier()

    def _step(i, _):
        cid = wid + i * NW

        @pl.when(cid < NCHUNK)
        def _():
            base = cid * CHUNK
            cps = [pltpu.async_copy(src_hbm.at[pl.ds(base, CHUNK)], sbuf, sem1),
                   pltpu.async_copy(dst_hbm.at[pl.ds(base, CHUNK)], dbuf, sem1),
                   pltpu.async_copy(type_hbm.at[pl.ds(base, CHUNK)], tbuf, sem1),
                   pltpu.async_copy(w_hbm.at[pl.ds(base, CHUNK)], wbuf, sem1)]
            for cp in cps:
                cp.wait()
            for j in range(CHUNK // 16):
                sv = sbuf[pl.ds(j * 16, 16)]
                tv = tbuf[pl.ds(j * 16, 16)]
                gidx[pl.ds(j * 16, 16)] = sv * 8 + tv
            pltpu.async_copy(y_hbm.at[gidx], msg, sem1).wait()

            def _scale(e, _):
                w = plsc.load_gather(wbuf, [jnp.full((16,), e, jnp.int32)])
                for f in range(D // 16):
                    msg[e, pl.ds(f * 16, 16)] = msg[e, pl.ds(f * 16, 16)] * w
                return 0
            lax.fori_loop(0, CHUNK, _scale, 0, unroll=8)
            pltpu.sync_copy(msg, agg_sh.at[dbuf], add=True)
        return 0

    lax.fori_loop(0, ITERS, _step, 0)
    plsc.subcore_barrier()
    pltpu.sync_copy(agg_sh.at[pl.ds(row0, ROWS_PER_TILE)],
                    agg_hbm.at[c, pl.ds(row0, ROWS_PER_TILE)])


@functools.partial(
    pl.kernel,
    out_type=jax.ShapeDtypeStruct((NC, NPAD, D), jnp.float32),
    mesh=_mesh,
    compiler_params=_sc_params,
    scratch_types=[
        pltpu.VMEM((CHUNK, D), jnp.float32),
        pltpu.VMEM((CHUNK,), jnp.int32),
        pltpu.VMEM((CHUNK,), jnp.int32),
        pltpu.VMEM_SHARED((NPAD, D), jnp.float32),
        pltpu.SemaphoreType.DMA,
    ],
)
def _sc_neigh(src_hbm, dst_hbm, x1_hbm, out_hbm, msg, sbuf, dbuf, agg_sh, sem):
    c = lax.axis_index("c")
    s = lax.axis_index("s")
    wid = _wid(c, s)
    row0 = s * ROWS_PER_TILE

    def _zm(i, _):
        for f in range(D // 16):
            msg[i, pl.ds(f * 16, 16)] = jnp.zeros((16,), jnp.float32)
        return 0
    lax.fori_loop(0, CHUNK, _zm, 0)
    for k in range(ROWS_PER_TILE // CHUNK):
        pltpu.sync_copy(msg, agg_sh.at[pl.ds(row0 + k * CHUNK, CHUNK)])
    plsc.subcore_barrier()

    def _step(i, _):
        cid = wid + i * NW

        @pl.when(cid < NCHUNK)
        def _():
            base = cid * CHUNK
            cp1 = pltpu.async_copy(src_hbm.at[pl.ds(base, CHUNK)], sbuf, sem)
            cp2 = pltpu.async_copy(dst_hbm.at[pl.ds(base, CHUNK)], dbuf, sem)
            cp1.wait()
            cp2.wait()
            pltpu.async_copy(x1_hbm.at[sbuf], msg, sem).wait()
            pltpu.sync_copy(msg, agg_sh.at[dbuf], add=True)
        return 0

    lax.fori_loop(0, ITERS, _step, 0)
    plsc.subcore_barrier()
    pltpu.sync_copy(agg_sh.at[pl.ds(row0, ROWS_PER_TILE)],
                    out_hbm.at[c, pl.ds(row0, ROWS_PER_TILE)])


_BN = 512
_BF = _BN * R


def _tc_a_body(x_ref, bases_ref, comp_ref, root_ref, b1_ref, cnt_ref,
               y_ref, xroot_ref, inv_ref):
    xb = x_ref[...]
    bases = bases_ref[...].reshape(10, D * D)
    wcat = jnp.dot(comp_ref[...], bases,
                   preferred_element_type=jnp.float32)
    for r in range(R):
        wr = wcat[r].reshape(D, D)
        y_ref[:, r, :] = jnp.dot(xb, wr, preferred_element_type=jnp.float32)
    xroot_ref[...] = jnp.dot(xb, root_ref[...],
                             preferred_element_type=jnp.float32) + b1_ref[...]
    cnt = jnp.sum(cnt_ref[...], axis=0)
    inv_ref[...] = 1.0 / jnp.maximum(cnt, 1.0)


def _tc_a(x, bases, comp, root, bias1, cnt):
    grid = (NPAD // _BN,)
    return pl.pallas_call(
        _tc_a_body,
        grid=grid,
        in_specs=[
            pl.BlockSpec((_BN, D), lambda i: (i, 0)),
            pl.BlockSpec((10, D, D), lambda i: (0, 0, 0)),
            pl.BlockSpec((R, 10), lambda i: (0, 0)),
            pl.BlockSpec((D, D), lambda i: (0, 0)),
            pl.BlockSpec((1, D), lambda i: (0, 0)),
            pl.BlockSpec((NW, _BN, R), lambda i: (0, i, 0)),
        ],
        out_specs=[
            pl.BlockSpec((_BN, R, D), lambda i: (i, 0, 0)),
            pl.BlockSpec((_BN, D), lambda i: (i, 0)),
            pl.BlockSpec((_BN, R), lambda i: (i, 0)),
        ],
        out_shape=[
            jax.ShapeDtypeStruct((NPAD, R, D), jnp.float32),
            jax.ShapeDtypeStruct((NPAD, D), jnp.float32),
            jax.ShapeDtypeStruct((NPAD, R), jnp.float32),
        ],
    )(x, bases, comp, root, bias1, cnt)


def _tc_b_body(xroot_ref, agg_ref, wroot_ref, b2_ref, x1_ref, xw_ref):
    x1 = xroot_ref[...] + agg_ref[0] + agg_ref[1]
    x1_ref[...] = x1
    xw_ref[...] = jnp.dot(x1, wroot_ref[...],
                          preferred_element_type=jnp.float32) + b2_ref[...]


def _tc_b(xroot, agg, w_root, bias2):
    grid = (NPAD // _BN,)
    return pl.pallas_call(
        _tc_b_body,
        grid=grid,
        in_specs=[
            pl.BlockSpec((_BN, D), lambda i: (i, 0)),
            pl.BlockSpec((NC, _BN, D), lambda i: (0, i, 0)),
            pl.BlockSpec((D, D), lambda i: (0, 0)),
            pl.BlockSpec((1, D), lambda i: (0, 0)),
        ],
        out_specs=[
            pl.BlockSpec((_BN, D), lambda i: (i, 0)),
            pl.BlockSpec((_BN, D), lambda i: (i, 0)),
        ],
        out_shape=[
            jax.ShapeDtypeStruct((NPAD, D), jnp.float32),
            jax.ShapeDtypeStruct((NPAD, D), jnp.float32),
        ],
    )(xroot, agg, w_root, bias2)


def _tc_c_body(xw_ref, neigh_ref, wrel_ref, out_ref):
    neigh = neigh_ref[0] + neigh_ref[1]
    out_ref[...] = xw_ref[...] + jnp.dot(neigh, wrel_ref[...],
                                         preferred_element_type=jnp.float32)


def _tc_c(xw, neigh, w_rel):
    grid = (NPAD // _BN,)
    return pl.pallas_call(
        _tc_c_body,
        grid=grid,
        in_specs=[
            pl.BlockSpec((_BN, D), lambda i: (i, 0)),
            pl.BlockSpec((NC, _BN, D), lambda i: (0, i, 0)),
            pl.BlockSpec((D, D), lambda i: (0, 0)),
        ],
        out_specs=pl.BlockSpec((_BN, D), lambda i: (i, 0)),
        out_shape=jax.ShapeDtypeStruct((NPAD, D), jnp.float32),
    )(xw, neigh, w_rel)


def kernel(node_features, edge_index, edge_type, bases, comp, root, bias1,
           w_rel, w_root, bias2):
    src = edge_index[0].astype(jnp.int32)
    dst = edge_index[1].astype(jnp.int32)
    et = edge_type.astype(jnp.int32)
    xpad = jnp.pad(node_features, ((0, NPAD - N_NODES), (0, 0)))

    cnt = _sc_counts(dst, et).reshape(NW, NPAD, R)
    y, xroot, inv = _tc_a(xpad, bases, comp, root, bias1.reshape(1, D), cnt)
    w = _sc_edge_w(dst, et, inv.reshape(NR))
    agg = _sc_main(src, dst, et, y.reshape(NR, D), w)
    x1, xw = _tc_b(xroot, agg, w_root, bias2.reshape(1, D))
    neigh = _sc_neigh(src, dst, x1)
    out = _tc_c(xw, neigh, w_rel)
    return out[:N_NODES]

# --- scband reference (transcript-rebuilt; emitter-appended) ---
"""Pipeline reference for scband-gcn-747324309853 (READ-ONLY COPY).

The authoritative reference and input builder live on the scoring server;
editing this copy changes nothing except your own understanding.
"""

import jax, jax.numpy as jnp
import numpy as np

N_NODES = 10000
N_EDGES = 320000
G_DIM = 128
H1_DIM = 128
H2_DIM = 128
NUM_RELATIONS = 8  # 2 * n_speakers**2 with n_speakers=2
NUM_BASES = 10


def setup_inputs(seed: int = 0) -> dict:
    key = jax.random.key(seed)
    ks = jax.random.split(key, 10)
    node_features = jax.random.normal(ks[0], (N_NODES, G_DIM), dtype=jnp.float32)
    edge_index = jax.random.randint(ks[1], (2, N_EDGES), 0, N_NODES, dtype=jnp.int64)
    edge_type = jax.random.randint(ks[2], (N_EDGES,), 0, NUM_RELATIONS, dtype=jnp.int64)
    # RGCNConv params (basis decomposition)
    bases = jax.random.normal(ks[3], (NUM_BASES, G_DIM, H1_DIM), dtype=jnp.float32) * (1.0 / np.sqrt(G_DIM))
    comp = jax.random.normal(ks[4], (NUM_RELATIONS, NUM_BASES), dtype=jnp.float32) * (1.0 / np.sqrt(NUM_BASES))
    root = jax.random.normal(ks[5], (G_DIM, H1_DIM), dtype=jnp.float32) * (1.0 / np.sqrt(G_DIM))
    bias1 = jnp.zeros((H1_DIM,), dtype=jnp.float32)
    # GraphConv params
    w_rel = jax.random.normal(ks[6], (H1_DIM, H2_DIM), dtype=jnp.float32) * (1.0 / np.sqrt(H1_DIM))
    w_root = jax.random.normal(ks[7], (H1_DIM, H2_DIM), dtype=jnp.float32) * (1.0 / np.sqrt(H1_DIM))
    bias2 = jnp.zeros((H2_DIM,), dtype=jnp.float32)
    return {
        "node_features": node_features,
        "edge_index": edge_index,
        "edge_type": edge_type,
        "bases": bases,
        "comp": comp,
        "root": root,
        "bias1": bias1,
        "w_rel": w_rel,
        "w_root": w_root,
        "bias2": bias2,
    }


def _rgcn_conv(x, src, dst, edge_type, bases, comp, root, bias):
    N = x.shape[0]
    out = x @ root + bias
    agg = jnp.zeros((N, bases.shape[2]), dtype=x.dtype)
    x_src = x[src]  # gather, [E, g_dim]
    for r in range(NUM_RELATIONS):
        W_r = jnp.einsum("b,bio->io", comp[r], bases)
        mask = (edge_type == r).astype(x.dtype)[:, None]
        msg = (x_src @ W_r) * mask
        summed = jax.ops.segment_sum(msg, dst, num_segments=N)
        cnt = jax.ops.segment_sum(mask[:, 0], dst, num_segments=N)
        agg = agg + summed / jnp.clip(cnt, 1.0)[:, None]
    return out + agg


def _graph_conv(x, src, dst, w_rel, w_root, bias):
    N = x.shape[0]
    neigh = jax.ops.segment_sum(x[src], dst, num_segments=N)
    return x @ w_root + neigh @ w_rel + bias


def reference(node_features, edge_index, edge_type, bases, comp, root, bias1, w_rel, w_root, bias2):
    src = edge_index[0]
    dst = edge_index[1]
    x = _rgcn_conv(node_features, src, dst, edge_type, bases, comp, root, bias1)
    x = _graph_conv(x, src, dst, w_rel, w_root, bias2)
    return x

if __name__ == "__main__":
    import jax
    _d = setup_inputs()
    print(jax.jit(kernel)(*tuple(_d.values())))

</pallas_src>

<mosaic_0001>
#map = affine_map<(d0, d1) -> (0)>
module attributes {stable_mosaic.version = 14 : i64} {
  func.func @_sc_edge_w(%arg0: i32, %arg1: i32, %arg2: memref<320000xi32, #tpu.memory_space<hbm>>, %arg3: memref<320000xi32, #tpu.memory_space<hbm>>, %arg4: memref<81920xf32, #tpu.memory_space<hbm>>, %arg5: memref<320000xf32, #tpu.memory_space<hbm>>, %arg6: memref<81920xf32, #tpu.memory_space<vmem>>, %arg7: memref<128xi32, #tpu.memory_space<vmem>>, %arg8: memref<128xi32, #tpu.memory_space<vmem>>, %arg9: memref<128xf32, #tpu.memory_space<vmem>>, %arg10: memref<!tpu.dma_semaphore, #tpu.memory_space<semaphore_mem>>) attributes {dimension_semantics = [#tpu.dimension_semantics<core_parallel>, #tpu.dimension_semantics<subcore_parallel>], iteration_bounds = array<i64: 2, 16>, scalar_prefetch = 0 : i64, scratch_operands = 5 : i64, tpu.core_type = #tpu.core_type<sc_vector_subcore>, window_params = [{transform_indices = #map}, {transform_indices = #map}, {transform_indices = #map}, {transform_indices = #map}]} {
    %mul3A = arith.constant 2 : i32
    %mul3A_0 = arith.muli %arg1, %mul3A : i32
    %add3A = arith.addi %mul3A_0, %arg0 : i32
    "tpu.region"() ({
      %run_scoped3A = tpu.sem_alloc : memref<!tpu.dma_semaphore, #tpu.memory_space<semaphore_mem>>
      tpu.enqueue_dma source(%arg4 : memref<81920xf32, #tpu.memory_space<hbm>>) target(%arg6 : memref<81920xf32, #tpu.memory_space<vmem>>) target_semaphore(%run_scoped3A : memref<!tpu.dma_semaphore, #tpu.memory_space<semaphore_mem>>)
      tpu.wait_dma2 semaphore(%run_scoped3A : memref<!tpu.dma_semaphore, #tpu.memory_space<semaphore_mem>>) src(%arg4 : memref<81920xf32, #tpu.memory_space<hbm>>) dst(%arg6 : memref<81920xf32, #tpu.memory_space<vmem>>)
      tpu.yield
    }) : () -> ()
    %scan3A = arith.constant 0 : i32
    %scan3A_1 = arith.constant 0 : i32
    %scan3A_2 = arith.constant 79 : i32
    %scan3A_3 = arith.addi %scan3A_1, %scan3A_2 : i32
    %scan3A_4 = arith.constant 1 : i32
    %scan3A_5 = scf.for %scan3A_7 = %scan3A_1 to %scan3A_3 step %scan3A_4 iter_args(%scan3A_8 = %scan3A) -> (i32)  : i32 {
      %mul3A_9 = arith.constant 32 : i32
      %mul3A_10 = arith.muli %scan3A_7, %mul3A_9 : i32
      %add3A_11 = arith.addi %add3A, %mul3A_10 : i32
      %lt3A = arith.constant 2500 : i32
      %lt3A_12 = arith.cmpi slt, %add3A_11, %lt3A : i32
      %convert_element_type3A = arith.extui %lt3A_12 : i1 to i32
      %cond3A = arith.constant 0 : i32
      %cond3A_13 = arith.cmpi ne, %convert_element_type3A, %cond3A : i32
      scf.if %cond3A_13 {
        %mul3A_15 = arith.constant 128 : i32
        %mul3A_16 = arith.muli %add3A_11, %mul3A_15 : i32
        %dma_start3A = tpu.memref_slice %arg2[%mul3A_16] : memref<320000xi32, #tpu.memory_space<hbm>> -> memref<128xi32, #tpu.memory_space<hbm>>
        %dma_start3A_17 = tpu.memref_slice %arg2[%mul3A_16] : memref<320000xi32, #tpu.memory_space<hbm>> -> memref<128xi32, #tpu.memory_space<hbm>>
        tpu.enqueue_dma source(%dma_start3A_17 : memref<128xi32, #tpu.memory_space<hbm>>) target(%arg7 : memref<128xi32, #tpu.memory_space<vmem>>) target_semaphore(%arg10 : memref<!tpu.dma_semaphore, #tpu.memory_space<semaphore_mem>>)
        %dma_start3A_18 = tpu.memref_slice %arg3[%mul3A_16] : memref<320000xi32, #tpu.memory_space<hbm>> -> memref<128xi32, #tpu.memory_space<hbm>>
        %dma_start3A_19 = tpu.memref_slice %arg3[%mul3A_16] : memref<320000xi32, #tpu.memory_space<hbm>> -> memref<128xi32, #tpu.memory_space<hbm>>
        tpu.enqueue_dma source(%dma_start3A_19 : memref<128xi32, #tpu.memory_space<hbm>>) target(%arg8 : memref<128xi32, #tpu.memory_space<vmem>>) target_semaphore(%arg10 : memref<!tpu.dma_semaphore, #tpu.memory_space<semaphore_mem>>)
        %dma_wait3A = tpu.memref_slice %arg2[%mul3A_16] : memref<320000xi32, #tpu.memory_space<hbm>> -> memref<128xi32, #tpu.memory_space<hbm>>
        %dma_wait3A_20 = tpu.memref_slice %arg2[%mul3A_16] : memref<320000xi32, #tpu.memory_space<hbm>> -> memref<128xi32, #tpu.memory_space<hbm>>
        tpu.wait_dma2 semaphore(%arg10 : memref<!tpu.dma_semaphore, #tpu.memory_space<semaphore_mem>>) src(%dma_wait3A_20 : memref<128xi32, #tpu.memory_space<hbm>>) dst(%arg7 : memref<128xi32, #tpu.memory_space<vmem>>)
        %dma_wait3A_21 = tpu.memref_slice %arg3[%mul3A_16] : memref<320000xi32, #tpu.memory_space<hbm>> -> memref<128xi32, #tpu.memory_space<hbm>>
        %dma_wait3A_22 = tpu.memref_slice %arg3[%mul3A_16] : memref<320000xi32, #tpu.memory_space<hbm>> -> memref<128xi32, #tpu.memory_space<hbm>>
        tpu.wait_dma2 semaphore(%arg10 : memref<!tpu.dma_semaphore, #tpu.memory_space<semaphore_mem>>) src(%dma_wait3A_22 : memref<128xi32, #tpu.memory_space<hbm>>) dst(%arg8 : memref<128xi32, #tpu.memory_space<vmem>>)
        %get3A = arith.constant 0 : index
        %get3A_23 = tpu.vector_load %arg7[%get3A] {strides = array<i32>} : memref<128xi32, #tpu.memory_space<vmem>>, vector<16xi32>,
        %get3A_24 = arith.constant 0 : index
        %get3A_25 = tpu.vector_load %arg8[%get3A_24] {strides = array<i32>} : memref<128xi32, #tpu.memory_space<vmem>>, vector<16xi32>,
        %mul3A_26 = arith.constant 8 : i32
        %mul3A_27 = vector.broadcast %mul3A_26 : i32 to vector<16xi32>
        %mul3A_28 = arith.muli %get3A_23, %mul3A_27 : vector<16xi32>
        %add3A_29 = arith.addi %mul3A_28, %get3A_25 : vector<16xi32>
        %gather3A = tpu.vector_load_idx %arg6[%add3A_29] : memref<81920xf32, #tpu.memory_space<vmem>>[vector<16xi32>], vector<16xf32>,
        %swap3A = arith.constant 0 : index
        %swap3A_30 = tpu.vector_load %arg9[%swap3A] {strides = array<i32>} : memref<128xf32, #tpu.memory_space<vmem>>, vector<16xf32>,
        tpu.vector_store %arg9[%swap3A], %gather3A {strides = array<i32>} : memref<128xf32, #tpu.memory_space<vmem>>, vector<16xf32>,
        %get3A_31 = arith.constant 16 : index
        %get3A_32 = tpu.vector_load %arg7[%get3A_31] {strides = array<i32>} : memref<128xi32, #tpu.memory_space<vmem>>, vector<16xi32>,
        %get3A_33 = arith.constant 16 : index
        %get3A_34 = tpu.vector_load %arg8[%get3A_33] {strides = array<i32>} : memref<128xi32, #tpu.memory_space<vmem>>, vector<16xi32>,
        %mul3A_35 = arith.constant 8 : i32
        %mul3A_36 = vector.broadcast %mul3A_35 : i32 to vector<16xi32>
        %mul3A_37 = arith.muli %get3A_32, %mul3A_36 : vector<16xi32>
        %add3A_38 = arith.addi %mul3A_37, %get3A_34 : vector<16xi32>
        %gather3A_39 = tpu.vector_load_idx %arg6[%add3A_38] : memref<81920xf32, #tpu.memory_space<vmem>>[vector<16xi32>], vector<16xf32>,
        %swap3A_40 = arith.constant 16 : index
        %swap3A_41 = tpu.vector_load %arg9[%swap3A_40] {strides = array<i32>} : memref<128xf32, #tpu.memory_space<vmem>>, vector<16xf32>,
        tpu.vector_store %arg9[%swap3A_40], %gather3A_39 {strides = array<i32>} : memref<128xf32, #tpu.memory_space<vmem>>, vector<16xf32>,
        %get3A_42 = arith.constant 32 : index
        %get3A_43 = tpu.vector_load %arg7[%get3A_42] {strides = array<i32>} : memref<128xi32, #tpu.memory_space<vmem>>, vector<16xi32>,
        %get3A_44 = arith.constant 32 : index
        %get3A_45 = tpu.vector_load %arg8[%get3A_44] {strides = array<i32>} : memref<128xi32, #tpu.memory_space<vmem>>, vector<16xi32>,
        %mul3A_46 = arith.constant 8 : i32
        %mul3A_47 = vector.broadcast %mul3A_46 : i32 to vector<16xi32>
        %mul3A_48 = arith.muli %get3A_43, %mul3A_47 : vector<16xi32>
        %add3A_49 = arith.addi %mul3A_48, %get3A_45 : vector<16xi32>
        %gather3A_50 = tpu.vector_load_idx %arg6[%add3A_49] : memref<81920xf32, #tpu.memory_space<vmem>>[vector<16xi32>], vector<16xf32>,
        %swap3A_51 = arith.constant 32 : index
        %swap3A_52 = tpu.vector_load %arg9[%swap3A_51] {strides = array<i32>} : memref<128xf32, #tpu.memory_space<vmem>>, vector<16xf32>,
        tpu.vector_store %arg9[%swap3A_51], %gather3A_50 {strides = array<i32>} : memref<128xf32, #tpu.memory_space<vmem>>, vector<16xf32>,
        %get3A_53 = arith.constant 48 : index
        %get3A_54 = tpu.vector_load %arg7[%get3A_53] {strides = array<i32>} : memref<128xi32, #tpu.memory_space<vmem>>, vector<16xi32>,
        %get3A_55 = arith.constant 48 : index
        %get3A_56 = tpu.vector_load %arg8[%get3A_55] {strides = array<i32>} : memref<128xi32, #tpu.memory_space<vmem>>, vector<16xi32>,
        %mul3A_57 = arith.constant 8 : i32
        %mul3A_58 = vector.broadcast %mul3A_57 : i32 to vector<16xi32>
        %mul3A_59 = arith.muli %get3A_54, %mul3A_58 : vector<16xi32>
        %add3A_60 = arith.addi %mul3A_59, %get3A_56 : vector<16xi32>
        %gather3A_61 = tpu.vector_load_idx %arg6[%add3A_60] : memref<81920xf32, #tpu.memory_space<vmem>>[vector<16xi32>], vector<16xf32>,
        %swap3A_62 = arith.constant 48 : index
        %swap3A_63 = tpu.vector_load %arg9[%swap3A_62] {strides = array<i32>} : memref<128xf32, #tpu.memory_space<vmem>>, vector<16xf32>,
        tpu.vector_store %arg9[%swap3A_62], %gather3A_61 {strides = array<i32>} : memref<128xf32, #tpu.memory_space<vmem>>, vector<16xf32>,
        %get3A_64 = arith.constant 64 : index
        %get3A_65 = tpu.vector_load %arg7[%get3A_64] {strides = array<i32>} : memref<128xi32, #tpu.memory_space<vmem>>, vector<16xi32>,
        %get3A_66 = arith.constant 64 : index
        %get3A_67 = tpu.vector_load %arg8[%get3A_66] {strides = array<i32>} : memref<128xi32, #tpu.memory_space<vmem>>, vector<16xi32>,
        %mul3A_68 = arith.constant 8 : i32
        %mul3A_69 = vector.broadcast %mul3A_68 : i32 to vector<16xi32>
        %mul3A_70 = arith.muli %get3A_65, %mul3A_69 : vector<16xi32>
        %add3A_71 = arith.addi %mul3A_70, %get3A_67 : vector<16xi32>
        %gather3A_72 = tpu.vector_load_idx %arg6[%add3A_71] : memref<81920xf32, #tpu.memory_space<vmem>>[vector<16xi32>], vector<16xf32>,
        %swap3A_73 = arith.constant 64 : index
        %swap3A_74 = tpu.vector_load %arg9[%swap3A_73] {strides = array<i32>} : memref<128xf32, #tpu.memory_space<vmem>>, vector<16xf32>,
        tpu.vector_store %arg9[%swap3A_73], %gather3A_72 {strides = array<i32>} : memref<128xf32, #tpu.memory_space<vmem>>, vector<16xf32>,
        %get3A_75 = arith.constant 80 : index
        %get3A_76 = tpu.vector_load %arg7[%get3A_75] {strides = array<i32>} : memref<128xi32, #tpu.memory_space<vmem>>, vector<16xi32>,
        %get3A_77 = arith.constant 80 : index
        %get3A_78 = tpu.vector_load %arg8[%get3A_77] {strides = array<i32>} : memref<128xi32, #tpu.memory_space<vmem>>, vector<16xi32>,
        %mul3A_79 = arith.constant 8 : i32
        %mul3A_80 = vector.broadcast %mul3A_79 : i32 to vector<16xi32>
        %mul3A_81 = arith.muli %get3A_76, %mul3A_80 : vector<16xi32>
        %add3A_82 = arith.addi %mul3A_81, %get3A_78 : vector<16xi32>
        %gather3A_83 = tpu.vector_load_idx %arg6[%add3A_82] : memref<81920xf32, #tpu.memory_space<vmem>>[vector<16xi32>], vector<16xf32>,
        %swap3A_84 = arith.constant 80 : index
        %swap3A_85 = tpu.vector_load %arg9[%swap3A_84] {strides = array<i32>} : memref<128xf32, #tpu.memory_space<vmem>>, vector<16xf32>,
        tpu.vector_store %arg9[%swap3A_84], %gather3A_83 {strides = array<i32>} : memref<128xf32, #tpu.memory_space<vmem>>, vector<16xf32>,
        %get3A_86 = arith.constant 96 : index
        %get3A_87 = tpu.vector_load %arg7[%get3A_86] {strides = array<i32>} : memref<128xi32, #tpu.memory_space<vmem>>, vector<16xi32>,
        %get3A_88 = arith.constant 96 : index
        %get3A_89 = tpu.vector_load %arg8[%get3A_88] {strides = array<i32>} : memref<128xi32, #tpu.memory_space<vmem>>, vector<16xi32>,
        %mul3A_90 = arith.constant 8 : i32
        %mul3A_91 = vector.broadcast %mul3A_90 : i32 to vector<16xi32>
        %mul3A_92 = arith.muli %get3A_87, %mul3A_91 : vector<16xi32>
        %add3A_93 = arith.addi %mul3A_92, %get3A_89 : vector<16xi32>
        %gather3A_94 = tpu.vector_load_idx %arg6[%add3A_93] : memref<81920xf32, #tpu.memory_space<vmem>>[vector<16xi32>], vector<16xf32>,
        %swap3A_95 = arith.constant 96 : index
        %swap3A_96 = tpu.vector_load %arg9[%swap3A_95] {strides = array<i32>} : memref<128xf32, #tpu.memory_space<vmem>>, vector<16xf32>,
        tpu.vector_store %arg9[%swap3A_95], %gather3A_94 {strides = array<i32>} : memref<128xf32, #tpu.memory_space<vmem>>, vector<16xf32>,
        %get3A_97 = arith.constant 112 : index
        %get3A_98 = tpu.vector_load %arg7[%get3A_97] {strides = array<i32>} : memref<128xi32, #tpu.memory_space<vmem>>, vector<16xi32>,
        %get3A_99 = arith.constant 112 : index
        %get3A_100 = tpu.vector_load %arg8[%get3A_99] {strides = array<i32>} : memref<128xi32, #tpu.memory_space<vmem>>, vector<16xi32>,
        %mul3A_101 = arith.constant 8 : i32
        %mul3A_102 = vector.broadcast %mul3A_101 : i32 to vector<16xi32>
        %mul3A_103 = arith.muli %get3A_98, %mul3A_102 : vector<16xi32>
        %add3A_104 = arith.addi %mul3A_103, %get3A_100 : vector<16xi32>
        %gather3A_105 = tpu.vector_load_idx %arg6[%add3A_104] : memref<81920xf32, #tpu.memory_space<vmem>>[vector<16xi32>], vector<16xf32>,
        %swap3A_106 = arith.constant 112 : index
        %swap3A_107 = tpu.vector_load %arg9[%swap3A_106] {strides = array<i32>} : memref<128xf32, #tpu.memory_space<vmem>>, vector<16xf32>,
        tpu.vector_store %arg9[%swap3A_106], %gather3A_105 {strides = array<i32>} : memref<128xf32, #tpu.memory_space<vmem>>, vector<16xf32>,
        "tpu.region"() ({
          %run_scoped3A = tpu.sem_alloc : memref<!tpu.dma_semaphore, #tpu.memory_space<semaphore_mem>>
          %dma_start3A_108 = tpu.memref_slice %arg5[%mul3A_16] : memref<320000xf32, #tpu.memory_space<hbm>> -> memref<128xf32, #tpu.memory_space<hbm>>
          %dma_start3A_109 = tpu.memref_slice %arg5[%mul3A_16] : memref<320000xf32, #tpu.memory_space<hbm>> -> memref<128xf32, #tpu.memory_space<hbm>>
          tpu.enqueue_dma source(%arg9 : memref<128xf32, #tpu.memory_space<vmem>>) target(%dma_start3A_109 : memref<128xf32, #tpu.memory_space<hbm>>) target_semaphore(%run_scoped3A : memref<!tpu.dma_semaphore, #tpu.memory_space<semaphore_mem>>)
          %dma_wait3A_110 = tpu.memref_slice %arg5[%mul3A_16] : memref<320000xf32, #tpu.memory_space<hbm>> -> memref<128xf32, #tpu.memory_space<hbm>>
          %dma_wait3A_111 = tpu.memref_slice %arg5[%mul3A_16] : memref<320000xf32, #tpu.memory_space<hbm>> -> memref<128xf32, #tpu.memory_space<hbm>>
          tpu.wait_dma2 semaphore(%run_scoped3A : memref<!tpu.dma_semaphore, #tpu.memory_space<semaphore_mem>>) src(%arg9 : memref<128xf32, #tpu.memory_space<vmem>>) dst(%dma_wait3A_111 : memref<128xf32, #tpu.memory_space<hbm>>)
          tpu.yield
        }) : () -> ()
      } else {
      }
      %scan3A_14 = arith.constant 0 : i32
      scf.yield %scan3A_14 : i32
    }
    %scan3A_6 = arith.constant 79 : i32
    return
  }
}

#map = affine_map<(d0, d1) -> (0)>
#map1 = affine_map<(d0, d1) -> (0, 0)>
#map2 = affine_map<(d0, d1) -> (0, 0, 0)>
module attributes {stable_mosaic.version = 14 : i64} {
  func.func @_sc_neigh(%arg0: i32, %arg1: i32, %arg2: memref<320000xi32, #tpu.memory_space<hbm>>, %arg3: memref<320000xi32, #tpu.memory_space<hbm>>, %arg4: memref<10240x128xf32, #tpu.memory_space<hbm>>, %arg5: memref<2x10240x128xf32, #tpu.memory_space<hbm>>, %arg6: memref<128x128xf32, #tpu.memory_space<vmem>>, %arg7: memref<128xi32, #tpu.memory_space<vmem>>, %arg8: memref<128xi32, #tpu.memory_space<vmem>>, %arg9: memref<10240x128xf32, #tpu.memory_space<vmem_shared>>, %arg10: memref<!tpu.dma_semaphore, #tpu.memory_space<semaphore_mem>>) attributes {dimension_semantics = [#tpu.dimension_semantics<core_parallel>, #tpu.dimension_semantics<subcore_parallel>], iteration_bounds = array<i64: 2, 16>, scalar_prefetch = 0 : i64, scratch_operands = 5 : i64, tpu.core_type = #tpu.core_type<sc_vector_subcore>, window_params = [{transform_indices = #map}, {transform_indices = #map}, {transform_indices = #map1}, {transform_indices = #map2}]} {
    %mul3A = arith.constant 2 : i32
    %mul3A_0 = arith.muli %arg1, %mul3A : i32
    %add3A = arith.addi %mul3A_0, %arg0 : i32
    %mul3A_1 = arith.constant 640 : i32
    %mul3A_2 = arith.muli %arg1, %mul3A_1 : i32
    %scan3A = arith.constant 0 : i32
    %scan3A_3 = arith.constant 0 : i32
    %scan3A_4 = arith.constant 128 : i32
    %scan3A_5 = arith.addi %scan3A_3, %scan3A_4 : i32
    %scan3A_6 = arith.constant 1 : i32
    %scan3A_7 = scf.for %scan3A_27 = %scan3A_3 to %scan3A_5 step %scan3A_6 iter_args(%scan3A_28 = %scan3A) -> (i32)  : i32 {
      %broadcast_in_dim3A = arith.constant 0.000000e+00 : f32
      %broadcast_in_dim3A_29 = vector.broadcast %broadcast_in_dim3A : f32 to vector<16xf32>
      %swap3A = arith.index_cast %scan3A_27 : i32 to index
      %swap3A_30 = arith.constant 0 : index
      %swap3A_31 = tpu.vector_load %arg6[%swap3A, %swap3A_30] {strides = array<i32>} : memref<128x128xf32, #tpu.memory_space<vmem>>, vector<16xf32>,
      tpu.vector_store %arg6[%swap3A, %swap3A_30], %broadcast_in_dim3A_29 {strides = array<i32>} : memref<128x128xf32, #tpu.memory_space<vmem>>, vector<16xf32>,
      %broadcast_in_dim3A_32 = arith.constant 0.000000e+00 : f32
      %broadcast_in_dim3A_33 = vector.broadcast %broadcast_in_dim3A_32 : f32 to vector<16xf32>
      %swap3A_34 = arith.index_cast %scan3A_27 : i32 to index
      %swap3A_35 = arith.constant 16 : index
      %swap3A_36 = tpu.vector_load %arg6[%swap3A_34, %swap3A_35] {strides = array<i32>} : memref<128x128xf32, #tpu.memory_space<vmem>>, vector<16xf32>,
      tpu.vector_store %arg6[%swap3A_34, %swap3A_35], %broadcast_in_dim3A_33 {strides = array<i32>} : memref<128x128xf32, #tpu.memory_space<vmem>>, vector<16xf32>,
      %broadcast_in_dim3A_37 = arith.constant 0.000000e+00 : f32
      %broadcast_in_dim3A_38 = vector.broadcast %broadcast_in_dim3A_37 : f32 to vector<16xf32>
      %swap3A_39 = arith.index_cast %scan3A_27 : i32 to index
      %swap3A_40 = arith.constant 32 : index
      %swap3A_41 = tpu.vector_load %arg6[%swap3A_39, %swap3A_40] {strides = array<i32>} : memref<128x128xf32, #tpu.memory_space<vmem>>, vector<16xf32>,
      tpu.vector_store %arg6[%swap3A_39, %swap3A_40], %broadcast_in_dim3A_38 {strides = array<i32>} : memref<128x128xf32, #tpu.memory_space<vmem>>, vector<16xf32>,
      %broadcast_in_dim3A_42 = arith.constant 0.000000e+00 : f32
      %broadcast_in_dim3A_43 = vector.broadcast %broadcast_in_dim3A_42 : f32 to vector<16xf32>
      %swap3A_44 = arith.index_cast %scan3A_27 : i32 to index
      %swap3A_45 = arith.constant 48 : index
      %swap3A_46 = tpu.vector_load %arg6[%swap3A_44, %swap3A_45] {strides = array<i32>} : memref<128x128xf32, #tpu.memory_space<vmem>>, vector<16xf32>,
      tpu.vector_store %arg6[%swap3A_44, %swap3A_45], %broadcast_in_dim3A_43 {strides = array<i32>} : memref<128x128xf32, #tpu.memory_space<vmem>>, vector<16xf32>,
      %broadcast_in_dim3A_47 = arith.constant 0.000000e+00 : f32
      %broadcast_in_dim3A_48 = vector.broadcast %broadcast_in_dim3A_47 : f32 to vector<16xf32>
      %swap3A_49 = arith.index_cast %scan3A_27 : i32 to index
      %swap3A_50 = arith.constant 64 : index
      %swap3A_51 = tpu.vector_load %arg6[%swap3A_49, %swap3A_50] {strides = array<i32>} : memref<128x128xf32, #tpu.memory_space<vmem>>, vector<16xf32>,
      tpu.vector_store %arg6[%swap3A_49, %swap3A_50], %broadcast_in_dim3A_48 {strides = array<i32>} : memref<128x128xf32, #tpu.memory_space<vmem>>, vector<16xf32>,
      %broadcast_in_dim3A_52 = arith.constant 0.000000e+00 : f32
      %broadcast_in_dim3A_53 = vector.broadcast %broadcast_in_dim3A_52 : f32 to vector<16xf32>
      %swap3A_54 = arith.index_cast %scan3A_27 : i32 to index
      %swap3A_55 = arith.constant 80 : index
      %swap3A_56 = tpu.vector_load %arg6[%swap3A_54, %swap3A_55] {strides = array<i32>} : memref<128x128xf32, #tpu.memory_space<vmem>>, vector<16xf32>,
      tpu.vector_store %arg6[%swap3A_54, %swap3A_55], %broadcast_in_dim3A_53 {strides = array<i32>} : memref<128x128xf32, #tpu.memory_space<vmem>>, vector<16xf32>,
      %broadcast_in_dim3A_57 = arith.constant 0.000000e+00 : f32
      %broadcast_in_dim3A_58 = vector.broadcast %broadcast_in_dim3A_57 : f32 to vector<16xf32>
      %swap3A_59 = arith.index_cast %scan3A_27 : i32 to index
      %swap3A_60 = arith.constant 96 : index
      %swap3A_61 = tpu.vector_load %arg6[%swap3A_59, %swap3A_60] {strides = array<i32>} : memref<128x128xf32, #tpu.memory_space<vmem>>, vector<16xf32>,
      tpu.vector_store %arg6[%swap3A_59, %swap3A_60], %broadcast_in_dim3A_58 {strides = array<i32>} : memref<128x128xf32, #tpu.memory_space<vmem>>, vector<16xf32>,
      %broadcast_in_dim3A_62 = arith.constant 0.000000e+00 : f32
      %broadcast_in_dim3A_63 = vector.broadcast %broadcast_in_dim3A_62 : f32 to vector<16xf32>
      %swap3A_64 = arith.index_cast %scan3A_27 : i32 to index
      %swap3A_65 = arith.constant 112 : index
      %swap3A_66 = tpu.vector_load %arg6[%swap3A_64, %swap3A_65] {strides = array<i32>} : memref<128x128xf32, #tpu.memory_space<vmem>>, vector<16xf32>,
      tpu.vector_store %arg6[%swap3A_64, %swap3A_65], %broadcast_in_dim3A_63 {strides = array<i32>} : memref<128x128xf32, #tpu.memory_space<vmem>>, vector<16xf32>,
      %scan3A_67 = arith.constant 0 : i32
      scf.yield %scan3A_67 : i32
    }
    %scan3A_8 = arith.constant 128 : i32
    %add3A_9 = arith.constant 0 : i32
    %add3A_10 = arith.addi %mul3A_2, %add3A_9 : i32
    "tpu.region"() ({
      %run_scoped3A = tpu.sem_alloc : memref<!tpu.dma_semaphore, #tpu.memory_space<semaphore_mem>>
      %dma_start3A = arith.constant 0 : i32
      %dma_start3A_27 = tpu.memref_slice %arg9[%add3A_10, %dma_start3A] : memref<10240x128xf32, #tpu.memory_space<vmem_shared>> -> memref<128x128xf32, #tpu.memory_space<vmem_shared>>
      %dma_start3A_28 = arith.constant 0 : i32
      %dma_start3A_29 = tpu.memref_slice %arg9[%add3A_10, %dma_start3A_28] : memref<10240x128xf32, #tpu.memory_space<vmem_shared>> -> memref<128x128xf32, #tpu.memory_space<vmem_shared>>
      tpu.enqueue_dma source(%arg6 : memref<128x128xf32, #tpu.memory_space<vmem>>) target(%dma_start3A_29 : memref<128x128xf32, #tpu.memory_space<vmem_shared>>) target_semaphore(%run_scoped3A : memref<!tpu.dma_semaphore, #tpu.memory_space<semaphore_mem>>)
      %dma_wait3A = arith.constant 0 : i32
      %dma_wait3A_30 = tpu.memref_slice %arg9[%add3A_10, %dma_wait3A] : memref<10240x128xf32, #tpu.memory_space<vmem_shared>> -> memref<128x128xf32, #tpu.memory_space<vmem_shared>>
      %dma_wait3A_31 = arith.constant 0 : i32
      %dma_wait3A_32 = tpu.memref_slice %arg9[%add3A_10, %dma_wait3A_31] : memref<10240x128xf32, #tpu.memory_space<vmem_shared>> -> memref<128x128xf32, #tpu.memory_space<vmem_shared>>
      tpu.wait_dma2 semaphore(%run_scoped3A : memref<!tpu.dma_semaphore, #tpu.memory_space<semaphore_mem>>) src(%arg6 : memref<128x128xf32, #tpu.memory_space<vmem>>) dst(%dma_wait3A_32 : memref<128x128xf32, #tpu.memory_space<vmem_shared>>)
      tpu.yield
    }) : () -> ()
    %add3A_11 = arith.constant 128 : i32
    %add3A_12 = arith.addi %mul3A_2, %add3A_11 : i32
    "tpu.region"() ({
      %run_scoped3A = tpu.sem_alloc : memref<!tpu.dma_semaphore, #tpu.memory_space<semaphore_mem>>
      %dma_start3A = arith.constant 0 : i32
      %dma_start3A_27 = tpu.memref_slice %arg9[%add3A_12, %dma_start3A] : memref<10240x128xf32, #tpu.memory_space<vmem_shared>> -> memref<128x128xf32, #tpu.memory_space<vmem_shared>>
      %dma_start3A_28 = arith.constant 0 : i32
      %dma_start3A_29 = tpu.memref_slice %arg9[%add3A_12, %dma_start3A_28] : memref<10240x128xf32, #tpu.memory_space<vmem_shared>> -> memref<128x128xf32, #tpu.memory_space<vmem_shared>>
      tpu.enqueue_dma source(%arg6 : memref<128x128xf32, #tpu.memory_space<vmem>>) target(%dma_start3A_29 : memref<128x128xf32, #tpu.memory_space<vmem_shared>>) target_semaphore(%run_scoped3A : memref<!tpu.dma_semaphore, #tpu.memory_space<semaphore_mem>>)
      %dma_wait3A = arith.constant 0 : i32
      %dma_wait3A_30 = tpu.memref_slice %arg9[%add3A_12, %dma_wait3A] : memref<10240x128xf32, #tpu.memory_space<vmem_shared>> -> memref<128x128xf32, #tpu.memory_space<vmem_shared>>
      %dma_wait3A_31 = arith.constant 0 : i32
      %dma_wait3A_32 = tpu.memref_slice %arg9[%add3A_12, %dma_wait3A_31] : memref<10240x128xf32, #tpu.memory_space<vmem_shared>> -> memref<128x128xf32, #tpu.memory_space<vmem_shared>>
      tpu.wait_dma2 semaphore(%run_scoped3A : memref<!tpu.dma_semaphore, #tpu.memory_space<semaphore_mem>>) src(%arg6 : memref<128x128xf32, #tpu.memory_space<vmem>>) dst(%dma_wait3A_32 : memref<128x128xf32, #tpu.memory_space<vmem_shared>>)
      tpu.yield
    }) : () -> ()
    %add3A_13 = arith.constant 256 : i32
    %add3A_14 = arith.addi %mul3A_2, %add3A_13 : i32
    "tpu.region"() ({
      %run_scoped3A = tpu.sem_alloc : memref<!tpu.dma_semaphore, #tpu.memory_space<semaphore_mem>>
      %dma_start3A = arith.constant 0 : i32
      %dma_start3A_27 = tpu.memref_slice %arg9[%add3A_14, %dma_start3A] : memref<10240x128xf32, #tpu.memory_space<vmem_shared>> -> memref<128x128xf32, #tpu.memory_space<vmem_shared>>
      %dma_start3A_28 = arith.constant 0 : i32
      %dma_start3A_29 = tpu.memref_slice %arg9[%add3A_14, %dma_start3A_28] : memref<10240x128xf32, #tpu.memory_space<vmem_shared>> -> memref<128x128xf32, #tpu.memory_space<vmem_shared>>
      tpu.enqueue_dma source(%arg6 : memref<128x128xf32, #tpu.memory_space<vmem>>) target(%dma_start3A_29 : memref<128x128xf32, #tpu.memory_space<vmem_shared>>) target_semaphore(%run_scoped3A : memref<!tpu.dma_semaphore, #tpu.memory_space<semaphore_mem>>)
      %dma_wait3A = arith.constant 0 : i32
      %dma_wait3A_30 = tpu.memref_slice %arg9[%add3A_14, %dma_wait3A] : memref<10240x128xf32, #tpu.memory_space<vmem_shared>> -> memref<128x128xf32, #tpu.memory_space<vmem_shared>>
      %dma_wait3A_31 = arith.constant 0 : i32
      %dma_wait3A_32 = tpu.memref_slice %arg9[%add3A_14, %dma_wait3A_31] : memref<10240x128xf32, #tpu.memory_space<vmem_shared>> -> memref<128x128xf32, #tpu.memory_space<vmem_shared>>
      tpu.wait_dma2 semaphore(%run_scoped3A : memref<!tpu.dma_semaphore, #tpu.memory_space<semaphore_mem>>) src(%arg6 : memref<128x128xf32, #tpu.memory_space<vmem>>) dst(%dma_wait3A_32 : memref<128x128xf32, #tpu.memory_space<vmem_shared>>)
      tpu.yield
    }) : () -> ()
    %add3A_15 = arith.constant 384 : i32
    %add3A_16 = arith.addi %mul3A_2, %add3A_15 : i32
    "tpu.region"() ({
      %run_scoped3A = tpu.sem_alloc : memref<!tpu.dma_semaphore, #tpu.memory_space<semaphore_mem>>
      %dma_start3A = arith.constant 0 : i32
      %dma_start3A_27 = tpu.memref_slice %arg9[%add3A_16, %dma_start3A] : memref<10240x128xf32, #tpu.memory_space<vmem_shared>> -> memref<128x128xf32, #tpu.memory_space<vmem_shared>>
      %dma_start3A_28 = arith.constant 0 : i32
      %dma_start3A_29 = tpu.memref_slice %arg9[%add3A_16, %dma_start3A_28] : memref<10240x128xf32, #tpu.memory_space<vmem_shared>> -> memref<128x128xf32, #tpu.memory_space<vmem_shared>>
      tpu.enqueue_dma source(%arg6 : memref<128x128xf32, #tpu.memory_space<vmem>>) target(%dma_start3A_29 : memref<128x128xf32, #tpu.memory_space<vmem_shared>>) target_semaphore(%run_scoped3A : memref<!tpu.dma_semaphore, #tpu.memory_space<semaphore_mem>>)
      %dma_wait3A = arith.constant 0 : i32
      %dma_wait3A_30 = tpu.memref_slice %arg9[%add3A_16, %dma_wait3A] : memref<10240x128xf32, #tpu.memory_space<vmem_shared>> -> memref<128x128xf32, #tpu.memory_space<vmem_shared>>
      %dma_wait3A_31 = arith.constant 0 : i32
      %dma_wait3A_32 = tpu.memref_slice %arg9[%add3A_16, %dma_wait3A_31] : memref<10240x128xf32, #tpu.memory_space<vmem_shared>> -> memref<128x128xf32, #tpu.memory_space<vmem_shared>>
      tpu.wait_dma2 semaphore(%run_scoped3A : memref<!tpu.dma_semaphore, #tpu.memory_space<semaphore_mem>>) src(%arg6 : memref<128x128xf32, #tpu.memory_space<vmem>>) dst(%dma_wait3A_32 : memref<128x128xf32, #tpu.memory_space<vmem_shared>>)
      tpu.yield
    }) : () -> ()
    %add3A_17 = arith.constant 512 : i32
    %add3A_18 = arith.addi %mul3A_2, %add3A_17 : i32
    "tpu.region"() ({
      %run_scoped3A = tpu.sem_alloc : memref<!tpu.dma_semaphore, #tpu.memory_space<semaphore_mem>>
      %dma_start3A = arith.constant 0 : i32
      %dma_start3A_27 = tpu.memref_slice %arg9[%add3A_18, %dma_start3A] : memref<10240x128xf32, #tpu.memory_space<vmem_shared>> -> memref<128x128xf32, #tpu.memory_space<vmem_shared>>
      %dma_start3A_28 = arith.constant 0 : i32
      %dma_start3A_29 = tpu.memref_slice %arg9[%add3A_18, %dma_start3A_28] : memref<10240x128xf32, #tpu.memory_space<vmem_shared>> -> memref<128x128xf32, #tpu.memory_space<vmem_shared>>
      tpu.enqueue_dma source(%arg6 : memref<128x128xf32, #tpu.memory_space<vmem>>) target(%dma_start3A_29 : memref<128x128xf32, #tpu.memory_space<vmem_shared>>) target_semaphore(%run_scoped3A : memref<!tpu.dma_semaphore, #tpu.memory_space<semaphore_mem>>)
      %dma_wait3A = arith.constant 0 : i32
      %dma_wait3A_30 = tpu.memref_slice %arg9[%add3A_18, %dma_wait3A] : memref<10240x128xf32, #tpu.memory_space<vmem_shared>> -> memref<128x128xf32, #tpu.memory_space<vmem_shared>>
      %dma_wait3A_31 = arith.constant 0 : i32
      %dma_wait3A_32 = tpu.memref_slice %arg9[%add3A_18, %dma_wait3A_31] : memref<10240x128xf32, #tpu.memory_space<vmem_shared>> -> memref<128x128xf32, #tpu.memory_space<vmem_shared>>
      tpu.wait_dma2 semaphore(%run_scoped3A : memref<!tpu.dma_semaphore, #tpu.memory_space<semaphore_mem>>) src(%arg6 : memref<128x128xf32, #tpu.memory_space<vmem>>) dst(%dma_wait3A_32 : memref<128x128xf32, #tpu.memory_space<vmem_shared>>)
      tpu.yield
    }) : () -> ()
    %barrier3A = arith.constant 0 : index
    tpu.barrier barrier_id(%barrier3A)
    %scan3A_19 = arith.constant 0 : i32
    %scan3A_20 = arith.constant 0 : i32
    %scan3A_21 = arith.constant 79 : i32
    %scan3A_22 = arith.addi %scan3A_20, %scan3A_21 : i32
    %scan3A_23 = arith.constant 1 : i32
    %scan3A_24 = scf.for %scan3A_27 = %scan3A_20 to %scan3A_22 step %scan3A_23 iter_args(%scan3A_28 = %scan3A_19) -> (i32)  : i32 {
      %mul3A_29 = arith.constant 32 : i32
      %mul3A_30 = arith.muli %scan3A_27, %mul3A_29 : i32
      %add3A_31 = arith.addi %add3A, %mul3A_30 : i32
      %lt3A = arith.constant 2500 : i32
      %lt3A_32 = arith.cmpi slt, %add3A_31, %lt3A : i32
      %convert_element_type3A = arith.extui %lt3A_32 : i1 to i32
      %cond3A = arith.constant 0 : i32
      %cond3A_33 = arith.cmpi ne, %convert_element_type3A, %cond3A : i32
      scf.if %cond3A_33 {
        %mul3A_35 = arith.constant 128 : i32
        %mul3A_36 = arith.muli %add3A_31, %mul3A_35 : i32
        %dma_start3A = tpu.memref_slice %arg2[%mul3A_36] : memref<320000xi32, #tpu.memory_space<hbm>> -> memref<128xi32, #tpu.memory_space<hbm>>
        %dma_start3A_37 = tpu.memref_slice %arg2[%mul3A_36] : memref<320000xi32, #tpu.memory_space<hbm>> -> memref<128xi32, #tpu.memory_space<hbm>>
        tpu.enqueue_dma source(%dma_start3A_37 : memref<128xi32, #tpu.memory_space<hbm>>) target(%arg7 : memref<128xi32, #tpu.memory_space<vmem>>) target_semaphore(%arg10 : memref<!tpu.dma_semaphore, #tpu.memory_space<semaphore_mem>>)
        %dma_start3A_38 = tpu.memref_slice %arg3[%mul3A_36] : memref<320000xi32, #tpu.memory_space<hbm>> -> memref<128xi32, #tpu.memory_space<hbm>>
        %dma_start3A_39 = tpu.memref_slice %arg3[%mul3A_36] : memref<320000xi32, #tpu.memory_space<hbm>> -> memref<128xi32, #tpu.memory_space<hbm>>
        tpu.enqueue_dma source(%dma_start3A_39 : memref<128xi32, #tpu.memory_space<hbm>>) target(%arg8 : memref<128xi32, #tpu.memory_space<vmem>>) target_semaphore(%arg10 : memref<!tpu.dma_semaphore, #tpu.memory_space<semaphore_mem>>)
        %dma_wait3A = tpu.memref_slice %arg2[%mul3A_36] : memref<320000xi32, #tpu.memory_space<hbm>> -> memref<128xi32, #tpu.memory_space<hbm>>
        %dma_wait3A_40 = tpu.memref_slice %arg2[%mul3A_36] : memref<320000xi32, #tpu.memory_space<hbm>> -> memref<128xi32, #tpu.memory_space<hbm>>
        tpu.wait_dma2 semaphore(%arg10 : memref<!tpu.dma_semaphore, #tpu.memory_space<semaphore_mem>>) src(%dma_wait3A_40 : memref<128xi32, #tpu.memory_space<hbm>>) dst(%arg7 : memref<128xi32, #tpu.memory_space<vmem>>)
        %dma_wait3A_41 = tpu.memref_slice %arg3[%mul3A_36] : memref<320000xi32, #tpu.memory_space<hbm>> -> memref<128xi32, #tpu.memory_space<hbm>>
        %dma_wait3A_42 = tpu.memref_slice %arg3[%mul3A_36] : memref<320000xi32, #tpu.memory_space<hbm>> -> memref<128xi32, #tpu.memory_space<hbm>>
        tpu.wait_dma2 semaphore(%arg10 : memref<!tpu.dma_semaphore, #tpu.memory_space<semaphore_mem>>) src(%dma_wait3A_42 : memref<128xi32, #tpu.memory_space<hbm>>) dst(%arg8 : memref<128xi32, #tpu.memory_space<vmem>>)
        %dma_start3A_43 = arith.constant 0 : i32
        %dma_start3A_44 = arith.constant 0 : i32
        %dma_start3A_45 = tpu.memref_slice %arg4[%dma_start3A_43, %dma_start3A_44] : memref<10240x128xf32, #tpu.memory_space<hbm>> -> memref<10240x128xf32, #tpu.memory_space<hbm>>
        tpu.enqueue_indirect_dma source(%dma_start3A_45 : memref<10240x128xf32, #tpu.memory_space<hbm>>) target(%arg6 : memref<128x128xf32, #tpu.memory_space<vmem>>) offsets(%arg7 : memref<128xi32, #tpu.memory_space<vmem>>) semaphore(%arg10 : memref<!tpu.dma_semaphore, #tpu.memory_space<semaphore_mem>>)
        %dma_wait3A_46 = arith.constant 0 : i32
        %dma_wait3A_47 = arith.constant 0 : i32
        %dma_wait3A_48 = tpu.memref_slice %arg4[%dma_wait3A_46, %dma_wait3A_47] : memref<10240x128xf32, #tpu.memory_space<hbm>> -> memref<10240x128xf32, #tpu.memory_space<hbm>>
        tpu.wait_indirect_dma semaphore(%arg10 : memref<!tpu.dma_semaphore, #tpu.memory_space<semaphore_mem>>) src(%dma_wait3A_48 : memref<10240x128xf32, #tpu.memory_space<hbm>>) dst(%arg6 : memref<128x128xf32, #tpu.memory_space<vmem>>)
        "tpu.region"() ({
          %run_scoped3A = tpu.sem_alloc : memref<!tpu.dma_semaphore, #tpu.memory_space<semaphore_mem>>
          %dma_start3A_49 = arith.constant 0 : i32
          %dma_start3A_50 = arith.constant 0 : i32
          %dma_start3A_51 = tpu.memref_slice %arg9[%dma_start3A_49, %dma_start3A_50] : memref<10240x128xf32, #tpu.memory_space<vmem_shared>> -> memref<10240x128xf32, #tpu.memory_space<vmem_shared>>
          tpu.enqueue_indirect_dma source(%arg6 : memref<128x128xf32, #tpu.memory_space<vmem>>) target(%dma_start3A_51 : memref<10240x128xf32, #tpu.memory_space<vmem_shared>>) offsets(%arg8 : memref<128xi32, #tpu.memory_space<vmem>>) semaphore(%run_scoped3A : memref<!tpu.dma_semaphore, #tpu.memory_space<semaphore_mem>>) {add = true}
          %dma_wait3A_52 = arith.constant 0 : i32
          %dma_wait3A_53 = arith.constant 0 : i32
          %dma_wait3A_54 = tpu.memref_slice %arg9[%dma_wait3A_52, %dma_wait3A_53] : memref<10240x128xf32, #tpu.memory_space<vmem_shared>> -> memref<10240x128xf32, #tpu.memory_space<vmem_shared>>
          tpu.wait_indirect_dma semaphore(%run_scoped3A : memref<!tpu.dma_semaphore, #tpu.memory_space<semaphore_mem>>) src(%arg6 : memref<128x128xf32, #tpu.memory_space<vmem>>) dst(%dma_wait3A_54 : memref<10240x128xf32, #tpu.memory_space<vmem_shared>>)
          tpu.yield
        }) : () -> ()
      } else {
      }
      %scan3A_34 = arith.constant 0 : i32
      scf.yield %scan3A_34 : i32
    }
    %scan3A_25 = arith.constant 79 : i32
    %barrier3A_26 = arith.constant 0 : index
    tpu.barrier barrier_id(%barrier3A_26)
    "tpu.region"() ({
      %run_scoped3A = tpu.sem_alloc : memref<!tpu.dma_semaphore, #tpu.memory_space<semaphore_mem>>
      %dma_start3A = arith.constant 0 : i32
      %dma_start3A_27 = tpu.memref_slice %arg5[%arg0, %mul3A_2, %dma_start3A] : memref<2x10240x128xf32, #tpu.memory_space<hbm>> -> memref<1x640x128xf32, #tpu.memory_space<hbm>>
      %dma_start3A_28 = tpu.memref_squeeze %dma_start3A_27 : memref<1x640x128xf32, #tpu.memory_space<hbm>> -> memref<640x128xf32, #tpu.memory_space<hbm>>
      %dma_start3A_29 = arith.constant 0 : i32
      %dma_start3A_30 = tpu.memref_slice %arg9[%mul3A_2, %dma_start3A_29] : memref<10240x128xf32, #tpu.memory_space<vmem_shared>> -> memref<640x128xf32, #tpu.memory_space<vmem_shared>>
      tpu.enqueue_dma source(%dma_start3A_30 : memref<640x128xf32, #tpu.memory_space<vmem_shared>>) target(%dma_start3A_28 : memref<640x128xf32, #tpu.memory_space<hbm>>) target_semaphore(%run_scoped3A : memref<!tpu.dma_semaphore, #tpu.memory_space<semaphore_mem>>)
      %dma_wait3A = arith.constant 0 : i32
      %dma_wait3A_31 = tpu.memref_slice %arg5[%arg0, %mul3A_2, %dma_wait3A] : memref<2x10240x128xf32, #tpu.memory_space<hbm>> -> memref<1x640x128xf32, #tpu.memory_space<hbm>>
      %dma_wait3A_32 = tpu.memref_squeeze %dma_wait3A_31 : memref<1x640x128xf32, #tpu.memory_space<hbm>> -> memref<640x128xf32, #tpu.memory_space<hbm>>
      %dma_wait3A_33 = arith.constant 0 : i32
      %dma_wait3A_34 = tpu.memref_slice %arg9[%mul3A_2, %dma_wait3A_33] : memref<10240x128xf32, #tpu.memory_space<vmem_shared>> -> memref<640x128xf32, #tpu.memory_space<vmem_shared>>
      tpu.wait_dma2 semaphore(%run_scoped3A : memref<!tpu.dma_semaphore, #tpu.memory_space<semaphore_mem>>) src(%dma_wait3A_34 : memref<640x128xf32, #tpu.memory_space<vmem_shared>>) dst(%dma_wait3A_32 : memref<640x128xf32, #tpu.memory_space<hbm>>)
      tpu.yield
    }) : () -> ()
    return
  }
}

#map = affine_map<(d0, d1) -> (0)>
#map1 = affine_map<(d0, d1) -> (0, 0)>
module attributes {stable_mosaic.version = 14 : i64} {
  func.func @_sc_counts(%arg0: i32, %arg1: i32, %arg2: memref<320000xi32, #tpu.memory_space<hbm>>, %arg3: memref<320000xi32, #tpu.memory_space<hbm>>, %arg4: memref<32x81920xf32, #tpu.memory_space<hbm>>, %arg5: memref<81920xf32, #tpu.memory_space<vmem>>, %arg6: memref<128xi32, #tpu.memory_space<vmem>>, %arg7: memref<128xi32, #tpu.memory_space<vmem>>, %arg8: memref<!tpu.dma_semaphore, #tpu.memory_space<semaphore_mem>>) attributes {dimension_semantics = [#tpu.dimension_semantics<core_parallel>, #tpu.dimension_semantics<subcore_parallel>], iteration_bounds = array<i64: 2, 16>, scalar_prefetch = 0 : i64, scratch_operands = 4 : i64, tpu.core_type = #tpu.core_type<sc_vector_subcore>, window_params = [{transform_indices = #map}, {transform_indices = #map}, {transform_indices = #map1}]} {
    %mul3A = arith.constant 2 : i32
    %mul3A_0 = arith.muli %arg1, %mul3A : i32
    %add3A = arith.addi %mul3A_0, %arg0 : i32
    %scan3A = arith.constant 0 : i32
    %scan3A_1 = arith.constant 0 : i32
    %scan3A_2 = arith.constant 5120 : i32
    %scan3A_3 = arith.addi %scan3A_1, %scan3A_2 : i32
    %scan3A_4 = arith.constant 1 : i32
    %scan3A_5 = scf.for %scan3A_15 = %scan3A_1 to %scan3A_3 step %scan3A_4 iter_args(%scan3A_16 = %scan3A) -> (i32)  : i32 {
      %broadcast_in_dim3A_17 = arith.constant 0.000000e+00 : f32
      %broadcast_in_dim3A_18 = vector.broadcast %broadcast_in_dim3A_17 : f32 to vector<16xf32>
      %mul3A_19 = arith.constant 16 : i32
      %mul3A_20 = arith.muli %scan3A_15, %mul3A_19 : i32
      %swap3A = arith.index_cast %mul3A_20 : i32 to index
      %swap3A_21 = tpu.vector_load %arg5[%swap3A] {strides = array<i32>} : memref<81920xf32, #tpu.memory_space<vmem>>, vector<16xf32>,
      tpu.vector_store %arg5[%swap3A], %broadcast_in_dim3A_18 {strides = array<i32>} : memref<81920xf32, #tpu.memory_space<vmem>>, vector<16xf32>,
      %scan3A_22 = arith.constant 0 : i32
      scf.yield %scan3A_22 : i32
    }
    %scan3A_6 = arith.constant 5120 : i32
    %broadcast_in_dim3A = arith.constant 1.000000e+00 : f32
    %broadcast_in_dim3A_7 = vector.broadcast %broadcast_in_dim3A : f32 to vector<16xf32>
    %scan3A_8 = arith.constant 0 : i32
    %scan3A_9 = arith.constant 0 : i32
    %scan3A_10 = arith.constant 79 : i32
    %scan3A_11 = arith.addi %scan3A_9, %scan3A_10 : i32
    %scan3A_12 = arith.constant 1 : i32
    %scan3A_13 = scf.for %scan3A_15 = %scan3A_9 to %scan3A_11 step %scan3A_12 iter_args(%scan3A_16 = %scan3A_8) -> (i32)  : i32 {
      %mul3A_17 = arith.constant 32 : i32
      %mul3A_18 = arith.muli %scan3A_15, %mul3A_17 : i32
      %add3A_19 = arith.addi %add3A, %mul3A_18 : i32
      %lt3A = arith.constant 2500 : i32
      %lt3A_20 = arith.cmpi slt, %add3A_19, %lt3A : i32
      %convert_element_type3A = arith.extui %lt3A_20 : i1 to i32
      %cond3A = arith.constant 0 : i32
      %cond3A_21 = arith.cmpi ne, %convert_element_type3A, %cond3A : i32
      scf.if %cond3A_21 {
        %mul3A_23 = arith.constant 128 : i32
        %mul3A_24 = arith.muli %add3A_19, %mul3A_23 : i32
        %dma_start3A = tpu.memref_slice %arg2[%mul3A_24] : memref<320000xi32, #tpu.memory_space<hbm>> -> memref<128xi32, #tpu.memory_space<hbm>>
        %dma_start3A_25 = tpu.memref_slice %arg2[%mul3A_24] : memref<320000xi32, #tpu.memory_space<hbm>> -> memref<128xi32, #tpu.memory_space<hbm>>
        tpu.enqueue_dma source(%dma_start3A_25 : memref<128xi32, #tpu.memory_space<hbm>>) target(%arg6 : memref<128xi32, #tpu.memory_space<vmem>>) target_semaphore(%arg8 : memref<!tpu.dma_semaphore, #tpu.memory_space<semaphore_mem>>)
        %dma_start3A_26 = tpu.memref_slice %arg3[%mul3A_24] : memref<320000xi32, #tpu.memory_space<hbm>> -> memref<128xi32, #tpu.memory_space<hbm>>
        %dma_start3A_27 = tpu.memref_slice %arg3[%mul3A_24] : memref<320000xi32, #tpu.memory_space<hbm>> -> memref<128xi32, #tpu.memory_space<hbm>>
        tpu.enqueue_dma source(%dma_start3A_27 : memref<128xi32, #tpu.memory_space<hbm>>) target(%arg7 : memref<128xi32, #tpu.memory_space<vmem>>) target_semaphore(%arg8 : memref<!tpu.dma_semaphore, #tpu.memory_space<semaphore_mem>>)
        %dma_wait3A = tpu.memref_slice %arg2[%mul3A_24] : memref<320000xi32, #tpu.memory_space<hbm>> -> memref<128xi32, #tpu.memory_space<hbm>>
        %dma_wait3A_28 = tpu.memref_slice %arg2[%mul3A_24] : memref<320000xi32, #tpu.memory_space<hbm>> -> memref<128xi32, #tpu.memory_space<hbm>>
        tpu.wait_dma2 semaphore(%arg8 : memref<!tpu.dma_semaphore, #tpu.memory_space<semaphore_mem>>) src(%dma_wait3A_28 : memref<128xi32, #tpu.memory_space<hbm>>) dst(%arg6 : memref<128xi32, #tpu.memory_space<vmem>>)
        %dma_wait3A_29 = tpu.memref_slice %arg3[%mul3A_24] : memref<320000xi32, #tpu.memory_space<hbm>> -> memref<128xi32, #tpu.memory_space<hbm>>
        %dma_wait3A_30 = tpu.memref_slice %arg3[%mul3A_24] : memref<320000xi32, #tpu.memory_space<hbm>> -> memref<128xi32, #tpu.memory_space<hbm>>
        tpu.wait_dma2 semaphore(%arg8 : memref<!tpu.dma_semaphore, #tpu.memory_space<semaphore_mem>>) src(%dma_wait3A_30 : memref<128xi32, #tpu.memory_space<hbm>>) dst(%arg7 : memref<128xi32, #tpu.memory_space<vmem>>)
        %get3A = arith.constant 0 : index
        %get3A_31 = tpu.vector_load %arg6[%get3A] {strides = array<i32>} : memref<128xi32, #tpu.memory_space<vmem>>, vector<16xi32>,
        %get3A_32 = arith.constant 0 : index
        %get3A_33 = tpu.vector_load %arg7[%get3A_32] {strides = array<i32>} : memref<128xi32, #tpu.memory_space<vmem>>, vector<16xi32>,
        %mul3A_34 = arith.constant 8 : i32
        %mul3A_35 = vector.broadcast %mul3A_34 : i32 to vector<16xi32>
        %mul3A_36 = arith.muli %get3A_31, %mul3A_35 : vector<16xi32>
        %add3A_37 = arith.addi %mul3A_36, %get3A_33 : vector<16xi32>
        tpu.vector_store_idx %arg5[%add3A_37], %broadcast_in_dim3A_7 {add = true} : memref<81920xf32, #tpu.memory_space<vmem>>[vector<16xi32>], vector<16xf32>,
        %get3A_38 = arith.constant 16 : index
        %get3A_39 = tpu.vector_load %arg6[%get3A_38] {strides = array<i32>} : memref<128xi32, #tpu.memory_space<vmem>>, vector<16xi32>,
        %get3A_40 = arith.constant 16 : index
        %get3A_41 = tpu.vector_load %arg7[%get3A_40] {strides = array<i32>} : memref<128xi32, #tpu.memory_space<vmem>>, vector<16xi32>,
        %mul3A_42 = arith.constant 8 : i32
        %mul3A_43 = vector.broadcast %mul3A_42 : i32 to vector<16xi32>
        %mul3A_44 = arith.muli %get3A_39, %mul3A_43 : vector<16xi32>
        %add3A_45 = arith.addi %mul3A_44, %get3A_41 : vector<16xi32>
        tpu.vector_store_idx %arg5[%add3A_45], %broadcast_in_dim3A_7 {add = true} : memref<81920xf32, #tpu.memory_space<vmem>>[vector<16xi32>], vector<16xf32>,
        %get3A_46 = arith.constant 32 : index
        %get3A_47 = tpu.vector_load %arg6[%get3A_46] {strides = array<i32>} : memref<128xi32, #tpu.memory_space<vmem>>, vector<16xi32>,
        %get3A_48 = arith.constant 32 : index
        %get3A_49 = tpu.vector_load %arg7[%get3A_48] {strides = array<i32>} : memref<128xi32, #tpu.memory_space<vmem>>, vector<16xi32>,
        %mul3A_50 = arith.constant 8 : i32
        %mul3A_51 = vector.broadcast %mul3A_50 : i32 to vector<16xi32>
        %mul3A_52 = arith.muli %get3A_47, %mul3A_51 : vector<16xi32>
        %add3A_53 = arith.addi %mul3A_52, %get3A_49 : vector<16xi32>
        tpu.vector_store_idx %arg5[%add3A_53], %broadcast_in_dim3A_7 {add = true} : memref<81920xf32, #tpu.memory_space<vmem>>[vector<16xi32>], vector<16xf32>,
        %get3A_54 = arith.constant 48 : index
        %get3A_55 = tpu.vector_load %arg6[%get3A_54] {strides = array<i32>} : memref<128xi32, #tpu.memory_space<vmem>>, vector<16xi32>,
        %get3A_56 = arith.constant 48 : index
        %get3A_57 = tpu.vector_load %arg7[%get3A_56] {strides = array<i32>} : memref<128xi32, #tpu.memory_space<vmem>>, vector<16xi32>,
        %mul3A_58 = arith.constant 8 : i32
        %mul3A_59 = vector.broadcast %mul3A_58 : i32 to vector<16xi32>
        %mul3A_60 = arith.muli %get3A_55, %mul3A_59 : vector<16xi32>
        %add3A_61 = arith.addi %mul3A_60, %get3A_57 : vector<16xi32>
        tpu.vector_store_idx %arg5[%add3A_61], %broadcast_in_dim3A_7 {add = true} : memref<81920xf32, #tpu.memory_space<vmem>>[vector<16xi32>], vector<16xf32>,
        %get3A_62 = arith.constant 64 : index
        %get3A_63 = tpu.vector_load %arg6[%get3A_62] {strides = array<i32>} : memref<128xi32, #tpu.memory_space<vmem>>, vector<16xi32>,
        %get3A_64 = arith.constant 64 : index
        %get3A_65 = tpu.vector_load %arg7[%get3A_64] {strides = array<i32>} : memref<128xi32, #tpu.memory_space<vmem>>, vector<16xi32>,
        %mul3A_66 = arith.constant 8 : i32
        %mul3A_67 = vector.broadcast %mul3A_66 : i32 to vector<16xi32>
        %mul3A_68 = arith.muli %get3A_63, %mul3A_67 : vector<16xi32>
        %add3A_69 = arith.addi %mul3A_68, %get3A_65 : vector<16xi32>
        tpu.vector_store_idx %arg5[%add3A_69], %broadcast_in_dim3A_7 {add = true} : memref<81920xf32, #tpu.memory_space<vmem>>[vector<16xi32>], vector<16xf32>,
        %get3A_70 = arith.constant 80 : index
        %get3A_71 = tpu.vector_load %arg6[%get3A_70] {strides = array<i32>} : memref<128xi32, #tpu.memory_space<vmem>>, vector<16xi32>,
        %get3A_72 = arith.constant 80 : index
        %get3A_73 = tpu.vector_load %arg7[%get3A_72] {strides = array<i32>} : memref<128xi32, #tpu.memory_space<vmem>>, vector<16xi32>,
        %mul3A_74 = arith.constant 8 : i32
        %mul3A_75 = vector.broadcast %mul3A_74 : i32 to vector<16xi32>
        %mul3A_76 = arith.muli %get3A_71, %mul3A_75 : vector<16xi32>
        %add3A_77 = arith.addi %mul3A_76, %get3A_73 : vector<16xi32>
        tpu.vector_store_idx %arg5[%add3A_77], %broadcast_in_dim3A_7 {add = true} : memref<81920xf32, #tpu.memory_space<vmem>>[vector<16xi32>], vector<16xf32>,
        %get3A_78 = arith.constant 96 : index
        %get3A_79 = tpu.vector_load %arg6[%get3A_78] {strides = array<i32>} : memref<128xi32, #tpu.memory_space<vmem>>, vector<16xi32>,
        %get3A_80 = arith.constant 96 : index
        %get3A_81 = tpu.vector_load %arg7[%get3A_80] {strides = array<i32>} : memref<128xi32, #tpu.memory_space<vmem>>, vector<16xi32>,
        %mul3A_82 = arith.constant 8 : i32
        %mul3A_83 = vector.broadcast %mul3A_82 : i32 to vector<16xi32>
        %mul3A_84 = arith.muli %get3A_79, %mul3A_83 : vector<16xi32>
        %add3A_85 = arith.addi %mul3A_84, %get3A_81 : vector<16xi32>
        tpu.vector_store_idx %arg5[%add3A_85], %broadcast_in_dim3A_7 {add = true} : memref<81920xf32, #tpu.memory_space<vmem>>[vector<16xi32>], vector<16xf32>,
        %get3A_86 = arith.constant 112 : index
        %get3A_87 = tpu.vector_load %arg6[%get3A_86] {strides = array<i32>} : memref<128xi32, #tpu.memory_space<vmem>>, vector<16xi32>,
        %get3A_88 = arith.constant 112 : index
        %get3A_89 = tpu.vector_load %arg7[%get3A_88] {strides = array<i32>} : memref<128xi32, #tpu.memory_space<vmem>>, vector<16xi32>,
        %mul3A_90 = arith.constant 8 : i32
        %mul3A_91 = vector.broadcast %mul3A_90 : i32 to vector<16xi32>
        %mul3A_92 = arith.muli %get3A_87, %mul3A_91 : vector<16xi32>
        %add3A_93 = arith.addi %mul3A_92, %get3A_89 : vector<16xi32>
        tpu.vector_store_idx %arg5[%add3A_93], %broadcast_in_dim3A_7 {add = true} : memref<81920xf32, #tpu.memory_space<vmem>>[vector<16xi32>], vector<16xf32>,
      } else {
      }
      %scan3A_22 = arith.constant 0 : i32
      scf.yield %scan3A_22 : i32
    }
    %scan3A_14 = arith.constant 79 : i32
    "tpu.region"() ({
      %run_scoped3A = tpu.sem_alloc : memref<!tpu.dma_semaphore, #tpu.memory_space<semaphore_mem>>
      %dma_start3A = arith.constant 0 : i32
      %dma_start3A_15 = tpu.memref_slice %arg4[%add3A, %dma_start3A] : memref<32x81920xf32, #tpu.memory_space<hbm>> -> memref<1x81920xf32, #tpu.memory_space<hbm>>
      %dma_start3A_16 = tpu.memref_squeeze %dma_start3A_15 : memref<1x81920xf32, #tpu.memory_space<hbm>> -> memref<81920xf32, #tpu.memory_space<hbm>>
      %dma_start3A_17 = arith.constant 0 : i32
      %dma_start3A_18 = tpu.memref_slice %arg4[%add3A, %dma_start3A_17] : memref<32x81920xf32, #tpu.memory_space<hbm>> -> memref<1x81920xf32, #tpu.memory_space<hbm>>
      %dma_start3A_19 = tpu.memref_squeeze %dma_start3A_18 : memref<1x81920xf32, #tpu.memory_space<hbm>> -> memref<81920xf32, #tpu.memory_space<hbm>>
      tpu.enqueue_dma source(%arg5 : memref<81920xf32, #tpu.memory_space<vmem>>) target(%dma_start3A_19 : memref<81920xf32, #tpu.memory_space<hbm>>) target_semaphore(%run_scoped3A : memref<!tpu.dma_semaphore, #tpu.memory_space<semaphore_mem>>)
      %dma_wait3A = arith.constant 0 : i32
      %dma_wait3A_20 = tpu.memref_slice %arg4[%add3A, %dma_wait3A] : memref<32x81920xf32, #tpu.memory_space<hbm>> -> memref<1x81920xf32, #tpu.memory_space<hbm>>
      %dma_wait3A_21 = tpu.memref_squeeze %dma_wait3A_20 : memref<1x81920xf32, #tpu.memory_space<hbm>> -> memref<81920xf32, #tpu.memory_space<hbm>>
      %dma_wait3A_22 = arith.constant 0 : i32
      %dma_wait3A_23 = tpu.memref_slice %arg4[%add3A, %dma_wait3A_22] : memref<32x81920xf32, #tpu.memory_space<hbm>> -> memref<1x81920xf32, #tpu.memory_space<hbm>>
      %dma_wait3A_24 = tpu.memref_squeeze %dma_wait3A_23 : memref<1x81920xf32, #tpu.memory_space<hbm>> -> memref<81920xf32, #tpu.memory_space<hbm>>
      tpu.wait_dma2 semaphore(%run_scoped3A : memref<!tpu.dma_semaphore, #tpu.memory_space<semaphore_mem>>) src(%arg5 : memref<81920xf32, #tpu.memory_space<vmem>>) dst(%dma_wait3A_24 : memref<81920xf32, #tpu.memory_space<hbm>>)
      tpu.yield
    }) : () -> ()
    return
  }
}

#map = affine_map<(d0, d1) -> (0)>
#map1 = affine_map<(d0, d1) -> (0, 0)>
#map2 = affine_map<(d0, d1) -> (0, 0, 0)>
module attributes {stable_mosaic.version = 14 : i64} {
  func.func @_sc_main(%arg0: i32, %arg1: i32, %arg2: memref<320000xi32, #tpu.memory_space<hbm>>, %arg3: memref<320000xi32, #tpu.memory_space<hbm>>, %arg4: memref<320000xi32, #tpu.memory_space<hbm>>, %arg5: memref<81920x128xf32, #tpu.memory_space<hbm>>, %arg6: memref<320000xf32, #tpu.memory_space<hbm>>, %arg7: memref<2x10240x128xf32, #tpu.memory_space<hbm>>, %arg8: memref<128x128xf32, #tpu.memory_space<vmem>>, %arg9: memref<128xi32, #tpu.memory_space<vmem>>, %arg10: memref<128xi32, #tpu.memory_space<vmem>>, %arg11: memref<128xi32, #tpu.memory_space<vmem>>, %arg12: memref<128xi32, #tpu.memory_space<vmem>>, %arg13: memref<128xf32, #tpu.memory_space<vmem>>, %arg14: memref<10240x128xf32, #tpu.memory_space<vmem_shared>>, %arg15: memref<!tpu.dma_semaphore, #tpu.memory_space<semaphore_mem>>) attributes {dimension_semantics = [#tpu.dimension_semantics<core_parallel>, #tpu.dimension_semantics<subcore_parallel>], iteration_bounds = array<i64: 2, 16>, scalar_prefetch = 0 : i64, scratch_operands = 8 : i64, tpu.core_type = #tpu.core_type<sc_vector_subcore>, window_params = [{transform_indices = #map}, {transform_indices = #map}, {transform_indices = #map}, {transform_indices = #map1}, {transform_indices = #map}, {transform_indices = #map2}]} {
    %mul3A = arith.constant 2 : i32
    %mul3A_0 = arith.muli %arg1, %mul3A : i32
    %add3A = arith.addi %mul3A_0, %arg0 : i32
    %mul3A_1 = arith.constant 640 : i32
    %mul3A_2 = arith.muli %arg1, %mul3A_1 : i32
    %scan3A = arith.constant 0 : i32
    %scan3A_3 = arith.constant 0 : i32
    %scan3A_4 = arith.constant 128 : i32
    %scan3A_5 = arith.addi %scan3A_3, %scan3A_4 : i32
    %scan3A_6 = arith.constant 1 : i32
    %scan3A_7 = scf.for %scan3A_27 = %scan3A_3 to %scan3A_5 step %scan3A_6 iter_args(%scan3A_28 = %scan3A) -> (i32)  : i32 {
      %broadcast_in_dim3A = arith.constant 0.000000e+00 : f32
      %broadcast_in_dim3A_29 = vector.broadcast %broadcast_in_dim3A : f32 to vector<16xf32>
      %swap3A = arith.index_cast %scan3A_27 : i32 to index
      %swap3A_30 = arith.constant 0 : index
      %swap3A_31 = tpu.vector_load %arg8[%swap3A, %swap3A_30] {strides = array<i32>} : memref<128x128xf32, #tpu.memory_space<vmem>>, vector<16xf32>,
      tpu.vector_store %arg8[%swap3A, %swap3A_30], %broadcast_in_dim3A_29 {strides = array<i32>} : memref<128x128xf32, #tpu.memory_space<vmem>>, vector<16xf32>,
      %broadcast_in_dim3A_32 = arith.constant 0.000000e+00 : f32
      %broadcast_in_dim3A_33 = vector.broadcast %broadcast_in_dim3A_32 : f32 to vector<16xf32>
      %swap3A_34 = arith.index_cast %scan3A_27 : i32 to index
      %swap3A_35 = arith.constant 16 : index
      %swap3A_36 = tpu.vector_load %arg8[%swap3A_34, %swap3A_35] {strides = array<i32>} : memref<128x128xf32, #tpu.memory_space<vmem>>, vector<16xf32>,
      tpu.vector_store %arg8[%swap3A_34, %swap3A_35], %broadcast_in_dim3A_33 {strides = array<i32>} : memref<128x128xf32, #tpu.memory_space<vmem>>, vector<16xf32>,
      %broadcast_in_dim3A_37 = arith.constant 0.000000e+00 : f32
      %broadcast_in_dim3A_38 = vector.broadcast %broadcast_in_dim3A_37 : f32 to vector<16xf32>
      %swap3A_39 = arith.index_cast %scan3A_27 : i32 to index
      %swap3A_40 = arith.constant 32 : index
      %swap3A_41 = tpu.vector_load %arg8[%swap3A_39, %swap3A_40] {strides = array<i32>} : memref<128x128xf32, #tpu.memory_space<vmem>>, vector<16xf32>,
      tpu.vector_store %arg8[%swap3A_39, %swap3A_40], %broadcast_in_dim3A_38 {strides = array<i32>} : memref<128x128xf32, #tpu.memory_space<vmem>>, vector<16xf32>,
      %broadcast_in_dim3A_42 = arith.constant 0.000000e+00 : f32
      %broadcast_in_dim3A_43 = vector.broadcast %broadcast_in_dim3A_42 : f32 to vector<16xf32>
      %swap3A_44 = arith.index_cast %scan3A_27 : i32 to index
      %swap3A_45 = arith.constant 48 : index
      %swap3A_46 = tpu.vector_load %arg8[%swap3A_44, %swap3A_45] {strides = array<i32>} : memref<128x128xf32, #tpu.memory_space<vmem>>, vector<16xf32>,
      tpu.vector_store %arg8[%swap3A_44, %swap3A_45], %broadcast_in_dim3A_43 {strides = array<i32>} : memref<128x128xf32, #tpu.memory_space<vmem>>, vector<16xf32>,
      %broadcast_in_dim3A_47 = arith.constant 0.000000e+00 : f32
      %broadcast_in_dim3A_48 = vector.broadcast %broadcast_in_dim3A_47 : f32 to vector<16xf32>
      %swap3A_49 = arith.index_cast %scan3A_27 : i32 to index
      %swap3A_50 = arith.constant 64 : index
      %swap3A_51 = tpu.vector_load %arg8[%swap3A_49, %swap3A_50] {strides = array<i32>} : memref<128x128xf32, #tpu.memory_space<vmem>>, vector<16xf32>,
      tpu.vector_store %arg8[%swap3A_49, %swap3A_50], %broadcast_in_dim3A_48 {strides = array<i32>} : memref<128x128xf32, #tpu.memory_space<vmem>>, vector<16xf32>,
      %broadcast_in_dim3A_52 = arith.constant 0.000000e+00 : f32
      %broadcast_in_dim3A_53 = vector.broadcast %broadcast_in_dim3A_52 : f32 to vector<16xf32>
      %swap3A_54 = arith.index_cast %scan3A_27 : i32 to index
      %swap3A_55 = arith.constant 80 : index
      %swap3A_56 = tpu.vector_load %arg8[%swap3A_54, %swap3A_55] {strides = array<i32>} : memref<128x128xf32, #tpu.memory_space<vmem>>, vector<16xf32>,
      tpu.vector_store %arg8[%swap3A_54, %swap3A_55], %broadcast_in_dim3A_53 {strides = array<i32>} : memref<128x128xf32, #tpu.memory_space<vmem>>, vector<16xf32>,
      %broadcast_in_dim3A_57 = arith.constant 0.000000e+00 : f32
      %broadcast_in_dim3A_58 = vector.broadcast %broadcast_in_dim3A_57 : f32 to vector<16xf32>
      %swap3A_59 = arith.index_cast %scan3A_27 : i32 to index
      %swap3A_60 = arith.constant 96 : index
      %swap3A_61 = tpu.vector_load %arg8[%swap3A_59, %swap3A_60] {strides = array<i32>} : memref<128x128xf32, #tpu.memory_space<vmem>>, vector<16xf32>,
      tpu.vector_store %arg8[%swap3A_59, %swap3A_60], %broadcast_in_dim3A_58 {strides = array<i32>} : memref<128x128xf32, #tpu.memory_space<vmem>>, vector<16xf32>,
      %broadcast_in_dim3A_62 = arith.constant 0.000000e+00 : f32
      %broadcast_in_dim3A_63 = vector.broadcast %broadcast_in_dim3A_62 : f32 to vector<16xf32>
      %swap3A_64 = arith.index_cast %scan3A_27 : i32 to index
      %swap3A_65 = arith.constant 112 : index
      %swap3A_66 = tpu.vector_load %arg8[%swap3A_64, %swap3A_65] {strides = array<i32>} : memref<128x128xf32, #tpu.memory_space<vmem>>, vector<16xf32>,
      tpu.vector_store %arg8[%swap3A_64, %swap3A_65], %broadcast_in_dim3A_63 {strides = array<i32>} : memref<128x128xf32, #tpu.memory_space<vmem>>, vector<16xf32>,
      %scan3A_67 = arith.constant 0 : i32
      scf.yield %scan3A_67 : i32
    }
    %scan3A_8 = arith.constant 128 : i32
    %add3A_9 = arith.constant 0 : i32
    %add3A_10 = arith.addi %mul3A_2, %add3A_9 : i32
    "tpu.region"() ({
      %run_scoped3A = tpu.sem_alloc : memref<!tpu.dma_semaphore, #tpu.memory_space<semaphore_mem>>
      %dma_start3A = arith.constant 0 : i32
      %dma_start3A_27 = tpu.memref_slice %arg14[%add3A_10, %dma_start3A] : memref<10240x128xf32, #tpu.memory_space<vmem_shared>> -> memref<128x128xf32, #tpu.memory_space<vmem_shared>>
      %dma_start3A_28 = arith.constant 0 : i32
      %dma_start3A_29 = tpu.memref_slice %arg14[%add3A_10, %dma_start3A_28] : memref<10240x128xf32, #tpu.memory_space<vmem_shared>> -> memref<128x128xf32, #tpu.memory_space<vmem_shared>>
      tpu.enqueue_dma source(%arg8 : memref<128x128xf32, #tpu.memory_space<vmem>>) target(%dma_start3A_29 : memref<128x128xf32, #tpu.memory_space<vmem_shared>>) target_semaphore(%run_scoped3A : memref<!tpu.dma_semaphore, #tpu.memory_space<semaphore_mem>>)
      %dma_wait3A = arith.constant 0 : i32
      %dma_wait3A_30 = tpu.memref_slice %arg14[%add3A_10, %dma_wait3A] : memref<10240x128xf32, #tpu.memory_space<vmem_shared>> -> memref<128x128xf32, #tpu.memory_space<vmem_shared>>
      %dma_wait3A_31 = arith.constant 0 : i32
      %dma_wait3A_32 = tpu.memref_slice %arg14[%add3A_10, %dma_wait3A_31] : memref<10240x128xf32, #tpu.memory_space<vmem_shared>> -> memref<128x128xf32, #tpu.memory_space<vmem_shared>>
      tpu.wait_dma2 semaphore(%run_scoped3A : memref<!tpu.dma_semaphore, #tpu.memory_space<semaphore_mem>>) src(%arg8 : memref<128x128xf32, #tpu.memory_space<vmem>>) dst(%dma_wait3A_32 : memref<128x128xf32, #tpu.memory_space<vmem_shared>>)
      tpu.yield
    }) : () -> ()
    %add3A_11 = arith.constant 128 : i32
    %add3A_12 = arith.addi %mul3A_2, %add3A_11 : i32
    "tpu.region"() ({
      %run_scoped3A = tpu.sem_alloc : memref<!tpu.dma_semaphore, #tpu.memory_space<semaphore_mem>>
      %dma_start3A = arith.constant 0 : i32
      %dma_start3A_27 = tpu.memref_slice %arg14[%add3A_12, %dma_start3A] : memref<10240x128xf32, #tpu.memory_space<vmem_shared>> -> memref<128x128xf32, #tpu.memory_space<vmem_shared>>
      %dma_start3A_28 = arith.constant 0 : i32
      %dma_start3A_29 = tpu.memref_slice %arg14[%add3A_12, %dma_start3A_28] : memref<10240x128xf32, #tpu.memory_space<vmem_shared>> -> memref<128x128xf32, #tpu.memory_space<vmem_shared>>
      tpu.enqueue_dma source(%arg8 : memref<128x128xf32, #tpu.memory_space<vmem>>) target(%dma_start3A_29 : memref<128x128xf32, #tpu.memory_space<vmem_shared>>) target_semaphore(%run_scoped3A : memref<!tpu.dma_semaphore, #tpu.memory_space<semaphore_mem>>)
      %dma_wait3A = arith.constant 0 : i32
      %dma_wait3A_30 = tpu.memref_slice %arg14[%add3A_12, %dma_wait3A] : memref<10240x128xf32, #tpu.memory_space<vmem_shared>> -> memref<128x128xf32, #tpu.memory_space<vmem_shared>>
      %dma_wait3A_31 = arith.constant 0 : i32
      %dma_wait3A_32 = tpu.memref_slice %arg14[%add3A_12, %dma_wait3A_31] : memref<10240x128xf32, #tpu.memory_space<vmem_shared>> -> memref<128x128xf32, #tpu.memory_space<vmem_shared>>
      tpu.wait_dma2 semaphore(%run_scoped3A : memref<!tpu.dma_semaphore, #tpu.memory_space<semaphore_mem>>) src(%arg8 : memref<128x128xf32, #tpu.memory_space<vmem>>) dst(%dma_wait3A_32 : memref<128x128xf32, #tpu.memory_space<vmem_shared>>)
      tpu.yield
    }) : () -> ()
    %add3A_13 = arith.constant 256 : i32
    %add3A_14 = arith.addi %mul3A_2, %add3A_13 : i32
    "tpu.region"() ({
      %run_scoped3A = tpu.sem_alloc : memref<!tpu.dma_semaphore, #tpu.memory_space<semaphore_mem>>
      %dma_start3A = arith.constant 0 : i32
      %dma_start3A_27 = tpu.memref_slice %arg14[%add3A_14, %dma_start3A] : memref<10240x128xf32, #tpu.memory_space<vmem_shared>> -> memref<128x128xf32, #tpu.memory_space<vmem_shared>>
      %dma_start3A_28 = arith.constant 0 : i32
      %dma_start3A_29 = tpu.memref_slice %arg14[%add3A_14, %dma_start3A_28] : memref<10240x128xf32, #tpu.memory_space<vmem_shared>> -> memref<128x128xf32, #tpu.memory_space<vmem_shared>>
      tpu.enqueue_dma source(%arg8 : memref<128x128xf32, #tpu.memory_space<vmem>>) target(%dma_start3A_29 : memref<128x128xf32, #tpu.memory_space<vmem_shared>>) target_semaphore(%run_scoped3A : memref<!tpu.dma_semaphore, #tpu.memory_space<semaphore_mem>>)
      %dma_wait3A = arith.constant 0 : i32
      %dma_wait3A_30 = tpu.memref_slice %arg14[%add3A_14, %dma_wait3A] : memref<10240x128xf32, #tpu.memory_space<vmem_shared>> -> memref<128x128xf32, #tpu.memory_space<vmem_shared>>
      %dma_wait3A_31 = arith.constant 0 : i32
      %dma_wait3A_32 = tpu.memref_slice %arg14[%add3A_14, %dma_wait3A_31] : memref<10240x128xf32, #tpu.memory_space<vmem_shared>> -> memref<128x128xf32, #tpu.memory_space<vmem_shared>>
      tpu.wait_dma2 semaphore(%run_scoped3A : memref<!tpu.dma_semaphore, #tpu.memory_space<semaphore_mem>>) src(%arg8 : memref<128x128xf32, #tpu.memory_space<vmem>>) dst(%dma_wait3A_32 : memref<128x128xf32, #tpu.memory_space<vmem_shared>>)
      tpu.yield
    }) : () -> ()
    %add3A_15 = arith.constant 384 : i32
    %add3A_16 = arith.addi %mul3A_2, %add3A_15 : i32
    "tpu.region"() ({
      %run_scoped3A = tpu.sem_alloc : memref<!tpu.dma_semaphore, #tpu.memory_space<semaphore_mem>>
      %dma_start3A = arith.constant 0 : i32
      %dma_start3A_27 = tpu.memref_slice %arg14[%add3A_16, %dma_start3A] : memref<10240x128xf32, #tpu.memory_space<vmem_shared>> -> memref<128x128xf32, #tpu.memory_space<vmem_shared>>
      %dma_start3A_28 = arith.constant 0 : i32
      %dma_start3A_29 = tpu.memref_slice %arg14[%add3A_16, %dma_start3A_28] : memref<10240x128xf32, #tpu.memory_space<vmem_shared>> -> memref<128x128xf32, #tpu.memory_space<vmem_shared>>
      tpu.enqueue_dma source(%arg8 : memref<128x128xf32, #tpu.memory_space<vmem>>) target(%dma_start3A_29 : memref<128x128xf32, #tpu.memory_space<vmem_shared>>) target_semaphore(%run_scoped3A : memref<!tpu.dma_semaphore, #tpu.memory_space<semaphore_mem>>)
      %dma_wait3A = arith.constant 0 : i32
      %dma_wait3A_30 = tpu.memref_slice %arg14[%add3A_16, %dma_wait3A] : memref<10240x128xf32, #tpu.memory_space<vmem_shared>> -> memref<128x128xf32, #tpu.memory_space<vmem_shared>>
      %dma_wait3A_31 = arith.constant 0 : i32
      %dma_wait3A_32 = tpu.memref_slice %arg14[%add3A_16, %dma_wait3A_31] : memref<10240x128xf32, #tpu.memory_space<vmem_shared>> -> memref<128x128xf32, #tpu.memory_space<vmem_shared>>
      tpu.wait_dma2 semaphore(%run_scoped3A : memref<!tpu.dma_semaphore, #tpu.memory_space<semaphore_mem>>) src(%arg8 : memref<128x128xf32, #tpu.memory_space<vmem>>) dst(%dma_wait3A_32 : memref<128x128xf32, #tpu.memory_space<vmem_shared>>)
      tpu.yield
    }) : () -> ()
    %add3A_17 = arith.constant 512 : i32
    %add3A_18 = arith.addi %mul3A_2, %add3A_17 : i32
    "tpu.region"() ({
      %run_scoped3A = tpu.sem_alloc : memref<!tpu.dma_semaphore, #tpu.memory_space<semaphore_mem>>
      %dma_start3A = arith.constant 0 : i32
      %dma_start3A_27 = tpu.memref_slice %arg14[%add3A_18, %dma_start3A] : memref<10240x128xf32, #tpu.memory_space<vmem_shared>> -> memref<128x128xf32, #tpu.memory_space<vmem_shared>>
      %dma_start3A_28 = arith.constant 0 : i32
      %dma_start3A_29 = tpu.memref_slice %arg14[%add3A_18, %dma_start3A_28] : memref<10240x128xf32, #tpu.memory_space<vmem_shared>> -> memref<128x128xf32, #tpu.memory_space<vmem_shared>>
      tpu.enqueue_dma source(%arg8 : memref<128x128xf32, #tpu.memory_space<vmem>>) target(%dma_start3A_29 : memref<128x128xf32, #tpu.memory_space<vmem_shared>>) target_semaphore(%run_scoped3A : memref<!tpu.dma_semaphore, #tpu.memory_space<semaphore_mem>>)
      %dma_wait3A = arith.constant 0 : i32
      %dma_wait3A_30 = tpu.memref_slice %arg14[%add3A_18, %dma_wait3A] : memref<10240x128xf32, #tpu.memory_space<vmem_shared>> -> memref<128x128xf32, #tpu.memory_space<vmem_shared>>
      %dma_wait3A_31 = arith.constant 0 : i32
      %dma_wait3A_32 = tpu.memref_slice %arg14[%add3A_18, %dma_wait3A_31] : memref<10240x128xf32, #tpu.memory_space<vmem_shared>> -> memref<128x128xf32, #tpu.memory_space<vmem_shared>>
      tpu.wait_dma2 semaphore(%run_scoped3A : memref<!tpu.dma_semaphore, #tpu.memory_space<semaphore_mem>>) src(%arg8 : memref<128x128xf32, #tpu.memory_space<vmem>>) dst(%dma_wait3A_32 : memref<128x128xf32, #tpu.memory_space<vmem_shared>>)
      tpu.yield
    }) : () -> ()
    %barrier3A = arith.constant 0 : index
    tpu.barrier barrier_id(%barrier3A)
    %scan3A_19 = arith.constant 0 : i32
    %scan3A_20 = arith.constant 0 : i32
    %scan3A_21 = arith.constant 79 : i32
    %scan3A_22 = arith.addi %scan3A_20, %scan3A_21 : i32
    %scan3A_23 = arith.constant 1 : i32
    %scan3A_24 = scf.for %scan3A_27 = %scan3A_20 to %scan3A_22 step %scan3A_23 iter_args(%scan3A_28 = %scan3A_19) -> (i32)  : i32 {
      %mul3A_29 = arith.constant 32 : i32
      %mul3A_30 = arith.muli %scan3A_27, %mul3A_29 : i32
      %add3A_31 = arith.addi %add3A, %mul3A_30 : i32
      %lt3A = arith.constant 2500 : i32
      %lt3A_32 = arith.cmpi slt, %add3A_31, %lt3A : i32
      %convert_element_type3A = arith.extui %lt3A_32 : i1 to i32
      %cond3A = arith.constant 0 : i32
      %cond3A_33 = arith.cmpi ne, %convert_element_type3A, %cond3A : i32
      scf.if %cond3A_33 {
        %mul3A_35 = arith.constant 128 : i32
        %mul3A_36 = arith.muli %add3A_31, %mul3A_35 : i32
        %dma_start3A = tpu.memref_slice %arg2[%mul3A_36] : memref<320000xi32, #tpu.memory_space<hbm>> -> memref<128xi32, #tpu.memory_space<hbm>>
        %dma_start3A_37 = tpu.memref_slice %arg2[%mul3A_36] : memref<320000xi32, #tpu.memory_space<hbm>> -> memref<128xi32, #tpu.memory_space<hbm>>
        tpu.enqueue_dma source(%dma_start3A_37 : memref<128xi32, #tpu.memory_space<hbm>>) target(%arg9 : memref<128xi32, #tpu.memory_space<vmem>>) target_semaphore(%arg15 : memref<!tpu.dma_semaphore, #tpu.memory_space<semaphore_mem>>)
        %dma_start3A_38 = tpu.memref_slice %arg3[%mul3A_36] : memref<320000xi32, #tpu.memory_space<hbm>> -> memref<128xi32, #tpu.memory_space<hbm>>
        %dma_start3A_39 = tpu.memref_slice %arg3[%mul3A_36] : memref<320000xi32, #tpu.memory_space<hbm>> -> memref<128xi32, #tpu.memory_space<hbm>>
        tpu.enqueue_dma source(%dma_start3A_39 : memref<128xi32, #tpu.memory_space<hbm>>) target(%arg10 : memref<128xi32, #tpu.memory_space<vmem>>) target_semaphore(%arg15 : memref<!tpu.dma_semaphore, #tpu.memory_space<semaphore_mem>>)
        %dma_start3A_40 = tpu.memref_slice %arg4[%mul3A_36] : memref<320000xi32, #tpu.memory_space<hbm>> -> memref<128xi32, #tpu.memory_space<hbm>>
        %dma_start3A_41 = tpu.memref_slice %arg4[%mul3A_36] : memref<320000xi32, #tpu.memory_space<hbm>> -> memref<128xi32, #tpu.memory_space<hbm>>
        tpu.enqueue_dma source(%dma_start3A_41 : memref<128xi32, #tpu.memory_space<hbm>>) target(%arg11 : memref<128xi32, #tpu.memory_space<vmem>>) target_semaphore(%arg15 : memref<!tpu.dma_semaphore, #tpu.memory_space<semaphore_mem>>)
        %dma_start3A_42 = tpu.memref_slice %arg6[%mul3A_36] : memref<320000xf32, #tpu.memory_space<hbm>> -> memref<128xf32, #tpu.memory_space<hbm>>
        %dma_start3A_43 = tpu.memref_slice %arg6[%mul3A_36] : memref<320000xf32, #tpu.memory_space<hbm>> -> memref<128xf32, #tpu.memory_space<hbm>>
        tpu.enqueue_dma source(%dma_start3A_43 : memref<128xf32, #tpu.memory_space<hbm>>) target(%arg13 : memref<128xf32, #tpu.memory_space<vmem>>) target_semaphore(%arg15 : memref<!tpu.dma_semaphore, #tpu.memory_space<semaphore_mem>>)
        %dma_wait3A = tpu.memref_slice %arg2[%mul3A_36] : memref<320000xi32, #tpu.memory_space<hbm>> -> memref<128xi32, #tpu.memory_space<hbm>>
        %dma_wait3A_44 = tpu.memref_slice %arg2[%mul3A_36] : memref<320000xi32, #tpu.memory_space<hbm>> -> memref<128xi32, #tpu.memory_space<hbm>>
        tpu.wait_dma2 semaphore(%arg15 : memref<!tpu.dma_semaphore, #tpu.memory_space<semaphore_mem>>) src(%dma_wait3A_44 : memref<128xi32, #tpu.memory_space<hbm>>) dst(%arg9 : memref<128xi32, #tpu.memory_space<vmem>>)
        %dma_wait3A_45 = tpu.memref_slice %arg3[%mul3A_36] : memref<320000xi32, #tpu.memory_space<hbm>> -> memref<128xi32, #tpu.memory_space<hbm>>
        %dma_wait3A_46 = tpu.memref_slice %arg3[%mul3A_36] : memref<320000xi32, #tpu.memory_space<hbm>> -> memref<128xi32, #tpu.memory_space<hbm>>
        tpu.wait_dma2 semaphore(%arg15 : memref<!tpu.dma_semaphore, #tpu.memory_space<semaphore_mem>>) src(%dma_wait3A_46 : memref<128xi32, #tpu.memory_space<hbm>>) dst(%arg10 : memref<128xi32, #tpu.memory_space<vmem>>)
        %dma_wait3A_47 = tpu.memref_slice %arg4[%mul3A_36] : memref<320000xi32, #tpu.memory_space<hbm>> -> memref<128xi32, #tpu.memory_space<hbm>>
        %dma_wait3A_48 = tpu.memref_slice %arg4[%mul3A_36] : memref<320000xi32, #tpu.memory_space<hbm>> -> memref<128xi32, #tpu.memory_space<hbm>>
        tpu.wait_dma2 semaphore(%arg15 : memref<!tpu.dma_semaphore, #tpu.memory_space<semaphore_mem>>) src(%dma_wait3A_48 : memref<128xi32, #tpu.memory_space<hbm>>) dst(%arg11 : memref<128xi32, #tpu.memory_space<vmem>>)
        %dma_wait3A_49 = tpu.memref_slice %arg6[%mul3A_36] : memref<320000xf32, #tpu.memory_space<hbm>> -> memref<128xf32, #tpu.memory_space<hbm>>
        %dma_wait3A_50 = tpu.memref_slice %arg6[%mul3A_36] : memref<320000xf32, #tpu.memory_space<hbm>> -> memref<128xf32, #tpu.memory_space<hbm>>
        tpu.wait_dma2 semaphore(%arg15 : memref<!tpu.dma_semaphore, #tpu.memory_space<semaphore_mem>>) src(%dma_wait3A_50 : memref<128xf32, #tpu.memory_space<hbm>>) dst(%arg13 : memref<128xf32, #tpu.memory_space<vmem>>)
        %get3A = arith.constant 0 : index
        %get3A_51 = tpu.vector_load %arg9[%get3A] {strides = array<i32>} : memref<128xi32, #tpu.memory_space<vmem>>, vector<16xi32>,
        %get3A_52 = arith.constant 0 : index
        %get3A_53 = tpu.vector_load %arg11[%get3A_52] {strides = array<i32>} : memref<128xi32, #tpu.memory_space<vmem>>, vector<16xi32>,
        %mul3A_54 = arith.constant 8 : i32
        %mul3A_55 = vector.broadcast %mul3A_54 : i32 to vector<16xi32>
        %mul3A_56 = arith.muli %get3A_51, %mul3A_55 : vector<16xi32>
        %add3A_57 = arith.addi %mul3A_56, %get3A_53 : vector<16xi32>
        %swap3A = arith.constant 0 : index
        %swap3A_58 = tpu.vector_load %arg12[%swap3A] {strides = array<i32>} : memref<128xi32, #tpu.memory_space<vmem>>, vector<16xi32>,
        tpu.vector_store %arg12[%swap3A], %add3A_57 {strides = array<i32>} : memref<128xi32, #tpu.memory_space<vmem>>, vector<16xi32>,
        %get3A_59 = arith.constant 16 : index
        %get3A_60 = tpu.vector_load %arg9[%get3A_59] {strides = array<i32>} : memref<128xi32, #tpu.memory_space<vmem>>, vector<16xi32>,
        %get3A_61 = arith.constant 16 : index
        %get3A_62 = tpu.vector_load %arg11[%get3A_61] {strides = array<i32>} : memref<128xi32, #tpu.memory_space<vmem>>, vector<16xi32>,
        %mul3A_63 = arith.constant 8 : i32
        %mul3A_64 = vector.broadcast %mul3A_63 : i32 to vector<16xi32>
        %mul3A_65 = arith.muli %get3A_60, %mul3A_64 : vector<16xi32>
        %add3A_66 = arith.addi %mul3A_65, %get3A_62 : vector<16xi32>
        %swap3A_67 = arith.constant 16 : index
        %swap3A_68 = tpu.vector_load %arg12[%swap3A_67] {strides = array<i32>} : memref<128xi32, #tpu.memory_space<vmem>>, vector<16xi32>,
        tpu.vector_store %arg12[%swap3A_67], %add3A_66 {strides = array<i32>} : memref<128xi32, #tpu.memory_space<vmem>>, vector<16xi32>,
        %get3A_69 = arith.constant 32 : index
        %get3A_70 = tpu.vector_load %arg9[%get3A_69] {strides = array<i32>} : memref<128xi32, #tpu.memory_space<vmem>>, vector<16xi32>,
        %get3A_71 = arith.constant 32 : index
        %get3A_72 = tpu.vector_load %arg11[%get3A_71] {strides = array<i32>} : memref<128xi32, #tpu.memory_space<vmem>>, vector<16xi32>,
        %mul3A_73 = arith.constant 8 : i32
        %mul3A_74 = vector.broadcast %mul3A_73 : i32 to vector<16xi32>
        %mul3A_75 = arith.muli %get3A_70, %mul3A_74 : vector<16xi32>
        %add3A_76 = arith.addi %mul3A_75, %get3A_72 : vector<16xi32>
        %swap3A_77 = arith.constant 32 : index
        %swap3A_78 = tpu.vector_load %arg12[%swap3A_77] {strides = array<i32>} : memref<128xi32, #tpu.memory_space<vmem>>, vector<16xi32>,
        tpu.vector_store %arg12[%swap3A_77], %add3A_76 {strides = array<i32>} : memref<128xi32, #tpu.memory_space<vmem>>, vector<16xi32>,
        %get3A_79 = arith.constant 48 : index
        %get3A_80 = tpu.vector_load %arg9[%get3A_79] {strides = array<i32>} : memref<128xi32, #tpu.memory_space<vmem>>, vector<16xi32>,
        %get3A_81 = arith.constant 48 : index
        %get3A_82 = tpu.vector_load %arg11[%get3A_81] {strides = array<i32>} : memref<128xi32, #tpu.memory_space<vmem>>, vector<16xi32>,
        %mul3A_83 = arith.constant 8 : i32
        %mul3A_84 = vector.broadcast %mul3A_83 : i32 to vector<16xi32>
        %mul3A_85 = arith.muli %get3A_80, %mul3A_84 : vector<16xi32>
        %add3A_86 = arith.addi %mul3A_85, %get3A_82 : vector<16xi32>
        %swap3A_87 = arith.constant 48 : index
        %swap3A_88 = tpu.vector_load %arg12[%swap3A_87] {strides = array<i32>} : memref<128xi32, #tpu.memory_space<vmem>>, vector<16xi32>,
        tpu.vector_store %arg12[%swap3A_87], %add3A_86 {strides = array<i32>} : memref<128xi32, #tpu.memory_space<vmem>>, vector<16xi32>,
        %get3A_89 = arith.constant 64 : index
        %get3A_90 = tpu.vector_load %arg9[%get3A_89] {strides = array<i32>} : memref<128xi32, #tpu.memory_space<vmem>>, vector<16xi32>,
        %get3A_91 = arith.constant 64 : index
        %get3A_92 = tpu.vector_load %arg11[%get3A_91] {strides = array<i32>} : memref<128xi32, #tpu.memory_space<vmem>>, vector<16xi32>,
        %mul3A_93 = arith.constant 8 : i32
        %mul3A_94 = vector.broadcast %mul3A_93 : i32 to vector<16xi32>
        %mul3A_95 = arith.muli %get3A_90, %mul3A_94 : vector<16xi32>
        %add3A_96 = arith.addi %mul3A_95, %get3A_92 : vector<16xi32>
        %swap3A_97 = arith.constant 64 : index
        %swap3A_98 = tpu.vector_load %arg12[%swap3A_97] {strides = array<i32>} : memref<128xi32, #tpu.memory_space<vmem>>, vector<16xi32>,
        tpu.vector_store %arg12[%swap3A_97], %add3A_96 {strides = array<i32>} : memref<128xi32, #tpu.memory_space<vmem>>, vector<16xi32>,
        %get3A_99 = arith.constant 80 : index
        %get3A_100 = tpu.vector_load %arg9[%get3A_99] {strides = array<i32>} : memref<128xi32, #tpu.memory_space<vmem>>, vector<16xi32>,
        %get3A_101 = arith.constant 80 : index
        %get3A_102 = tpu.vector_load %arg11[%get3A_101] {strides = array<i32>} : memref<128xi32, #tpu.memory_space<vmem>>, vector<16xi32>,
        %mul3A_103 = arith.constant 8 : i32
        %mul3A_104 = vector.broadcast %mul3A_103 : i32 to vector<16xi32>
        %mul3A_105 = arith.muli %get3A_100, %mul3A_104 : vector<16xi32>
        %add3A_106 = arith.addi %mul3A_105, %get3A_102 : vector<16xi32>
        %swap3A_107 = arith.constant 80 : index
        %swap3A_108 = tpu.vector_load %arg12[%swap3A_107] {strides = array<i32>} : memref<128xi32, #tpu.memory_space<vmem>>, vector<16xi32>,
        tpu.vector_store %arg12[%swap3A_107], %add3A_106 {strides = array<i32>} : memref<128xi32, #tpu.memory_space<vmem>>, vector<16xi32>,
        %get3A_109 = arith.constant 96 : index
        %get3A_110 = tpu.vector_load %arg9[%get3A_109] {strides = array<i32>} : memref<128xi32, #tpu.memory_space<vmem>>, vector<16xi32>,
        %get3A_111 = arith.constant 96 : index
        %get3A_112 = tpu.vector_load %arg11[%get3A_111] {strides = array<i32>} : memref<128xi32, #tpu.memory_space<vmem>>, vector<16xi32>,
        %mul3A_113 = arith.constant 8 : i32
        %mul3A_114 = vector.broadcast %mul3A_113 : i32 to vector<16xi32>
        %mul3A_115 = arith.muli %get3A_110, %mul3A_114 : vector<16xi32>
        %add3A_116 = arith.addi %mul3A_115, %get3A_112 : vector<16xi32>
        %swap3A_117 = arith.constant 96 : index
        %swap3A_118 = tpu.vector_load %arg12[%swap3A_117] {strides = array<i32>} : memref<128xi32, #tpu.memory_space<vmem>>, vector<16xi32>,
        tpu.vector_store %arg12[%swap3A_117], %add3A_116 {strides = array<i32>} : memref<128xi32, #tpu.memory_space<vmem>>, vector<16xi32>,
        %get3A_119 = arith.constant 112 : index
        %get3A_120 = tpu.vector_load %arg9[%get3A_119] {strides = array<i32>} : memref<128xi32, #tpu.memory_space<vmem>>, vector<16xi32>,
        %get3A_121 = arith.constant 112 : index
        %get3A_122 = tpu.vector_load %arg11[%get3A_121] {strides = array<i32>} : memref<128xi32, #tpu.memory_space<vmem>>, vector<16xi32>,
        %mul3A_123 = arith.constant 8 : i32
        %mul3A_124 = vector.broadcast %mul3A_123 : i32 to vector<16xi32>
        %mul3A_125 = arith.muli %get3A_120, %mul3A_124 : vector<16xi32>
        %add3A_126 = arith.addi %mul3A_125, %get3A_122 : vector<16xi32>
        %swap3A_127 = arith.constant 112 : index
        %swap3A_128 = tpu.vector_load %arg12[%swap3A_127] {strides = array<i32>} : memref<128xi32, #tpu.memory_space<vmem>>, vector<16xi32>,
        tpu.vector_store %arg12[%swap3A_127], %add3A_126 {strides = array<i32>} : memref<128xi32, #tpu.memory_space<vmem>>, vector<16xi32>,
        %dma_start3A_129 = arith.constant 0 : i32
        %dma_start3A_130 = arith.constant 0 : i32
        %dma_start3A_131 = tpu.memref_slice %arg5[%dma_start3A_129, %dma_start3A_130] : memref<81920x128xf32, #tpu.memory_space<hbm>> -> memref<81920x128xf32, #tpu.memory_space<hbm>>
        tpu.enqueue_indirect_dma source(%dma_start3A_131 : memref<81920x128xf32, #tpu.memory_space<hbm>>) target(%arg8 : memref<128x128xf32, #tpu.memory_space<vmem>>) offsets(%arg12 : memref<128xi32, #tpu.memory_space<vmem>>) semaphore(%arg15 : memref<!tpu.dma_semaphore, #tpu.memory_space<semaphore_mem>>)
        %dma_wait3A_132 = arith.constant 0 : i32
        %dma_wait3A_133 = arith.constant 0 : i32
        %dma_wait3A_134 = tpu.memref_slice %arg5[%dma_wait3A_132, %dma_wait3A_133] : memref<81920x128xf32, #tpu.memory_space<hbm>> -> memref<81920x128xf32, #tpu.memory_space<hbm>>
        tpu.wait_indirect_dma semaphore(%arg15 : memref<!tpu.dma_semaphore, #tpu.memory_space<semaphore_mem>>) src(%dma_wait3A_134 : memref<81920x128xf32, #tpu.memory_space<hbm>>) dst(%arg8 : memref<128x128xf32, #tpu.memory_space<vmem>>)
        %scan3A_135 = arith.constant 0 : i32
        %scan3A_136 = arith.constant 0 : i32
        %scan3A_137 = arith.constant 128 : i32
        %scan3A_138 = arith.addi %scan3A_136, %scan3A_137 : i32
        %scan3A_139 = arith.constant 8 : i32
        %scan3A_140 = scf.for %scan3A_142 = %scan3A_136 to %scan3A_138 step %scan3A_139 iter_args(%scan3A_143 = %scan3A_135) -> (i32)  : i32 {
          %broadcast_in_dim3A = vector.broadcast %scan3A_142 : i32 to vector<16xi32>
          %gather3A = tpu.vector_load_idx %arg13[%broadcast_in_dim3A] : memref<128xf32, #tpu.memory_space<vmem>>[vector<16xi32>], vector<16xf32>,
          %get3A_144 = arith.index_cast %scan3A_142 : i32 to index
          %get3A_145 = arith.constant 0 : index
          %get3A_146 = tpu.vector_load %arg8[%get3A_144, %get3A_145] {strides = array<i32>} : memref<128x128xf32, #tpu.memory_space<vmem>>, vector<16xf32>,
          %mul3A_147 = arith.mulf %get3A_146, %gather3A : vector<16xf32>
          %swap3A_148 = arith.index_cast %scan3A_142 : i32 to index
          %swap3A_149 = arith.constant 0 : index
          %swap3A_150 = tpu.vector_load %arg8[%swap3A_148, %swap3A_149] {strides = array<i32>} : memref<128x128xf32, #tpu.memory_space<vmem>>, vector<16xf32>,
          tpu.vector_store %arg8[%swap3A_148, %swap3A_149], %mul3A_147 {strides = array<i32>} : memref<128x128xf32, #tpu.memory_space<vmem>>, vector<16xf32>,
          %get3A_151 = arith.index_cast %scan3A_142 : i32 to index
          %get3A_152 = arith.constant 16 : index
          %get3A_153 = tpu.vector_load %arg8[%get3A_151, %get3A_152] {strides = array<i32>} : memref<128x128xf32, #tpu.memory_space<vmem>>, vector<16xf32>,
          %mul3A_154 = arith.mulf %get3A_153, %gather3A : vector<16xf32>
          %swap3A_155 = arith.index_cast %scan3A_142 : i32 to index
          %swap3A_156 = arith.constant 16 : index
          %swap3A_157 = tpu.vector_load %arg8[%swap3A_155, %swap3A_156] {strides = array<i32>} : memref<128x128xf32, #tpu.memory_space<vmem>>, vector<16xf32>,
          tpu.vector_store %arg8[%swap3A_155, %swap3A_156], %mul3A_154 {strides = array<i32>} : memref<128x128xf32, #tpu.memory_space<vmem>>, vector<16xf32>,
          %get3A_158 = arith.index_cast %scan3A_142 : i32 to index
          %get3A_159 = arith.constant 32 : index
          %get3A_160 = tpu.vector_load %arg8[%get3A_158, %get3A_159] {strides = array<i32>} : memref<128x128xf32, #tpu.memory_space<vmem>>, vector<16xf32>,
          %mul3A_161 = arith.mulf %get3A_160, %gather3A : vector<16xf32>
          %swap3A_162 = arith.index_cast %scan3A_142 : i32 to index
          %swap3A_163 = arith.constant 32 : index
          %swap3A_164 = tpu.vector_load %arg8[%swap3A_162, %swap3A_163] {strides = array<i32>} : memref<128x128xf32, #tpu.memory_space<vmem>>, vector<16xf32>,
          tpu.vector_store %arg8[%swap3A_162, %swap3A_163], %mul3A_161 {strides = array<i32>} : memref<128x128xf32, #tpu.memory_space<vmem>>, vector<16xf32>,
          %get3A_165 = arith.index_cast %scan3A_142 : i32 to index
          %get3A_166 = arith.constant 48 : index
          %get3A_167 = tpu.vector_load %arg8[%get3A_165, %get3A_166] {strides = array<i32>} : memref<128x128xf32, #tpu.memory_space<vmem>>, vector<16xf32>,
          %mul3A_168 = arith.mulf %get3A_167, %gather3A : vector<16xf32>
          %swap3A_169 = arith.index_cast %scan3A_142 : i32 to index
          %swap3A_170 = arith.constant 48 : index
          %swap3A_171 = tpu.vector_load %arg8[%swap3A_169, %swap3A_170] {strides = array<i32>} : memref<128x128xf32, #tpu.memory_space<vmem>>, vector<16xf32>,
          tpu.vector_store %arg8[%swap3A_169, %swap3A_170], %mul3A_168 {strides = array<i32>} : memref<128x128xf32, #tpu.memory_space<vmem>>, vector<16xf32>,
          %get3A_172 = arith.index_cast %scan3A_142 : i32 to index
          %get3A_173 = arith.constant 64 : index
          %get3A_174 = tpu.vector_load %arg8[%get3A_172, %get3A_173] {strides = array<i32>} : memref<128x128xf32, #tpu.memory_space<vmem>>, vector<16xf32>,
          %mul3A_175 = arith.mulf %get3A_174, %gather3A : vector<16xf32>
          %swap3A_176 = arith.index_cast %scan3A_142 : i32 to index
          %swap3A_177 = arith.constant 64 : index
          %swap3A_178 = tpu.vector_load %arg8[%swap3A_176, %swap3A_177] {strides = array<i32>} : memref<128x128xf32, #tpu.memory_space<vmem>>, vector<16xf32>,
          tpu.vector_store %arg8[%swap3A_176, %swap3A_177], %mul3A_175 {strides = array<i32>} : memref<128x128xf32, #tpu.memory_space<vmem>>, vector<16xf32>,
          %get3A_179 = arith.index_cast %scan3A_142 : i32 to index
          %get3A_180 = arith.constant 80 : index
          %get3A_181 = tpu.vector_load %arg8[%get3A_179, %get3A_180] {strides = array<i32>} : memref<128x128xf32, #tpu.memory_space<vmem>>, vector<16xf32>,
          %mul3A_182 = arith.mulf %get3A_181, %gather3A : vector<16xf32>
          %swap3A_183 = arith.index_cast %scan3A_142 : i32 to index
          %swap3A_184 = arith.constant 80 : index
          %swap3A_185 = tpu.vector_load %arg8[%swap3A_183, %swap3A_184] {strides = array<i32>} : memref<128x128xf32, #tpu.memory_space<vmem>>, vector<16xf32>,
          tpu.vector_store %arg8[%swap3A_183, %swap3A_184], %mul3A_182 {strides = array<i32>} : memref<128x128xf32, #tpu.memory_space<vmem>>, vector<16xf32>,
          %get3A_186 = arith.index_cast %scan3A_142 : i32 to index
          %get3A_187 = arith.constant 96 : index
          %get3A_188 = tpu.vector_load %arg8[%get3A_186, %get3A_187] {strides = array<i32>} : memref<128x128xf32, #tpu.memory_space<vmem>>, vector<16xf32>,
          %mul3A_189 = arith.mulf %get3A_188, %gather3A : vector<16xf32>
          %swap3A_190 = arith.index_cast %scan3A_142 : i32 to index
          %swap3A_191 = arith.constant 96 : index
          %swap3A_192 = tpu.vector_load %arg8[%swap3A_190, %swap3A_191] {strides = array<i32>} : memref<128x128xf32, #tpu.memory_space<vmem>>, vector<16xf32>,
          tpu.vector_store %arg8[%swap3A_190, %swap3A_191], %mul3A_189 {strides = array<i32>} : memref<128x128xf32, #tpu.memory_space<vmem>>, vector<16xf32>,
          %get3A_193 = arith.index_cast %scan3A_142 : i32 to index
          %get3A_194 = arith.constant 112 : index
          %get3A_195 = tpu.vector_load %arg8[%get3A_193, %get3A_194] {strides = array<i32>} : memref<128x128xf32, #tpu.memory_space<vmem>>, vector<16xf32>,
          %mul3A_196 = arith.mulf %get3A_195, %gather3A : vector<16xf32>
          %swap3A_197 = arith.index_cast %scan3A_142 : i32 to index
          %swap3A_198 = arith.constant 112 : index
          %swap3A_199 = tpu.vector_load %arg8[%swap3A_197, %swap3A_198] {strides = array<i32>} : memref<128x128xf32, #tpu.memory_space<vmem>>, vector<16xf32>,
          tpu.vector_store %arg8[%swap3A_197, %swap3A_198], %mul3A_196 {strides = array<i32>} : memref<128x128xf32, #tpu.memory_space<vmem>>, vector<16xf32>,
          %scan3A_200 = arith.constant 0 : i32
          %scan3A_201 = arith.constant 1 : i32
          %scan3A_202 = arith.addi %scan3A_142, %scan3A_201 : i32
          %broadcast_in_dim3A_203 = vector.broadcast %scan3A_202 : i32 to vector<16xi32>
          %gather3A_204 = tpu.vector_load_idx %arg13[%broadcast_in_dim3A_203] : memref<128xf32, #tpu.memory_space<vmem>>[vector<16xi32>], vector<16xf32>,
          %get3A_205 = arith.index_cast %scan3A_202 : i32 to index
          %get3A_206 = arith.constant 0 : index
          %get3A_207 = tpu.vector_load %arg8[%get3A_205, %get3A_206] {strides = array<i32>} : memref<128x128xf32, #tpu.memory_space<vmem>>, vector<16xf32>,
          %mul3A_208 = arith.mulf %get3A_207, %gather3A_204 : vector<16xf32>
          %swap3A_209 = arith.index_cast %scan3A_202 : i32 to index
          %swap3A_210 = arith.constant 0 : index
          %swap3A_211 = tpu.vector_load %arg8[%swap3A_209, %swap3A_210] {strides = array<i32>} : memref<128x128xf32, #tpu.memory_space<vmem>>, vector<16xf32>,
          tpu.vector_store %arg8[%swap3A_209, %swap3A_210], %mul3A_208 {strides = array<i32>} : memref<128x128xf32, #tpu.memory_space<vmem>>, vector<16xf32>,
          %get3A_212 = arith.index_cast %scan3A_202 : i32 to index
          %get3A_213 = arith.constant 16 : index
          %get3A_214 = tpu.vector_load %arg8[%get3A_212, %get3A_213] {strides = array<i32>} : memref<128x128xf32, #tpu.memory_space<vmem>>, vector<16xf32>,
          %mul3A_215 = arith.mulf %get3A_214, %gather3A_204 : vector<16xf32>
          %swap3A_216 = arith.index_cast %scan3A_202 : i32 to index
          %swap3A_217 = arith.constant 16 : index
          %swap3A_218 = tpu.vector_load %arg8[%swap3A_216, %swap3A_217] {strides = array<i32>} : memref<128x128xf32, #tpu.memory_space<vmem>>, vector<16xf32>,
          tpu.vector_store %arg8[%swap3A_216, %swap3A_217], %mul3A_215 {strides = array<i32>} : memref<128x128xf32, #tpu.memory_space<vmem>>, vector<16xf32>,
          %get3A_219 = arith.index_cast %scan3A_202 : i32 to index
          %get3A_220 = arith.constant 32 : index
          %get3A_221 = tpu.vector_load %arg8[%get3A_219, %get3A_220] {strides = array<i32>} : memref<128x128xf32, #tpu.memory_space<vmem>>, vector<16xf32>,
          %mul3A_222 = arith.mulf %get3A_221, %gather3A_204 : vector<16xf32>
          %swap3A_223 = arith.index_cast %scan3A_202 : i32 to index
          %swap3A_224 = arith.constant 32 : index
          %swap3A_225 = tpu.vector_load %arg8[%swap3A_223, %swap3A_224] {strides = array<i32>} : memref<128x128xf32, #tpu.memory_space<vmem>>, vector<16xf32>,
          tpu.vector_store %arg8[%swap3A_223, %swap3A_224], %mul3A_222 {strides = array<i32>} : memref<128x128xf32, #tpu.memory_space<vmem>>, vector<16xf32>,
          %get3A_226 = arith.index_cast %scan3A_202 : i32 to index
          %get3A_227 = arith.constant 48 : index
          %get3A_228 = tpu.vector_load %arg8[%get3A_226, %get3A_227] {strides = array<i32>} : memref<128x128xf32, #tpu.memory_space<vmem>>, vector<16xf32>,
          %mul3A_229 = arith.mulf %get3A_228, %gather3A_204 : vector<16xf32>
          %swap3A_230 = arith.index_cast %scan3A_202 : i32 to index
          %swap3A_231 = arith.constant 48 : index
          %swap3A_232 = tpu.vector_load %arg8[%swap3A_230, %swap3A_231] {strides = array<i32>} : memref<128x128xf32, #tpu.memory_space<vmem>>, vector<16xf32>,
          tpu.vector_store %arg8[%swap3A_230, %swap3A_231], %mul3A_229 {strides = array<i32>} : memref<128x128xf32, #tpu.memory_space<vmem>>, vector<16xf32>,
          %get3A_233 = arith.index_cast %scan3A_202 : i32 to index
          %get3A_234 = arith.constant 64 : index
          %get3A_235 = tpu.vector_load %arg8[%get3A_233, %get3A_234] {strides = array<i32>} : memref<128x128xf32, #tpu.memory_space<vmem>>, vector<16xf32>,
          %mul3A_236 = arith.mulf %get3A_235, %gather3A_204 : vector<16xf32>
          %swap3A_237 = arith.index_cast %scan3A_202 : i32 to index
          %swap3A_238 = arith.constant 64 : index
          %swap3A_239 = tpu.vector_load %arg8[%swap3A_237, %swap3A_238] {strides = array<i32>} : memref<128x128xf32, #tpu.memory_space<vmem>>, vector<16xf32>,
          tpu.vector_store %arg8[%swap3A_237, %swap3A_238], %mul3A_236 {strides = array<i32>} : memref<128x128xf32, #tpu.memory_space<vmem>>, vector<16xf32>,
          %get3A_240 = arith.index_cast %scan3A_202 : i32 to index
          %get3A_241 = arith.constant 80 : index
          %get3A_242 = tpu.vector_load %arg8[%get3A_240, %get3A_241] {strides = array<i32>} : memref<128x128xf32, #tpu.memory_space<vmem>>, vector<16xf32>,
          %mul3A_243 = arith.mulf %get3A_242, %gather3A_204 : vector<16xf32>
          %swap3A_244 = arith.index_cast %scan3A_202 : i32 to index
          %swap3A_245 = arith.constant 80 : index
          %swap3A_246 = tpu.vector_load %arg8[%swap3A_244, %swap3A_245] {strides = array<i32>} : memref<128x128xf32, #tpu.memory_space<vmem>>, vector<16xf32>,
          tpu.vector_store %arg8[%swap3A_244, %swap3A_245], %mul3A_243 {strides = array<i32>} : memref<128x128xf32, #tpu.memory_space<vmem>>, vector<16xf32>,
          %get3A_247 = arith.index_cast %scan3A_202 : i32 to index
          %get3A_248 = arith.constant 96 : index
          %get3A_249 = tpu.vector_load %arg8[%get3A_247, %get3A_248] {strides = array<i32>} : memref<128x128xf32, #tpu.memory_space<vmem>>, vector<16xf32>,
          %mul3A_250 = arith.mulf %get3A_249, %gather3A_204 : vector<16xf32>
          %swap3A_251 = arith.index_cast %scan3A_202 : i32 to index
          %swap3A_252 = arith.constant 96 : index
          %swap3A_253 = tpu.vector_load %arg8[%swap3A_251, %swap3A_252] {strides = array<i32>} : memref<128x128xf32, #tpu.memory_space<vmem>>, vector<16xf32>,
          tpu.vector_store %arg8[%swap3A_251, %swap3A_252], %mul3A_250 {strides = array<i32>} : memref<128x128xf32, #tpu.memory_space<vmem>>, vector<16xf32>,
          %get3A_254 = arith.index_cast %scan3A_202 : i32 to index
          %get3A_255 = arith.constant 112 : index
          %get3A_256 = tpu.vector_load %arg8[%get3A_254, %get3A_255] {strides = array<i32>} : memref<128x128xf32, #tpu.memory_space<vmem>>, vector<16xf32>,
          %mul3A_257 = arith.mulf %get3A_256, %gather3A_204 : vector<16xf32>
          %swap3A_258 = arith.index_cast %scan3A_202 : i32 to index
          %swap3A_259 = arith.constant 112 : index
          %swap3A_260 = tpu.vector_load %arg8[%swap3A_258, %swap3A_259] {strides = array<i32>} : memref<128x128xf32, #tpu.memory_space<vmem>>, vector<16xf32>,
          tpu.vector_store %arg8[%swap3A_258, %swap3A_259], %mul3A_257 {strides = array<i32>} : memref<128x128xf32, #tpu.memory_space<vmem>>, vector<16xf32>,
          %scan3A_261 = arith.constant 0 : i32
          %scan3A_262 = arith.constant 2 : i32
          %scan3A_263 = arith.addi %scan3A_142, %scan3A_262 : i32
          %broadcast_in_dim3A_264 = vector.broadcast %scan3A_263 : i32 to vector<16xi32>
          %gather3A_265 = tpu.vector_load_idx %arg13[%broadcast_in_dim3A_264] : memref<128xf32, #tpu.memory_space<vmem>>[vector<16xi32>], vector<16xf32>,
          %get3A_266 = arith.index_cast %scan3A_263 : i32 to index
          %get3A_267 = arith.constant 0 : index
          %get3A_268 = tpu.vector_load %arg8[%get3A_266, %get3A_267] {strides = array<i32>} : memref<128x128xf32, #tpu.memory_space<vmem>>, vector<16xf32>,
          %mul3A_269 = arith.mulf %get3A_268, %gather3A_265 : vector<16xf32>
          %swap3A_270 = arith.index_cast %scan3A_263 : i32 to index
          %swap3A_271 = arith.constant 0 : index
          %swap3A_272 = tpu.vector_load %arg8[%swap3A_270, %swap3A_271] {strides = array<i32>} : memref<128x128xf32, #tpu.memory_space<vmem>>, vector<16xf32>,
          tpu.vector_store %arg8[%swap3A_270, %swap3A_271], %mul3A_269 {strides = array<i32>} : memref<128x128xf32, #tpu.memory_space<vmem>>, vector<16xf32>,
          %get3A_273 = arith.index_cast %scan3A_263 : i32 to index
          %get3A_274 = arith.constant 16 : index
          %get3A_275 = tpu.vector_load %arg8[%get3A_273, %get3A_274] {strides = array<i32>} : memref<128x128xf32, #tpu.memory_space<vmem>>, vector<16xf32>,
          %mul3A_276 = arith.mulf %get3A_275, %gather3A_265 : vector<16xf32>
          %swap3A_277 = arith.index_cast %scan3A_263 : i32 to index
          %swap3A_278 = arith.constant 16 : index
          %swap3A_279 = tpu.vector_load %arg8[%swap3A_277, %swap3A_278] {strides = array<i32>} : memref<128x128xf32, #tpu.memory_space<vmem>>, vector<16xf32>,
          tpu.vector_store %arg8[%swap3A_277, %swap3A_278], %mul3A_276 {strides = array<i32>} : memref<128x128xf32, #tpu.memory_space<vmem>>, vector<16xf32>,
          %get3A_280 = arith.index_cast %scan3A_263 : i32 to index
          %get3A_281 = arith.constant 32 : index
          %get3A_282 = tpu.vector_load %arg8[%get3A_280, %get3A_281] {strides = array<i32>} : memref<128x128xf32, #tpu.memory_space<vmem>>, vector<16xf32>,
          %mul3A_283 = arith.mulf %get3A_282, %gather3A_265 : vector<16xf32>
          %swap3A_284 = arith.index_cast %scan3A_263 : i32 to index
          %swap3A_285 = arith.constant 32 : index
          %swap3A_286 = tpu.vector_load %arg8[%swap3A_284, %swap3A_285] {strides = array<i32>} : memref<128x128xf32, #tpu.memory_space<vmem>>, vector<16xf32>,
          tpu.vector_store %arg8[%swap3A_284, %swap3A_285], %mul3A_283 {strides = array<i32>} : memref<128x128xf32, #tpu.memory_space<vmem>>, vector<16xf32>,
          %get3A_287 = arith.index_cast %scan3A_263 : i32 to index
          %get3A_288 = arith.constant 48 : index
          %get3A_289 = tpu.vector_load %arg8[%get3A_287, %get3A_288] {strides = array<i32>} : memref<128x128xf32, #tpu.memory_space<vmem>>, vector<16xf32>,
          %mul3A_290 = arith.mulf %get3A_289, %gather3A_265 : vector<16xf32>
          %swap3A_291 = arith.index_cast %scan3A_263 : i32 to index
          %swap3A_292 = arith.constant 48 : index
          %swap3A_293 = tpu.vector_load %arg8[%swap3A_291, %swap3A_292] {strides = array<i32>} : memref<128x128xf32, #tpu.memory_space<vmem>>, vector<16xf32>,
          tpu.vector_store %arg8[%swap3A_291, %swap3A_292], %mul3A_290 {strides = array<i32>} : memref<128x128xf32, #tpu.memory_space<vmem>>, vector<16xf32>,
          %get3A_294 = arith.index_cast %scan3A_263 : i32 to index
          %get3A_295 = arith.constant 64 : index
          %get3A_296 = tpu.vector_load %arg8[%get3A_294, %get3A_295] {strides = array<i32>} : memref<128x128xf32, #tpu.memory_space<vmem>>, vector<16xf32>,
          %mul3A_297 = arith.mulf %get3A_296, %gather3A_265 : vector<16xf32>
          %swap3A_298 = arith.index_cast %scan3A_263 : i32 to index
          %swap3A_299 = arith.constant 64 : index
          %swap3A_300 = tpu.vector_load %arg8[%swap3A_298, %swap3A_299] {strides = array<i32>} : memref<128x128xf32, #tpu.memory_space<vmem>>, vector<16xf32>,
          tpu.vector_store %arg8[%swap3A_298, %swap3A_299], %mul3A_297 {strides = array<i32>} : memref<128x128xf32, #tpu.memory_space<vmem>>, vector<16xf32>,
          %get3A_301 = arith.index_cast %scan3A_263 : i32 to index
          %get3A_302 = arith.constant 80 : index
          %get3A_303 = tpu.vector_load %arg8[%get3A_301, %get3A_302] {strides = array<i32>} : memref<128x128xf32, #tpu.memory_space<vmem>>, vector<16xf32>,
          %mul3A_304 = arith.mulf %get3A_303, %gather3A_265 : vector<16xf32>
          %swap3A_305 = arith.index_cast %scan3A_263 : i32 to index
          %swap3A_306 = arith.constant 80 : index
          %swap3A_307 = tpu.vector_load %arg8[%swap3A_305, %swap3A_306] {strides = array<i32>} : memref<128x128xf32, #tpu.memory_space<vmem>>, vector<16xf32>,
          tpu.vector_store %arg8[%swap3A_305, %swap3A_306], %mul3A_304 {strides = array<i32>} : memref<128x128xf32, #tpu.memory_space<vmem>>, vector<16xf32>,
          %get3A_308 = arith.index_cast %scan3A_263 : i32 to index
          %get3A_309 = arith.constant 96 : index
          %get3A_310 = tpu.vector_load %arg8[%get3A_308, %get3A_309] {strides = array<i32>} : memref<128x128xf32, #tpu.memory_space<vmem>>, vector<16xf32>,
          %mul3A_311 = arith.mulf %get3A_310, %gather3A_265 : vector<16xf32>
          %swap3A_312 = arith.index_cast %scan3A_263 : i32 to index
          %swap3A_313 = arith.constant 96 : index
          %swap3A_314 = tpu.vector_load %arg8[%swap3A_312, %swap3A_313] {strides = array<i32>} : memref<128x128xf32, #tpu.memory_space<vmem>>, vector<16xf32>,
          tpu.vector_store %arg8[%swap3A_312, %swap3A_313], %mul3A_311 {strides = array<i32>} : memref<128x128xf32, #tpu.memory_space<vmem>>, vector<16xf32>,
          %get3A_315 = arith.index_cast %scan3A_263 : i32 to index
          %get3A_316 = arith.constant 112 : index
          %get3A_317 = tpu.vector_load %arg8[%get3A_315, %get3A_316] {strides = array<i32>} : memref<128x128xf32, #tpu.memory_space<vmem>>, vector<16xf32>,
          %mul3A_318 = arith.mulf %get3A_317, %gather3A_265 : vector<16xf32>
          %swap3A_319 = arith.index_cast %scan3A_263 : i32 to index
          %swap3A_320 = arith.constant 112 : index
          %swap3A_321 = tpu.vector_load %arg8[%swap3A_319, %swap3A_320] {strides = array<i32>} : memref<128x128xf32, #tpu.memory_space<vmem>>, vector<16xf32>,
          tpu.vector_store %arg8[%swap3A_319, %swap3A_320], %mul3A_318 {strides = array<i32>} : memref<128x128xf32, #tpu.memory_space<vmem>>, vector<16xf32>,
          %scan3A_322 = arith.constant 0 : i32
          %scan3A_323 = arith.constant 3 : i32
          %scan3A_324 = arith.addi %scan3A_142, %scan3A_323 : i32
          %broadcast_in_dim3A_325 = vector.broadcast %scan3A_324 : i32 to vector<16xi32>
          %gather3A_326 = tpu.vector_load_idx %arg13[%broadcast_in_dim3A_325] : memref<128xf32, #tpu.memory_space<vmem>>[vector<16xi32>], vector<16xf32>,
          %get3A_327 = arith.index_cast %scan3A_324 : i32 to index
          %get3A_328 = arith.constant 0 : index
          %get3A_329 = tpu.vector_load %arg8[%get3A_327, %get3A_328] {strides = array<i32>} : memref<128x128xf32, #tpu.memory_space<vmem>>, vector<16xf32>,
          %mul3A_330 = arith.mulf %get3A_329, %gather3A_326 : vector<16xf32>
          %swap3A_331 = arith.index_cast %scan3A_324 : i32 to index
          %swap3A_332 = arith.constant 0 : index
          %swap3A_333 = tpu.vector_load %arg8[%swap3A_331, %swap3A_332] {strides = array<i32>} : memref<128x128xf32, #tpu.memory_space<vmem>>, vector<16xf32>,
          tpu.vector_store %arg8[%swap3A_331, %swap3A_332], %mul3A_330 {strides = array<i32>} : memref<128x128xf32, #tpu.memory_space<vmem>>, vector<16xf32>,
          %get3A_334 = arith.index_cast %scan3A_324 : i32 to index
          %get3A_335 = arith.constant 16 : index
          %get3A_336 = tpu.vector_load %arg8[%get3A_334, %get3A_335] {strides = array<i32>} : memref<128x128xf32, #tpu.memory_space<vmem>>, vector<16xf32>,
          %mul3A_337 = arith.mulf %get3A_336, %gather3A_326 : vector<16xf32>
          %swap3A_338 = arith.index_cast %scan3A_324 : i32 to index
          %swap3A_339 = arith.constant 16 : index
          %swap3A_340 = tpu.vector_load %arg8[%swap3A_338, %swap3A_339] {strides = array<i32>} : memref<128x128xf32, #tpu.memory_space<vmem>>, vector<16xf32>,
          tpu.vector_store %arg8[%swap3A_338, %swap3A_339], %mul3A_337 {strides = array<i32>} : memref<128x128xf32, #tpu.memory_space<vmem>>, vector<16xf32>,
          %get3A_341 = arith.index_cast %scan3A_324 : i32 to index
          %get3A_342 = arith.constant 32 : index
          %get3A_343 = tpu.vector_load %arg8[%get3A_341, %get3A_342] {strides = array<i32>} : memref<128x128xf32, #tpu.memory_space<vmem>>, vector<16xf32>,
          %mul3A_344 = arith.mulf %get3A_343, %gather3A_326 : vector<16xf32>
          %swap3A_345 = arith.index_cast %scan3A_324 : i32 to index
          %swap3A_346 = arith.constant 32 : index
          %swap3A_347 = tpu.vector_load %arg8[%swap3A_345, %swap3A_346] {strides = array<i32>} : memref<128x128xf32, #tpu.memory_space<vmem>>, vector<16xf32>,
          tpu.vector_store %arg8[%swap3A_345, %swap3A_346], %mul3A_344 {strides = array<i32>} : memref<128x128xf32, #tpu.memory_space<vmem>>, vector<16xf32>,
          %get3A_348 = arith.index_cast %scan3A_324 : i32 to index
          %get3A_349 = arith.constant 48 : index
          %get3A_350 = tpu.vector_load %arg8[%get3A_348, %get3A_349] {strides = array<i32>} : memref<128x128xf32, #tpu.memory_space<vmem>>, vector<16xf32>,
          %mul3A_351 = arith.mulf %get3A_350, %gather3A_326 : vector<16xf32>
          %swap3A_352 = arith.index_cast %scan3A_324 : i32 to index
          %swap3A_353 = arith.constant 48 : index
          %swap3A_354 = tpu.vector_load %arg8[%swap3A_352, %swap3A_353] {strides = array<i32>} : memref<128x128xf32, #tpu.memory_space<vmem>>, vector<16xf32>,
          tpu.vector_store %arg8[%swap3A_352, %swap3A_353], %mul3A_351 {strides = array<i32>} : memref<128x128xf32, #tpu.memory_space<vmem>>, vector<16xf32>,
          %get3A_355 = arith.index_cast %scan3A_324 : i32 to index
          %get3A_356 = arith.constant 64 : index
          %get3A_357 = tpu.vector_load %arg8[%get3A_355, %get3A_356] {strides = array<i32>} : memref<128x128xf32, #tpu.memory_space<vmem>>, vector<16xf32>,
          %mul3A_358 = arith.mulf %get3A_357, %gather3A_326 : vector<16xf32>
          %swap3A_359 = arith.index_cast %scan3A_324 : i32 to index
          %swap3A_360 = arith.constant 64 : index
          %swap3A_361 = tpu.vector_load %arg8[%swap3A_359, %swap3A_360] {strides = array<i32>} : memref<128x128xf32, #tpu.memory_space<vmem>>, vector<16xf32>,
          tpu.vector_store %arg8[%swap3A_359, %swap3A_360], %mul3A_358 {strides = array<i32>} : memref<128x128xf32, #tpu.memory_space<vmem>>, vector<16xf32>,
          %get3A_362 = arith.index_cast %scan3A_324 : i32 to index
          %get3A_363 = arith.constant 80 : index
          %get3A_364 = tpu.vector_load %arg8[%get3A_362, %get3A_363] {strides = array<i32>} : memref<128x128xf32, #tpu.memory_space<vmem>>, vector<16xf32>,
          %mul3A_365 = arith.mulf %get3A_364, %gather3A_326 : vector<16xf32>
          %swap3A_366 = arith.index_cast %scan3A_324 : i32 to index
          %swap3A_367 = arith.constant 80 : index
          %swap3A_368 = tpu.vector_load %arg8[%swap3A_366, %swap3A_367] {strides = array<i32>} : memref<128x128xf32, #tpu.memory_space<vmem>>, vector<16xf32>,
          tpu.vector_store %arg8[%swap3A_366, %swap3A_367], %mul3A_365 {strides = array<i32>} : memref<128x128xf32, #tpu.memory_space<vmem>>, vector<16xf32>,
          %get3A_369 = arith.index_cast %scan3A_324 : i32 to index
          %get3A_370 = arith.constant 96 : index
          %get3A_371 = tpu.vector_load %arg8[%get3A_369, %get3A_370] {strides = array<i32>} : memref<128x128xf32, #tpu.memory_space<vmem>>, vector<16xf32>,
          %mul3A_372 = arith.mulf %get3A_371, %gather3A_326 : vector<16xf32>
          %swap3A_373 = arith.index_cast %scan3A_324 : i32 to index
          %swap3A_374 = arith.constant 96 : index
          %swap3A_375 = tpu.vector_load %arg8[%swap3A_373, %swap3A_374] {strides = array<i32>} : memref<128x128xf32, #tpu.memory_space<vmem>>, vector<16xf32>,
          tpu.vector_store %arg8[%swap3A_373, %swap3A_374], %mul3A_372 {strides = array<i32>} : memref<128x128xf32, #tpu.memory_space<vmem>>, vector<16xf32>,
          %get3A_376 = arith.index_cast %scan3A_324 : i32 to index
          %get3A_377 = arith.constant 112 : index
          %get3A_378 = tpu.vector_load %arg8[%get3A_376, %get3A_377] {strides = array<i32>} : memref<128x128xf32, #tpu.memory_space<vmem>>, vector<16xf32>,
          %mul3A_379 = arith.mulf %get3A_378, %gather3A_326 : vector<16xf32>
          %swap3A_380 = arith.index_cast %scan3A_324 : i32 to index
          %swap3A_381 = arith.constant 112 : index
          %swap3A_382 = tpu.vector_load %arg8[%swap3A_380, %swap3A_381] {strides = array<i32>} : memref<128x128xf32, #tpu.memory_space<vmem>>, vector<16xf32>,
          tpu.vector_store %arg8[%swap3A_380, %swap3A_381], %mul3A_379 {strides = array<i32>} : memref<128x128xf32, #tpu.memory_space<vmem>>, vector<16xf32>,
          %scan3A_383 = arith.constant 0 : i32
          %scan3A_384 = arith.constant 4 : i32
          %scan3A_385 = arith.addi %scan3A_142, %scan3A_384 : i32
          %broadcast_in_dim3A_386 = vector.broadcast %scan3A_385 : i32 to vector<16xi32>
          %gather3A_387 = tpu.vector_load_idx %arg13[%broadcast_in_dim3A_386] : memref<128xf32, #tpu.memory_space<vmem>>[vector<16xi32>], vector<16xf32>,
          %get3A_388 = arith.index_cast %scan3A_385 : i32 to index
          %get3A_389 = arith.constant 0 : index
          %get3A_390 = tpu.vector_load %arg8[%get3A_388, %get3A_389] {strides = array<i32>} : memref<128x128xf32, #tpu.memory_space<vmem>>, vector<16xf32>,
          %mul3A_391 = arith.mulf %get3A_390, %gather3A_387 : vector<16xf32>
          %swap3A_392 = arith.index_cast %scan3A_385 : i32 to index
          %swap3A_393 = arith.constant 0 : index
          %swap3A_394 = tpu.vector_load %arg8[%swap3A_392, %swap3A_393] {strides = array<i32>} : memref<128x128xf32, #tpu.memory_space<vmem>>, vector<16xf32>,
          tpu.vector_store %arg8[%swap3A_392, %swap3A_393], %mul3A_391 {strides = array<i32>} : memref<128x128xf32, #tpu.memory_space<vmem>>, vector<16xf32>,
          %get3A_395 = arith.index_cast %scan3A_385 : i32 to index
          %get3A_396 = arith.constant 16 : index
          %get3A_397 = tpu.vector_load %arg8[%get3A_395, %get3A_396] {strides = array<i32>} : memref<128x128xf32, #tpu.memory_space<vmem>>, vector<16xf32>,
          %mul3A_398 = arith.mulf %get3A_397, %gather3A_387 : vector<16xf32>
          %swap3A_399 = arith.index_cast %scan3A_385 : i32 to index
          %swap3A_400 = arith.constant 16 : index
          %swap3A_401 = tpu.vector_load %arg8[%swap3A_399, %swap3A_400] {strides = array<i32>} : memref<128x128xf32, #tpu.memory_space<vmem>>, vector<16xf32>,
          tpu.vector_store %arg8[%swap3A_399, %swap3A_400], %mul3A_398 {strides = array<i32>} : memref<128x128xf32, #tpu.memory_space<vmem>>, vector<16xf32>,
          %get3A_402 = arith.index_cast %scan3A_385 : i32 to index
          %get3A_403 = arith.constant 32 : index
          %get3A_404 = tpu.vector_load %arg8[%get3A_402, %get3A_403] {strides = array<i32>} : memref<128x128xf32, #tpu.memory_space<vmem>>, vector<16xf32>,
          %mul3A_405 = arith.mulf %get3A_404, %gather3A_387 : vector<16xf32>
          %swap3A_406 = arith.index_cast %scan3A_385 : i32 to index
          %swap3A_407 = arith.constant 32 : index
          %swap3A_408 = tpu.vector_load %arg8[%swap3A_406, %swap3A_407] {strides = array<i32>} : memref<128x128xf32, #tpu.memory_space<vmem>>, vector<16xf32>,
          tpu.vector_store %arg8[%swap3A_406, %swap3A_407], %mul3A_405 {strides = array<i32>} : memref<128x128xf32, #tpu.memory_space<vmem>>, vector<16xf32>,
          %get3A_409 = arith.index_cast %scan3A_385 : i32 to index
          %get3A_410 = arith.constant 48 : index
          %get3A_411 = tpu.vector_load %arg8[%get3A_409, %get3A_410] {strides = array<i32>} : memref<128x128xf32, #tpu.memory_space<vmem>>, vector<16xf32>,
          %mul3A_412 = arith.mulf %get3A_411, %gather3A_387 : vector<16xf32>
          %swap3A_413 = arith.index_cast %scan3A_385 : i32 to index
          %swap3A_414 = arith.constant 48 : index
          %swap3A_415 = tpu.vector_load %arg8[%swap3A_413, %swap3A_414] {strides = array<i32>} : memref<128x128xf32, #tpu.memory_space<vmem>>, vector<16xf32>,
          tpu.vector_store %arg8[%swap3A_413, %swap3A_414], %mul3A_412 {strides = array<i32>} : memref<128x128xf32, #tpu.memory_space<vmem>>, vector<16xf32>,
          %get3A_416 = arith.index_cast %scan3A_385 : i32 to index
          %get3A_417 = arith.constant 64 : index
          %get3A_418 = tpu.vector_load %arg8[%get3A_416, %get3A_417] {strides = array<i32>} : memref<128x128xf32, #tpu.memory_space<vmem>>, vector<16xf32>,
          %mul3A_419 = arith.mulf %get3A_418, %gather3A_387 : vector<16xf32>
          %swap3A_420 = arith.index_cast %scan3A_385 : i32 to index
          %swap3A_421 = arith.constant 64 : index
          %swap3A_422 = tpu.vector_load %arg8[%swap3A_420, %swap3A_421] {strides = array<i32>} : memref<128x128xf32, #tpu.memory_space<vmem>>, vector<16xf32>,
          tpu.vector_store %arg8[%swap3A_420, %swap3A_421], %mul3A_419 {strides = array<i32>} : memref<128x128xf32, #tpu.memory_space<vmem>>, vector<16xf32>,
          %get3A_423 = arith.index_cast %scan3A_385 : i32 to index
          %get3A_424 = arith.constant 80 : index
          %get3A_425 = tpu.vector_load %arg8[%get3A_423, %get3A_424] {strides = array<i32>} : memref<128x128xf32, #tpu.memory_space<vmem>>, vector<16xf32>,
          %mul3A_426 = arith.mulf %get3A_425, %gather3A_387 : vector<16xf32>
          %swap3A_427 = arith.index_cast %scan3A_385 : i32 to index
          %swap3A_428 = arith.constant 80 : index
          %swap3A_429 = tpu.vector_load %arg8[%swap3A_427, %swap3A_428] {strides = array<i32>} : memref<128x128xf32, #tpu.memory_space<vmem>>, vector<16xf32>,
          tpu.vector_store %arg8[%swap3A_427, %swap3A_428], %mul3A_426 {strides = array<i32>} : memref<128x128xf32, #tpu.memory_space<vmem>>, vector<16xf32>,
          %get3A_430 = arith.index_cast %scan3A_385 : i32 to index
          %get3A_431 = arith.constant 96 : index
          %get3A_432 = tpu.vector_load %arg8[%get3A_430, %get3A_431] {strides = array<i32>} : memref<128x128xf32, #tpu.memory_space<vmem>>, vector<16xf32>,
          %mul3A_433 = arith.mulf %get3A_432, %gather3A_387 : vector<16xf32>
          %swap3A_434 = arith.index_cast %scan3A_385 : i32 to index
          %swap3A_435 = arith.constant 96 : index
          %swap3A_436 = tpu.vector_load %arg8[%swap3A_434, %swap3A_435] {strides = array<i32>} : memref<128x128xf32, #tpu.memory_space<vmem>>, vector<16xf32>,
          tpu.vector_store %arg8[%swap3A_434, %swap3A_435], %mul3A_433 {strides = array<i32>} : memref<128x128xf32, #tpu.memory_space<vmem>>, vector<16xf32>,
          %get3A_437 = arith.index_cast %scan3A_385 : i32 to index
          %get3A_438 = arith.constant 112 : index
          %get3A_439 = tpu.vector_load %arg8[%get3A_437, %get3A_438] {strides = array<i32>} : memref<128x128xf32, #tpu.memory_space<vmem>>, vector<16xf32>,
          %mul3A_440 = arith.mulf %get3A_439, %gather3A_387 : vector<16xf32>
          %swap3A_441 = arith.index_cast %scan3A_385 : i32 to index
          %swap3A_442 = arith.constant 112 : index
          %swap3A_443 = tpu.vector_load %arg8[%swap3A_441, %swap3A_442] {strides = array<i32>} : memref<128x128xf32, #tpu.memory_space<vmem>>, vector<16xf32>,
          tpu.vector_store %arg8[%swap3A_441, %swap3A_442], %mul3A_440 {strides = array<i32>} : memref<128x128xf32, #tpu.memory_space<vmem>>, vector<16xf32>,
          %scan3A_444 = arith.constant 0 : i32
          %scan3A_445 = arith.constant 5 : i32
          %scan3A_446 = arith.addi %scan3A_142, %scan3A_445 : i32
          %broadcast_in_dim3A_447 = vector.broadcast %scan3A_446 : i32 to vector<16xi32>
          %gather3A_448 = tpu.vector_load_idx %arg13[%broadcast_in_dim3A_447] : memref<128xf32, #tpu.memory_space<vmem>>[vector<16xi32>], vector<16xf32>,
          %get3A_449 = arith.index_cast %scan3A_446 : i32 to index
          %get3A_450 = arith.constant 0 : index
          %get3A_451 = tpu.vector_load %arg8[%get3A_449, %get3A_450] {strides = array<i32>} : memref<128x128xf32, #tpu.memory_space<vmem>>, vector<16xf32>,
          %mul3A_452 = arith.mulf %get3A_451, %gather3A_448 : vector<16xf32>
          %swap3A_453 = arith.index_cast %scan3A_446 : i32 to index
          %swap3A_454 = arith.constant 0 : index
          %swap3A_455 = tpu.vector_load %arg8[%swap3A_453, %swap3A_454] {strides = array<i32>} : memref<128x128xf32, #tpu.memory_space<vmem>>, vector<16xf32>,
          tpu.vector_store %arg8[%swap3A_453, %swap3A_454], %mul3A_452 {strides = array<i32>} : memref<128x128xf32, #tpu.memory_space<vmem>>, vector<16xf32>,
          %get3A_456 = arith.index_cast %scan3A_446 : i32 to index
          %get3A_457 = arith.constant 16 : index
          %get3A_458 = tpu.vector_load %arg8[%get3A_456, %get3A_457] {strides = array<i32>} : memref<128x128xf32, #tpu.memory_space<vmem>>, vector<16xf32>,
          %mul3A_459 = arith.mulf %get3A_458, %gather3A_448 : vector<16xf32>
          %swap3A_460 = arith.index_cast %scan3A_446 : i32 to index
          %swap3A_461 = arith.constant 16 : index
          %swap3A_462 = tpu.vector_load %arg8[%swap3A_460, %swap3A_461] {strides = array<i32>} : memref<128x128xf32, #tpu.memory_space<vmem>>, vector<16xf32>,
          tpu.vector_store %arg8[%swap3A_460, %swap3A_461], %mul3A_459 {strides = array<i32>} : memref<128x128xf32, #tpu.memory_space<vmem>>, vector<16xf32>,
          %get3A_463 = arith.index_cast %scan3A_446 : i32 to index
          %get3A_464 = arith.constant 32 : index
          %get3A_465 = tpu.vector_load %arg8[%get3A_463, %get3A_464] {strides = array<i32>} : memref<128x128xf32, #tpu.memory_space<vmem>>, vector<16xf32>,
          %mul3A_466 = arith.mulf %get3A_465, %gather3A_448 : vector<16xf32>
          %swap3A_467 = arith.index_cast %scan3A_446 : i32 to index
          %swap3A_468 = arith.constant 32 : index
          %swap3A_469 = tpu.vector_load %arg8[%swap3A_467, %swap3A_468] {strides = array<i32>} : memref<128x128xf32, #tpu.memory_space<vmem>>, vector<16xf32>,
          tpu.vector_store %arg8[%swap3A_467, %swap3A_468], %mul3A_466 {strides = array<i32>} : memref<128x128xf32, #tpu.memory_space<vmem>>, vector<16xf32>,
          %get3A_470 = arith.index_cast %scan3A_446 : i32 to index
          %get3A_471 = arith.constant 48 : index
          %get3A_472 = tpu.vector_load %arg8[%get3A_470, %get3A_471] {strides = array<i32>} : memref<128x128xf32, #tpu.memory_space<vmem>>, vector<16xf32>,
          %mul3A_473 = arith.mulf %get3A_472, %gather3A_448 : vector<16xf32>
          %swap3A_474 = arith.index_cast %scan3A_446 : i32 to index
          %swap3A_475 = arith.constant 48 : index
          %swap3A_476 = tpu.vector_load %arg8[%swap3A_474, %swap3A_475] {strides = array<i32>} : memref<128x128xf32, #tpu.memory_space<vmem>>, vector<16xf32>,
          tpu.vector_store %arg8[%swap3A_474, %swap3A_475], %mul3A_473 {strides = array<i32>} : memref<128x128xf32, #tpu.memory_space<vmem>>, vector<16xf32>,
          %get3A_477 = arith.index_cast %scan3A_446 : i32 to index
          %get3A_478 = arith.constant 64 : index
          %get3A_479 = tpu.vector_load %arg8[%get3A_477, %get3A_478] {strides = array<i32>} : memref<128x128xf32, #tpu.memory_space<vmem>>, vector<16xf32>,
          %mul3A_480 = arith.mulf %get3A_479, %gather3A_448 : vector<16xf32>
          %swap3A_481 = arith.index_cast %scan3A_446 : i32 to index
          %swap3A_482 = arith.constant 64 : index
          %swap3A_483 = tpu.vector_load %arg8[%swap3A_481, %swap3A_482] {strides = array<i32>} : memref<128x128xf32, #tpu.memory_space<vmem>>, vector<16xf32>,
          tpu.vector_store %arg8[%swap3A_481, %swap3A_482], %mul3A_480 {strides = array<i32>} : memref<128x128xf32, #tpu.memory_space<vmem>>, vector<16xf32>,
          %get3A_484 = arith.index_cast %scan3A_446 : i32 to index
          %get3A_485 = arith.constant 80 : index
          %get3A_486 = tpu.vector_load %arg8[%get3A_484, %get3A_485] {strides = array<i32>} : memref<128x128xf32, #tpu.memory_space<vmem>>, vector<16xf32>,
          %mul3A_487 = arith.mulf %get3A_486, %gather3A_448 : vector<16xf32>
          %swap3A_488 = arith.index_cast %scan3A_446 : i32 to index
          %swap3A_489 = arith.constant 80 : index
          %swap3A_490 = tpu.vector_load %arg8[%swap3A_488, %swap3A_489] {strides = array<i32>} : memref<128x128xf32, #tpu.memory_space<vmem>>, vector<16xf32>,
          tpu.vector_store %arg8[%swap3A_488, %swap3A_489], %mul3A_487 {strides = array<i32>} : memref<128x128xf32, #tpu.memory_space<vmem>>, vector<16xf32>,
          %get3A_491 = arith.index_cast %scan3A_446 : i32 to index
          %get3A_492 = arith.constant 96 : index
          %get3A_493 = tpu.vector_load %arg8[%get3A_491, %get3A_492] {strides = array<i32>} : memref<128x128xf32, #tpu.memory_space<vmem>>, vector<16xf32>,
          %mul3A_494 = arith.mulf %get3A_493, %gather3A_448 : vector<16xf32>
          %swap3A_495 = arith.index_cast %scan3A_446 : i32 to index
          %swap3A_496 = arith.constant 96 : index
          %swap3A_497 = tpu.vector_load %arg8[%swap3A_495, %swap3A_496] {strides = array<i32>} : memref<128x128xf32, #tpu.memory_space<vmem>>, vector<16xf32>,
          tpu.vector_store %arg8[%swap3A_495, %swap3A_496], %mul3A_494 {strides = array<i32>} : memref<128x128xf32, #tpu.memory_space<vmem>>, vector<16xf32>,
          %get3A_498 = arith.index_cast %scan3A_446 : i32 to index
          %get3A_499 = arith.constant 112 : index
          %get3A_500 = tpu.vector_load %arg8[%get3A_498, %get3A_499] {strides = array<i32>} : memref<128x128xf32, #tpu.memory_space<vmem>>, vector<16xf32>,
          %mul3A_501 = arith.mulf %get3A_500, %gather3A_448 : vector<16xf32>
          %swap3A_502 = arith.index_cast %scan3A_446 : i32 to index
          %swap3A_503 = arith.constant 112 : index
          %swap3A_504 = tpu.vector_load %arg8[%swap3A_502, %swap3A_503] {strides = array<i32>} : memref<128x128xf32, #tpu.memory_space<vmem>>, vector<16xf32>,
          tpu.vector_store %arg8[%swap3A_502, %swap3A_503], %mul3A_501 {strides = array<i32>} : memref<128x128xf32, #tpu.memory_space<vmem>>, vector<16xf32>,
          %scan3A_505 = arith.constant 0 : i32
          %scan3A_506 = arith.constant 6 : i32
          %scan3A_507 = arith.addi %scan3A_142, %scan3A_506 : i32
          %broadcast_in_dim3A_508 = vector.broadcast %scan3A_507 : i32 to vector<16xi32>
          %gather3A_509 = tpu.vector_load_idx %arg13[%broadcast_in_dim3A_508] : memref<128xf32, #tpu.memory_space<vmem>>[vector<16xi32>], vector<16xf32>,
          %get3A_510 = arith.index_cast %scan3A_507 : i32 to index
          %get3A_511 = arith.constant 0 : index
          %get3A_512 = tpu.vector_load %arg8[%get3A_510, %get3A_511] {strides = array<i32>} : memref<128x128xf32, #tpu.memory_space<vmem>>, vector<16xf32>,
          %mul3A_513 = arith.mulf %get3A_512, %gather3A_509 : vector<16xf32>
          %swap3A_514 = arith.index_cast %scan3A_507 : i32 to index
          %swap3A_515 = arith.constant 0 : index
          %swap3A_516 = tpu.vector_load %arg8[%swap3A_514, %swap3A_515] {strides = array<i32>} : memref<128x128xf32, #tpu.memory_space<vmem>>, vector<16xf32>,
          tpu.vector_store %arg8[%swap3A_514, %swap3A_515], %mul3A_513 {strides = array<i32>} : memref<128x128xf32, #tpu.memory_space<vmem>>, vector<16xf32>,
          %get3A_517 = arith.index_cast %scan3A_507 : i32 to index
          %get3A_518 = arith.constant 16 : index
          %get3A_519 = tpu.vector_load %arg8[%get3A_517, %get3A_518] {strides = array<i32>} : memref<128x128xf32, #tpu.memory_space<vmem>>, vector<16xf32>,
          %mul3A_520 = arith.mulf %get3A_519, %gather3A_509 : vector<16xf32>
          %swap3A_521 = arith.index_cast %scan3A_507 : i32 to index
          %swap3A_522 = arith.constant 16 : index
          %swap3A_523 = tpu.vector_load %arg8[%swap3A_521, %swap3A_522] {strides = array<i32>} : memref<128x128xf32, #tpu.memory_space<vmem>>, vector<16xf32>,
          tpu.vector_store %arg8[%swap3A_521, %swap3A_522], %mul3A_520 {strides = array<i32>} : memref<128x128xf32, #tpu.memory_space<vmem>>, vector<16xf32>,
          %get3A_524 = arith.index_cast %scan3A_507 : i32 to index
          %get3A_525 = arith.constant 32 : index
          %get3A_526 = tpu.vector_load %arg8[%get3A_524, %get3A_525] {strides = array<i32>} : memref<128x128xf32, #tpu.memory_space<vmem>>, vector<16xf32>,
          %mul3A_527 = arith.mulf %get3A_526, %gather3A_509 : vector<16xf32>
          %swap3A_528 = arith.index_cast %scan3A_507 : i32 to index
          %swap3A_529 = arith.constant 32 : index
          %swap3A_530 = tpu.vector_load %arg8[%swap3A_528, %swap3A_529] {strides = array<i32>} : memref<128x128xf32, #tpu.memory_space<vmem>>, vector<16xf32>,
          tpu.vector_store %arg8[%swap3A_528, %swap3A_529], %mul3A_527 {strides = array<i32>} : memref<128x128xf32, #tpu.memory_space<vmem>>, vector<16xf32>,
          %get3A_531 = arith.index_cast %scan3A_507 : i32 to index
          %get3A_532 = arith.constant 48 : index
          %get3A_533 = tpu.vector_load %arg8[%get3A_531, %get3A_532] {strides = array<i32>} : memref<128x128xf32, #tpu.memory_space<vmem>>, vector<16xf32>,
          %mul3A_534 = arith.mulf %get3A_533, %gather3A_509 : vector<16xf32>
          %swap3A_535 = arith.index_cast %scan3A_507 : i32 to index
          %swap3A_536 = arith.constant 48 : index
          %swap3A_537 = tpu.vector_load %arg8[%swap3A_535, %swap3A_536] {strides = array<i32>} : memref<128x128xf32, #tpu.memory_space<vmem>>, vector<16xf32>,
          tpu.vector_store %arg8[%swap3A_535, %swap3A_536], %mul3A_534 {strides = array<i32>} : memref<128x128xf32, #tpu.memory_space<vmem>>, vector<16xf32>,
          %get3A_538 = arith.index_cast %scan3A_507 : i32 to index
          %get3A_539 = arith.constant 64 : index
          %get3A_540 = tpu.vector_load %arg8[%get3A_538, %get3A_539] {strides = array<i32>} : memref<128x128xf32, #tpu.memory_space<vmem>>, vector<16xf32>,
          %mul3A_541 = arith.mulf %get3A_540, %gather3A_509 : vector<16xf32>
          %swap3A_542 = arith.index_cast %scan3A_507 : i32 to index
          %swap3A_543 = arith.constant 64 : index
          %swap3A_544 = tpu.vector_load %arg8[%swap3A_542, %swap3A_543] {strides = array<i32>} : memref<128x128xf32, #tpu.memory_space<vmem>>, vector<16xf32>,
          tpu.vector_store %arg8[%swap3A_542, %swap3A_543], %mul3A_541 {strides = array<i32>} : memref<128x128xf32, #tpu.memory_space<vmem>>, vector<16xf32>,
          %get3A_545 = arith.index_cast %scan3A_507 : i32 to index
          %get3A_546 = arith.constant 80 : index
          %get3A_547 = tpu.vector_load %arg8[%get3A_545, %get3A_546] {strides = array<i32>} : memref<128x128xf32, #tpu.memory_space<vmem>>, vector<16xf32>,
          %mul3A_548 = arith.mulf %get3A_547, %gather3A_509 : vector<16xf32>
          %swap3A_549 = arith.index_cast %scan3A_507 : i32 to index
          %swap3A_550 = arith.constant 80 : index
          %swap3A_551 = tpu.vector_load %arg8[%swap3A_549, %swap3A_550] {strides = array<i32>} : memref<128x128xf32, #tpu.memory_space<vmem>>, vector<16xf32>,
          tpu.vector_store %arg8[%swap3A_549, %swap3A_550], %mul3A_548 {strides = array<i32>} : memref<128x128xf32, #tpu.memory_space<vmem>>, vector<16xf32>,
          %get3A_552 = arith.index_cast %scan3A_507 : i32 to index
          %get3A_553 = arith.constant 96 : index
          %get3A_554 = tpu.vector_load %arg8[%get3A_552, %get3A_553] {strides = array<i32>} : memref<128x128xf32, #tpu.memory_space<vmem>>, vector<16xf32>,
          %mul3A_555 = arith.mulf %get3A_554, %gather3A_509 : vector<16xf32>
          %swap3A_556 = arith.index_cast %scan3A_507 : i32 to index
          %swap3A_557 = arith.constant 96 : index
          %swap3A_558 = tpu.vector_load %arg8[%swap3A_556, %swap3A_557] {strides = array<i32>} : memref<128x128xf32, #tpu.memory_space<vmem>>, vector<16xf32>,
          tpu.vector_store %arg8[%swap3A_556, %swap3A_557], %mul3A_555 {strides = array<i32>} : memref<128x128xf32, #tpu.memory_space<vmem>>, vector<16xf32>,
          %get3A_559 = arith.index_cast %scan3A_507 : i32 to index
          %get3A_560 = arith.constant 112 : index
          %get3A_561 = tpu.vector_load %arg8[%get3A_559, %get3A_560] {strides = array<i32>} : memref<128x128xf32, #tpu.memory_space<vmem>>, vector<16xf32>,
          %mul3A_562 = arith.mulf %get3A_561, %gather3A_509 : vector<16xf32>
          %swap3A_563 = arith.index_cast %scan3A_507 : i32 to index
          %swap3A_564 = arith.constant 112 : index
          %swap3A_565 = tpu.vector_load %arg8[%swap3A_563, %swap3A_564] {strides = array<i32>} : memref<128x128xf32, #tpu.memory_space<vmem>>, vector<16xf32>,
          tpu.vector_store %arg8[%swap3A_563, %swap3A_564], %mul3A_562 {strides = array<i32>} : memref<128x128xf32, #tpu.memory_space<vmem>>, vector<16xf32>,
          %scan3A_566 = arith.constant 0 : i32
          %scan3A_567 = arith.constant 7 : i32
          %scan3A_568 = arith.addi %scan3A_142, %scan3A_567 : i32
          %broadcast_in_dim3A_569 = vector.broadcast %scan3A_568 : i32 to vector<16xi32>
          %gather3A_570 = tpu.vector_load_idx %arg13[%broadcast_in_dim3A_569] : memref<128xf32, #tpu.memory_space<vmem>>[vector<16xi32>], vector<16xf32>,
          %get3A_571 = arith.index_cast %scan3A_568 : i32 to index
          %get3A_572 = arith.constant 0 : index
          %get3A_573 = tpu.vector_load %arg8[%get3A_571, %get3A_572] {strides = array<i32>} : memref<128x128xf32, #tpu.memory_space<vmem>>, vector<16xf32>,
          %mul3A_574 = arith.mulf %get3A_573, %gather3A_570 : vector<16xf32>
          %swap3A_575 = arith.index_cast %scan3A_568 : i32 to index
          %swap3A_576 = arith.constant 0 : index
          %swap3A_577 = tpu.vector_load %arg8[%swap3A_575, %swap3A_576] {strides = array<i32>} : memref<128x128xf32, #tpu.memory_space<vmem>>, vector<16xf32>,
          tpu.vector_store %arg8[%swap3A_575, %swap3A_576], %mul3A_574 {strides = array<i32>} : memref<128x128xf32, #tpu.memory_space<vmem>>, vector<16xf32>,
          %get3A_578 = arith.index_cast %scan3A_568 : i32 to index
          %get3A_579 = arith.constant 16 : index
          %get3A_580 = tpu.vector_load %arg8[%get3A_578, %get3A_579] {strides = array<i32>} : memref<128x128xf32, #tpu.memory_space<vmem>>, vector<16xf32>,
          %mul3A_581 = arith.mulf %get3A_580, %gather3A_570 : vector<16xf32>
          %swap3A_582 = arith.index_cast %scan3A_568 : i32 to index
          %swap3A_583 = arith.constant 16 : index
          %swap3A_584 = tpu.vector_load %arg8[%swap3A_582, %swap3A_583] {strides = array<i32>} : memref<128x128xf32, #tpu.memory_space<vmem>>, vector<16xf32>,
          tpu.vector_store %arg8[%swap3A_582, %swap3A_583], %mul3A_581 {strides = array<i32>} : memref<128x128xf32, #tpu.memory_space<vmem>>, vector<16xf32>,
          %get3A_585 = arith.index_cast %scan3A_568 : i32 to index
          %get3A_586 = arith.constant 32 : index
          %get3A_587 = tpu.vector_load %arg8[%get3A_585, %get3A_586] {strides = array<i32>} : memref<128x128xf32, #tpu.memory_space<vmem>>, vector<16xf32>,
          %mul3A_588 = arith.mulf %get3A_587, %gather3A_570 : vector<16xf32>
          %swap3A_589 = arith.index_cast %scan3A_568 : i32 to index
          %swap3A_590 = arith.constant 32 : index
          %swap3A_591 = tpu.vector_load %arg8[%swap3A_589, %swap3A_590] {strides = array<i32>} : memref<128x128xf32, #tpu.memory_space<vmem>>, vector<16xf32>,
          tpu.vector_store %arg8[%swap3A_589, %swap3A_590], %mul3A_588 {strides = array<i32>} : memref<128x128xf32, #tpu.memory_space<vmem>>, vector<16xf32>,
          %get3A_592 = arith.index_cast %scan3A_568 : i32 to index
          %get3A_593 = arith.constant 48 : index
          %get3A_594 = tpu.vector_load %arg8[%get3A_592, %get3A_593] {strides = array<i32>} : memref<128x128xf32, #tpu.memory_space<vmem>>, vector<16xf32>,
          %mul3A_595 = arith.mulf %get3A_594, %gather3A_570 : vector<16xf32>
          %swap3A_596 = arith.index_cast %scan3A_568 : i32 to index
          %swap3A_597 = arith.constant 48 : index
          %swap3A_598 = tpu.vector_load %arg8[%swap3A_596, %swap3A_597] {strides = array<i32>} : memref<128x128xf32, #tpu.memory_space<vmem>>, vector<16xf32>,
          tpu.vector_store %arg8[%swap3A_596, %swap3A_597], %mul3A_595 {strides = array<i32>} : memref<128x128xf32, #tpu.memory_space<vmem>>, vector<16xf32>,
          %get3A_599 = arith.index_cast %scan3A_568 : i32 to index
          %get3A_600 = arith.constant 64 : index
          %get3A_601 = tpu.vector_load %arg8[%get3A_599, %get3A_600] {strides = array<i32>} : memref<128x128xf32, #tpu.memory_space<vmem>>, vector<16xf32>,
          %mul3A_602 = arith.mulf %get3A_601, %gather3A_570 : vector<16xf32>
          %swap3A_603 = arith.index_cast %scan3A_568 : i32 to index
          %swap3A_604 = arith.constant 64 : index
          %swap3A_605 = tpu.vector_load %arg8[%swap3A_603, %swap3A_604] {strides = array<i32>} : memref<128x128xf32, #tpu.memory_space<vmem>>, vector<16xf32>,
          tpu.vector_store %arg8[%swap3A_603, %swap3A_604], %mul3A_602 {strides = array<i32>} : memref<128x128xf32, #tpu.memory_space<vmem>>, vector<16xf32>,
          %get3A_606 = arith.index_cast %scan3A_568 : i32 to index
          %get3A_607 = arith.constant 80 : index
          %get3A_608 = tpu.vector_load %arg8[%get3A_606, %get3A_607] {strides = array<i32>} : memref<128x128xf32, #tpu.memory_space<vmem>>, vector<16xf32>,
          %mul3A_609 = arith.mulf %get3A_608, %gather3A_570 : vector<16xf32>
          %swap3A_610 = arith.index_cast %scan3A_568 : i32 to index
          %swap3A_611 = arith.constant 80 : index
          %swap3A_612 = tpu.vector_load %arg8[%swap3A_610, %swap3A_611] {strides = array<i32>} : memref<128x128xf32, #tpu.memory_space<vmem>>, vector<16xf32>,
          tpu.vector_store %arg8[%swap3A_610, %swap3A_611], %mul3A_609 {strides = array<i32>} : memref<128x128xf32, #tpu.memory_space<vmem>>, vector<16xf32>,
          %get3A_613 = arith.index_cast %scan3A_568 : i32 to index
          %get3A_614 = arith.constant 96 : index
          %get3A_615 = tpu.vector_load %arg8[%get3A_613, %get3A_614] {strides = array<i32>} : memref<128x128xf32, #tpu.memory_space<vmem>>, vector<16xf32>,
          %mul3A_616 = arith.mulf %get3A_615, %gather3A_570 : vector<16xf32>
          %swap3A_617 = arith.index_cast %scan3A_568 : i32 to index
          %swap3A_618 = arith.constant 96 : index
          %swap3A_619 = tpu.vector_load %arg8[%swap3A_617, %swap3A_618] {strides = array<i32>} : memref<128x128xf32, #tpu.memory_space<vmem>>, vector<16xf32>,
          tpu.vector_store %arg8[%swap3A_617, %swap3A_618], %mul3A_616 {strides = array<i32>} : memref<128x128xf32, #tpu.memory_space<vmem>>, vector<16xf32>,
          %get3A_620 = arith.index_cast %scan3A_568 : i32 to index
          %get3A_621 = arith.constant 112 : index
          %get3A_622 = tpu.vector_load %arg8[%get3A_620, %get3A_621] {strides = array<i32>} : memref<128x128xf32, #tpu.memory_space<vmem>>, vector<16xf32>,
          %mul3A_623 = arith.mulf %get3A_622, %gather3A_570 : vector<16xf32>
          %swap3A_624 = arith.index_cast %scan3A_568 : i32 to index
          %swap3A_625 = arith.constant 112 : index
          %swap3A_626 = tpu.vector_load %arg8[%swap3A_624, %swap3A_625] {strides = array<i32>} : memref<128x128xf32, #tpu.memory_space<vmem>>, vector<16xf32>,
          tpu.vector_store %arg8[%swap3A_624, %swap3A_625], %mul3A_623 {strides = array<i32>} : memref<128x128xf32, #tpu.memory_space<vmem>>, vector<16xf32>,
          %scan3A_627 = arith.constant 0 : i32
          scf.yield %scan3A_627 : i32
        }
        %scan3A_141 = arith.constant 128 : i32
        "tpu.region"() ({
          %run_scoped3A = tpu.sem_alloc : memref<!tpu.dma_semaphore, #tpu.memory_space<semaphore_mem>>
          %dma_start3A_142 = arith.constant 0 : i32
          %dma_start3A_143 = arith.constant 0 : i32
          %dma_start3A_144 = tpu.memref_slice %arg14[%dma_start3A_142, %dma_start3A_143] : memref<10240x128xf32, #tpu.memory_space<vmem_shared>> -> memref<10240x128xf32, #tpu.memory_space<vmem_shared>>
          tpu.enqueue_indirect_dma source(%arg8 : memref<128x128xf32, #tpu.memory_space<vmem>>) target(%dma_start3A_144 : memref<10240x128xf32, #tpu.memory_space<vmem_shared>>) offsets(%arg10 : memref<128xi32, #tpu.memory_space<vmem>>) semaphore(%run_scoped3A : memref<!tpu.dma_semaphore, #tpu.memory_space<semaphore_mem>>) {add = true}
          %dma_wait3A_145 = arith.constant 0 : i32
          %dma_wait3A_146 = arith.constant 0 : i32
          %dma_wait3A_147 = tpu.memref_slice %arg14[%dma_wait3A_145, %dma_wait3A_146] : memref<10240x128xf32, #tpu.memory_space<vmem_shared>> -> memref<10240x128xf32, #tpu.memory_space<vmem_shared>>
          tpu.wait_indirect_dma semaphore(%run_scoped3A : memref<!tpu.dma_semaphore, #tpu.memory_space<semaphore_mem>>) src(%arg8 : memref<128x128xf32, #tpu.memory_space<vmem>>) dst(%dma_wait3A_147 : memref<10240x128xf32, #tpu.memory_space<vmem_shared>>)
          tpu.yield
        }) : () -> ()
      } else {
      }
      %scan3A_34 = arith.constant 0 : i32
      scf.yield %scan3A_34 : i32
    }
    %scan3A_25 = arith.constant 79 : i32
    %barrier3A_26 = arith.constant 0 : index
    tpu.barrier barrier_id(%barrier3A_26)
    "tpu.region"() ({
      %run_scoped3A = tpu.sem_alloc : memref<!tpu.dma_semaphore, #tpu.memory_space<semaphore_mem>>
      %dma_start3A = arith.constant 0 : i32
      %dma_start3A_27 = tpu.memref_slice %arg7[%arg0, %mul3A_2, %dma_start3A] : memref<2x10240x128xf32, #tpu.memory_space<hbm>> -> memref<1x640x128xf32, #tpu.memory_space<hbm>>
      %dma_start3A_28 = tpu.memref_squeeze %dma_start3A_27 : memref<1x640x128xf32, #tpu.memory_space<hbm>> -> memref<640x128xf32, #tpu.memory_space<hbm>>
      %dma_start3A_29 = arith.constant 0 : i32
      %dma_start3A_30 = tpu.memref_slice %arg14[%mul3A_2, %dma_start3A_29] : memref<10240x128xf32, #tpu.memory_space<vmem_shared>> -> memref<640x128xf32, #tpu.memory_space<vmem_shared>>
      tpu.enqueue_dma source(%dma_start3A_30 : memref<640x128xf32, #tpu.memory_space<vmem_shared>>) target(%dma_start3A_28 : memref<640x128xf32, #tpu.memory_space<hbm>>) target_semaphore(%run_scoped3A : memref<!tpu.dma_semaphore, #tpu.memory_space<semaphore_mem>>)
      %dma_wait3A = arith.constant 0 : i32
      %dma_wait3A_31 = tpu.memref_slice %arg7[%arg0, %mul3A_2, %dma_wait3A] : memref<2x10240x128xf32, #tpu.memory_space<hbm>> -> memref<1x640x128xf32, #tpu.memory_space<hbm>>
      %dma_wait3A_32 = tpu.memref_squeeze %dma_wait3A_31 : memref<1x640x128xf32, #tpu.memory_space<hbm>> -> memref<640x128xf32, #tpu.memory_space<hbm>>
      %dma_wait3A_33 = arith.constant 0 : i32
      %dma_wait3A_34 = tpu.memref_slice %arg14[%mul3A_2, %dma_wait3A_33] : memref<10240x128xf32, #tpu.memory_space<vmem_shared>> -> memref<640x128xf32, #tpu.memory_space<vmem_shared>>
      tpu.wait_dma2 semaphore(%run_scoped3A : memref<!tpu.dma_semaphore, #tpu.memory_space<semaphore_mem>>) src(%dma_wait3A_34 : memref<640x128xf32, #tpu.memory_space<vmem_shared>>) dst(%dma_wait3A_32 : memref<640x128xf32, #tpu.memory_space<hbm>>)
      tpu.yield
    }) : () -> ()
    return
  }
}

module attributes {stable_mosaic.version = 14 : i64} {
  func.func @_tc_a_body(%arg0: i32, %arg1: memref<512x128xf32, #tpu.memory_space<vmem>>, %arg2: memref<10x128x128xf32, #tpu.memory_space<vmem>>, %arg3: memref<8x10xf32, #tpu.memory_space<vmem>>, %arg4: memref<128x128xf32, #tpu.memory_space<vmem>>, %arg5: memref<1x128xf32, #tpu.memory_space<vmem>>, %arg6: memref<32x512x8xf32, #tpu.memory_space<vmem>>, %arg7: memref<512x8x128xf32, #tpu.memory_space<vmem>>, %arg8: memref<512x128xf32, #tpu.memory_space<vmem>>, %arg9: memref<512x8xf32, #tpu.memory_space<vmem>>) attributes {dimension_semantics = [#tpu.dimension_semantics<arbitrary>], iteration_bounds = array<i64: 20>, scalar_prefetch = 0 : i64, scratch_operands = 0 : i64, tpu.core_type = #tpu.core_type<tc>, window_params = [{transform_indices = @transform_0, window_bounds = array<i64: 512, 128>}, {pipeline_mode = #tpu.pipeline_mode<synchronous>, transform_indices = @transform_1, window_bounds = array<i64: 10, 128, 128>}, {pipeline_mode = #tpu.pipeline_mode<synchronous>, transform_indices = @transform_2, window_bounds = array<i64: 8, 10>}, {pipeline_mode = #tpu.pipeline_mode<synchronous>, transform_indices = @transform_3, window_bounds = array<i64: 128, 128>}, {pipeline_mode = #tpu.pipeline_mode<synchronous>, transform_indices = @transform_4, window_bounds = array<i64: 1, 128>}, {transform_indices = @transform_5, window_bounds = array<i64: 32, 512, 8>}, {transform_indices = @transform_6, window_bounds = array<i64: 512, 8, 128>}, {transform_indices = @transform_7, window_bounds = array<i64: 512, 128>}, {transform_indices = @transform_8, window_bounds = array<i64: 512, 8>}]} {
    %get3A = arith.constant 0 : index
    %get3A_0 = arith.constant 0 : index
    %get3A_1 = vector.load %arg1[%get3A, %get3A_0] : memref<512x128xf32, #tpu.memory_space<vmem>>, vector<512x128xf32>
    %get3A_2 = arith.constant 0 : index
    %get3A_3 = arith.constant 0 : index
    %get3A_4 = arith.constant 0 : index
    %get3A_5 = vector.load %arg2[%get3A_2, %get3A_3, %get3A_4] : memref<10x128x128xf32, #tpu.memory_space<vmem>>, vector<10x128x128xf32>
    %reshape3A = vector.shape_cast %get3A_5 : vector<10x128x128xf32> to vector<10x16384xf32>
    %get3A_6 = arith.constant 0 : index
    %get3A_7 = arith.constant 0 : index
    %get3A_8 = vector.load %arg3[%get3A_6, %get3A_7] : memref<8x10xf32, #tpu.memory_space<vmem>>, vector<8x10xf32>
    %dot_general3A = arith.constant dense<0.000000e+00> : vector<8x16384xf32>
    %dot_general3A_9 = tpu.matmul %get3A_8, %reshape3A, %dot_general3A {dimension_numbers = #tpu.dot_dimension_numbers<[1], [0], [0], [1], [0, 0, 1, 1], [], []>, transpose_lhs_hint = false} : vector<8x10xf32>, vector<10x16384xf32>, vector<8x16384xf32> -> vector<8x16384xf32>
    %slice3A = vector.extract_strided_slice %dot_general3A_9 {offsets = [0, 0], sizes = [1, 16384], strides = [1, 1]} : vector<8x16384xf32> to vector<1x16384xf32>
    %squeeze3A = vector.shape_cast %slice3A : vector<1x16384xf32> to vector<16384xf32>
    %reshape3A_10 = vector.shape_cast %squeeze3A : vector<16384xf32> to vector<128x128xf32>
    %dot_general3A_11 = arith.constant dense<0.000000e+00> : vector<512x128xf32>
    %dot_general3A_12 = tpu.matmul %get3A_1, %reshape3A_10, %dot_general3A_11 {dimension_numbers = #tpu.dot_dimension_numbers<[1], [0], [0], [1], [0, 0, 1, 1], [], []>, transpose_lhs_hint = false} : vector<512x128xf32>, vector<128x128xf32>, vector<512x128xf32> -> vector<512x128xf32>
    %swap3A = arith.constant 0 : index
    %swap3A_13 = arith.constant 0 : index
    %swap3A_14 = arith.constant 0 : index
    %swap3A_15 = vector.load %arg7[%swap3A, %swap3A_13, %swap3A_14] : memref<512x8x128xf32, #tpu.memory_space<vmem>>, vector<512x1x128xf32>
    %swap3A_16 = vector.shape_cast %swap3A_15 : vector<512x1x128xf32> to vector<512x128xf32>
    %swap3A_17 = vector.shape_cast %dot_general3A_12 : vector<512x128xf32> to vector<512x1x128xf32>
    tpu.vector_store %arg7[%swap3A, %swap3A_13, %swap3A_14], %swap3A_17 {strides = array<i32>} : memref<512x8x128xf32, #tpu.memory_space<vmem>>, vector<512x1x128xf32>,
    %slice3A_18 = vector.extract_strided_slice %dot_general3A_9 {offsets = [1, 0], sizes = [1, 16384], strides = [1, 1]} : vector<8x16384xf32> to vector<1x16384xf32>
    %squeeze3A_19 = vector.shape_cast %slice3A_18 : vector<1x16384xf32> to vector<16384xf32>
    %reshape3A_20 = vector.shape_cast %squeeze3A_19 : vector<16384xf32> to vector<128x128xf32>
    %dot_general3A_21 = arith.constant dense<0.000000e+00> : vector<512x128xf32>
    %dot_general3A_22 = tpu.matmul %get3A_1, %reshape3A_20, %dot_general3A_21 {dimension_numbers = #tpu.dot_dimension_numbers<[1], [0], [0], [1], [0, 0, 1, 1], [], []>, transpose_lhs_hint = false} : vector<512x128xf32>, vector<128x128xf32>, vector<512x128xf32> -> vector<512x128xf32>
    %swap3A_23 = arith.constant 0 : index
    %swap3A_24 = arith.constant 1 : index
    %swap3A_25 = arith.constant 0 : index
    %swap3A_26 = vector.load %arg7[%swap3A_23, %swap3A_24, %swap3A_25] : memref<512x8x128xf32, #tpu.memory_space<vmem>>, vector<512x1x128xf32>
    %swap3A_27 = vector.shape_cast %swap3A_26 : vector<512x1x128xf32> to vector<512x128xf32>
    %swap3A_28 = vector.shape_cast %dot_general3A_22 : vector<512x128xf32> to vector<512x1x128xf32>
    tpu.vector_store %arg7[%swap3A_23, %swap3A_24, %swap3A_25], %swap3A_28 {strides = array<i32>} : memref<512x8x128xf32, #tpu.memory_space<vmem>>, vector<512x1x128xf32>,
    %slice3A_29 = vector.extract_strided_slice %dot_general3A_9 {offsets = [2, 0], sizes = [1, 16384], strides = [1, 1]} : vector<8x16384xf32> to vector<1x16384xf32>
    %squeeze3A_30 = vector.shape_cast %slice3A_29 : vector<1x16384xf32> to vector<16384xf32>
    %reshape3A_31 = vector.shape_cast %squeeze3A_30 : vector<16384xf32> to vector<128x128xf32>
    %dot_general3A_32 = arith.constant dense<0.000000e+00> : vector<512x128xf32>
    %dot_general3A_33 = tpu.matmul %get3A_1, %reshape3A_31, %dot_general3A_32 {dimension_numbers = #tpu.dot_dimension_numbers<[1], [0], [0], [1], [0, 0, 1, 1], [], []>, transpose_lhs_hint = false} : vector<512x128xf32>, vector<128x128xf32>, vector<512x128xf32> -> vector<512x128xf32>
    %swap3A_34 = arith.constant 0 : index
    %swap3A_35 = arith.constant 2 : index
    %swap3A_36 = arith.constant 0 : index
    %swap3A_37 = vector.load %arg7[%swap3A_34, %swap3A_35, %swap3A_36] : memref<512x8x128xf32, #tpu.memory_space<vmem>>, vector<512x1x128xf32>
    %swap3A_38 = vector.shape_cast %swap3A_37 : vector<512x1x128xf32> to vector<512x128xf32>
    %swap3A_39 = vector.shape_cast %dot_general3A_33 : vector<512x128xf32> to vector<512x1x128xf32>
    tpu.vector_store %arg7[%swap3A_34, %swap3A_35, %swap3A_36], %swap3A_39 {strides = array<i32>} : memref<512x8x128xf32, #tpu.memory_space<vmem>>, vector<512x1x128xf32>,
    %slice3A_40 = vector.extract_strided_slice %dot_general3A_9 {offsets = [3, 0], sizes = [1, 16384], strides = [1, 1]} : vector<8x16384xf32> to vector<1x16384xf32>
    %squeeze3A_41 = vector.shape_cast %slice3A_40 : vector<1x16384xf32> to vector<16384xf32>
    %reshape3A_42 = vector.shape_cast %squeeze3A_41 : vector<16384xf32> to vector<128x128xf32>
    %dot_general3A_43 = arith.constant dense<0.000000e+00> : vector<512x128xf32>
    %dot_general3A_44 = tpu.matmul %get3A_1, %reshape3A_42, %dot_general3A_43 {dimension_numbers = #tpu.dot_dimension_numbers<[1], [0], [0], [1], [0, 0, 1, 1], [], []>, transpose_lhs_hint = false} : vector<512x128xf32>, vector<128x128xf32>, vector<512x128xf32> -> vector<512x128xf32>
    %swap3A_45 = arith.constant 0 : index
    %swap3A_46 = arith.constant 3 : index
    %swap3A_47 = arith.constant 0 : index
    %swap3A_48 = vector.load %arg7[%swap3A_45, %swap3A_46, %swap3A_47] : memref<512x8x128xf32, #tpu.memory_space<vmem>>, vector<512x1x128xf32>
    %swap3A_49 = vector.shape_cast %swap3A_48 : vector<512x1x128xf32> to vector<512x128xf32>
    %swap3A_50 = vector.shape_cast %dot_general3A_44 : vector<512x128xf32> to vector<512x1x128xf32>
    tpu.vector_store %arg7[%swap3A_45, %swap3A_46, %swap3A_47], %swap3A_50 {strides = array<i32>} : memref<512x8x128xf32, #tpu.memory_space<vmem>>, vector<512x1x128xf32>,
    %slice3A_51 = vector.extract_strided_slice %dot_general3A_9 {offsets = [4, 0], sizes = [1, 16384], strides = [1, 1]} : vector<8x16384xf32> to vector<1x16384xf32>
    %squeeze3A_52 = vector.shape_cast %slice3A_51 : vector<1x16384xf32> to vector<16384xf32>
    %reshape3A_53 = vector.shape_cast %squeeze3A_52 : vector<16384xf32> to vector<128x128xf32>
    %dot_general3A_54 = arith.constant dense<0.000000e+00> : vector<512x128xf32>
    %dot_general3A_55 = tpu.matmul %get3A_1, %reshape3A_53, %dot_general3A_54 {dimension_numbers = #tpu.dot_dimension_numbers<[1], [0], [0], [1], [0, 0, 1, 1], [], []>, transpose_lhs_hint = false} : vector<512x128xf32>, vector<128x128xf32>, vector<512x128xf32> -> vector<512x128xf32>
    %swap3A_56 = arith.constant 0 : index
    %swap3A_57 = arith.constant 4 : index
    %swap3A_58 = arith.constant 0 : index
    %swap3A_59 = vector.load %arg7[%swap3A_56, %swap3A_57, %swap3A_58] : memref<512x8x128xf32, #tpu.memory_space<vmem>>, vector<512x1x128xf32>
    %swap3A_60 = vector.shape_cast %swap3A_59 : vector<512x1x128xf32> to vector<512x128xf32>
    %swap3A_61 = vector.shape_cast %dot_general3A_55 : vector<512x128xf32> to vector<512x1x128xf32>
    tpu.vector_store %arg7[%swap3A_56, %swap3A_57, %swap3A_58], %swap3A_61 {strides = array<i32>} : memref<512x8x128xf32, #tpu.memory_space<vmem>>, vector<512x1x128xf32>,
    %slice3A_62 = vector.extract_strided_slice %dot_general3A_9 {offsets = [5, 0], sizes = [1, 16384], strides = [1, 1]} : vector<8x16384xf32> to vector<1x16384xf32>
    %squeeze3A_63 = vector.shape_cast %slice3A_62 : vector<1x16384xf32> to vector<16384xf32>
    %reshape3A_64 = vector.shape_cast %squeeze3A_63 : vector<16384xf32> to vector<128x128xf32>
    %dot_general3A_65 = arith.constant dense<0.000000e+00> : vector<512x128xf32>
    %dot_general3A_66 = tpu.matmul %get3A_1, %reshape3A_64, %dot_general3A_65 {dimension_numbers = #tpu.dot_dimension_numbers<[1], [0], [0], [1], [0, 0, 1, 1], [], []>, transpose_lhs_hint = false} : vector<512x128xf32>, vector<128x128xf32>, vector<512x128xf32> -> vector<512x128xf32>
    %swap3A_67 = arith.constant 0 : index
    %swap3A_68 = arith.constant 5 : index
    %swap3A_69 = arith.constant 0 : index
    %swap3A_70 = vector.load %arg7[%swap3A_67, %swap3A_68, %swap3A_69] : memref<512x8x128xf32, #tpu.memory_space<vmem>>, vector<512x1x128xf32>
    %swap3A_71 = vector.shape_cast %swap3A_70 : vector<512x1x128xf32> to vector<512x128xf32>
    %swap3A_72 = vector.shape_cast %dot_general3A_66 : vector<512x128xf32> to vector<512x1x128xf32>
    tpu.vector_store %arg7[%swap3A_67, %swap3A_68, %swap3A_69], %swap3A_72 {strides = array<i32>} : memref<512x8x128xf32, #tpu.memory_space<vmem>>, vector<512x1x128xf32>,
    %slice3A_73 = vector.extract_strided_slice %dot_general3A_9 {offsets = [6, 0], sizes = [1, 16384], strides = [1, 1]} : vector<8x16384xf32> to vector<1x16384xf32>
    %squeeze3A_74 = vector.shape_cast %slice3A_73 : vector<1x16384xf32> to vector<16384xf32>
    %reshape3A_75 = vector.shape_cast %squeeze3A_74 : vector<16384xf32> to vector<128x128xf32>
    %dot_general3A_76 = arith.constant dense<0.000000e+00> : vector<512x128xf32>
    %dot_general3A_77 = tpu.matmul %get3A_1, %reshape3A_75, %dot_general3A_76 {dimension_numbers = #tpu.dot_dimension_numbers<[1], [0], [0], [1], [0, 0, 1, 1], [], []>, transpose_lhs_hint = false} : vector<512x128xf32>, vector<128x128xf32>, vector<512x128xf32> -> vector<512x128xf32>
    %swap3A_78 = arith.constant 0 : index
    %swap3A_79 = arith.constant 6 : index
    %swap3A_80 = arith.constant 0 : index
    %swap3A_81 = vector.load %arg7[%swap3A_78, %swap3A_79, %swap3A_80] : memref<512x8x128xf32, #tpu.memory_space<vmem>>, vector<512x1x128xf32>
    %swap3A_82 = vector.shape_cast %swap3A_81 : vector<512x1x128xf32> to vector<512x128xf32>
    %swap3A_83 = vector.shape_cast %dot_general3A_77 : vector<512x128xf32> to vector<512x1x128xf32>
    tpu.vector_store %arg7[%swap3A_78, %swap3A_79, %swap3A_80], %swap3A_83 {strides = array<i32>} : memref<512x8x128xf32, #tpu.memory_space<vmem>>, vector<512x1x128xf32>,
    %slice3A_84 = vector.extract_strided_slice %dot_general3A_9 {offsets = [7, 0], sizes = [1, 16384], strides = [1, 1]} : vector<8x16384xf32> to vector<1x16384xf32>
    %squeeze3A_85 = vector.shape_cast %slice3A_84 : vector<1x16384xf32> to vector<16384xf32>
    %reshape3A_86 = vector.shape_cast %squeeze3A_85 : vector<16384xf32> to vector<128x128xf32>
    %dot_general3A_87 = arith.constant dense<0.000000e+00> : vector<512x128xf32>
    %dot_general3A_88 = tpu.matmul %get3A_1, %reshape3A_86, %dot_general3A_87 {dimension_numbers = #tpu.dot_dimension_numbers<[1], [0], [0], [1], [0, 0, 1, 1], [], []>, transpose_lhs_hint = false} : vector<512x128xf32>, vector<128x128xf32>, vector<512x128xf32> -> vector<512x128xf32>
    %swap3A_89 = arith.constant 0 : index
    %swap3A_90 = arith.constant 7 : index
    %swap3A_91 = arith.constant 0 : index
    %swap3A_92 = vector.load %arg7[%swap3A_89, %swap3A_90, %swap3A_91] : memref<512x8x128xf32, #tpu.memory_space<vmem>>, vector<512x1x128xf32>
    %swap3A_93 = vector.shape_cast %swap3A_92 : vector<512x1x128xf32> to vector<512x128xf32>
    %swap3A_94 = vector.shape_cast %dot_general3A_88 : vector<512x128xf32> to vector<512x1x128xf32>
    tpu.vector_store %arg7[%swap3A_89, %swap3A_90, %swap3A_91], %swap3A_94 {strides = array<i32>} : memref<512x8x128xf32, #tpu.memory_space<vmem>>, vector<512x1x128xf32>,
    %get3A_95 = arith.constant 0 : index
    %get3A_96 = arith.constant 0 : index
    %get3A_97 = vector.load %arg4[%get3A_95, %get3A_96] : memref<128x128xf32, #tpu.memory_space<vmem>>, vector<128x128xf32>
    %dot_general3A_98 = arith.constant dense<0.000000e+00> : vector<512x128xf32>
    %dot_general3A_99 = tpu.matmul %get3A_1, %get3A_97, %dot_general3A_98 {dimension_numbers = #tpu.dot_dimension_numbers<[1], [0], [0], [1], [0, 0, 1, 1], [], []>, transpose_lhs_hint = false} : vector<512x128xf32>, vector<128x128xf32>, vector<512x128xf32> -> vector<512x128xf32>
    %get3A_100 = arith.constant 0 : index
    %get3A_101 = arith.constant 0 : index
    %get3A_102 = vector.load %arg5[%get3A_100, %get3A_101] : memref<1x128xf32, #tpu.memory_space<vmem>>, vector<1x128xf32>
    %add3A = vector.broadcast %get3A_102 : vector<1x128xf32> to vector<512x128xf32>
    %add3A_103 = arith.addf %dot_general3A_99, %add3A : vector<512x128xf32>
    %swap3A_104 = arith.constant 0 : index
    %swap3A_105 = arith.constant 0 : index
    %swap3A_106 = vector.load %arg8[%swap3A_104, %swap3A_105] : memref<512x128xf32, #tpu.memory_space<vmem>>, vector<512x128xf32>
    tpu.vector_store %arg8[%swap3A_104, %swap3A_105], %add3A_103 {strides = array<i32>} : memref<512x128xf32, #tpu.memory_space<vmem>>, vector<512x128xf32>,
    %get3A_107 = arith.constant 0 : index
    %get3A_108 = arith.constant 0 : index
    %get3A_109 = arith.constant 0 : index
    %get3A_110 = vector.load %arg6[%get3A_107, %get3A_108, %get3A_109] : memref<32x512x8xf32, #tpu.memory_space<vmem>>, vector<32x512x8xf32>
    %reduce_sum3A = arith.constant dense<0.000000e+00> : vector<512x8xf32>
    %reduce_sum3A_111 = vector.multi_reduction <add>, %get3A_110, %reduce_sum3A [0] : vector<32x512x8xf32> to vector<512x8xf32>
    %max3A = arith.constant 1.000000e+00 : f32
    %max3A_112 = vector.broadcast %max3A : f32 to vector<512x8xf32>
    %max3A_113 = arith.maximumf %reduce_sum3A_111, %max3A_112 : vector<512x8xf32>
    %div3A = arith.constant 1.000000e+00 : f32
    %div3A_114 = vector.broadcast %div3A : f32 to vector<512x8xf32>
    %div3A_115 = arith.divf %div3A_114, %max3A_113 : vector<512x8xf32>
    %swap3A_116 = arith.constant 0 : index
    %swap3A_117 = arith.constant 0 : index
    %swap3A_118 = vector.load %arg9[%swap3A_116, %swap3A_117] : memref<512x8xf32, #tpu.memory_space<vmem>>, vector<512x8xf32>
    tpu.vector_store %arg9[%swap3A_116, %swap3A_117], %div3A_115 {strides = array<i32>} : memref<512x8xf32, #tpu.memory_space<vmem>>, vector<512x8xf32>,
    return
  }
  func.func @transform_0(%arg0: i32) -> (i32, i32) {
    %c0_i32 = arith.constant 0 : i32
    %c0_i32_0 = arith.constant 0 : i32
    return %arg0, %c0_i32 : i32, i32
  }
  func.func @transform_1(%arg0: i32) -> (i32, i32, i32) {
    %c0_i32 = arith.constant 0 : i32
    %c0_i32_0 = arith.constant 0 : i32
    %c0_i32_1 = arith.constant 0 : i32
    %c0_i32_2 = arith.constant 0 : i32
    return %c0_i32, %c0_i32_0, %c0_i32_1 : i32, i32, i32
  }
  func.func @transform_2(%arg0: i32) -> (i32, i32) {
    %c0_i32 = arith.constant 0 : i32
    %c0_i32_0 = arith.constant 0 : i32
    %c0_i32_1 = arith.constant 0 : i32
    return %c0_i32, %c0_i32_0 : i32, i32
  }
  func.func @transform_3(%arg0: i32) -> (i32, i32) {
    %c0_i32 = arith.constant 0 : i32
    %c0_i32_0 = arith.constant 0 : i32
    %c0_i32_1 = arith.constant 0 : i32
    return %c0_i32, %c0_i32_0 : i32, i32
  }
  func.func @transform_4(%arg0: i32) -> (i32, i32) {
    %c0_i32 = arith.constant 0 : i32
    %c0_i32_0 = arith.constant 0 : i32
    %c0_i32_1 = arith.constant 0 : i32
    return %c0_i32, %c0_i32_0 : i32, i32
  }
  func.func @transform_5(%arg0: i32) -> (i32, i32, i32) {
    %c0_i32 = arith.constant 0 : i32
    %c0_i32_0 = arith.constant 0 : i32
    %c0_i32_1 = arith.constant 0 : i32
    return %c0_i32, %arg0, %c0_i32_0 : i32, i32, i32
  }
  func.func @transform_6(%arg0: i32) -> (i32, i32, i32) {
    %c0_i32 = arith.constant 0 : i32
    %c0_i32_0 = arith.constant 0 : i32
    %c0_i32_1 = arith.constant 0 : i32
    return %arg0, %c0_i32, %c0_i32_0 : i32, i32, i32
  }
  func.func @transform_7(%arg0: i32) -> (i32, i32) {
    %c0_i32 = arith.constant 0 : i32
    %c0_i32_0 = arith.constant 0 : i32
    return %arg0, %c0_i32 : i32, i32
  }
  func.func @transform_8(%arg0: i32) -> (i32, i32) {
    %c0_i32 = arith.constant 0 : i32
    %c0_i32_0 = arith.constant 0 : i32
    return %arg0, %c0_i32 : i32, i32
  }
}

module attributes {stable_mosaic.version = 14 : i64} {
  func.func @_tc_b_body(%arg0: i32, %arg1: memref<512x128xf32, #tpu.memory_space<vmem>>, %arg2: memref<2x512x128xf32, #tpu.memory_space<vmem>>, %arg3: memref<128x128xf32, #tpu.memory_space<vmem>>, %arg4: memref<1x128xf32, #tpu.memory_space<vmem>>, %arg5: memref<512x128xf32, #tpu.memory_space<vmem>>, %arg6: memref<512x128xf32, #tpu.memory_space<vmem>>) attributes {dimension_semantics = [#tpu.dimension_semantics<arbitrary>], iteration_bounds = array<i64: 20>, scalar_prefetch = 0 : i64, scratch_operands = 0 : i64, tpu.core_type = #tpu.core_type<tc>, window_params = [{transform_indices = @transform_0, window_bounds = array<i64: 512, 128>}, {transform_indices = @transform_1, window_bounds = array<i64: 2, 512, 128>}, {pipeline_mode = #tpu.pipeline_mode<synchronous>, transform_indices = @transform_2, window_bounds = array<i64: 128, 128>}, {pipeline_mode = #tpu.pipeline_mode<synchronous>, transform_indices = @transform_3, window_bounds = array<i64: 1, 128>}, {transform_indices = @transform_4, window_bounds = array<i64: 512, 128>}, {transform_indices = @transform_5, window_bounds = array<i64: 512, 128>}]} {
    %get3A = arith.constant 0 : index
    %get3A_0 = arith.constant 0 : index
    %get3A_1 = vector.load %arg1[%get3A, %get3A_0] : memref<512x128xf32, #tpu.memory_space<vmem>>, vector<512x128xf32>
    %get3A_2 = arith.constant 0 : index
    %get3A_3 = arith.constant 0 : index
    %get3A_4 = arith.constant 0 : index
    %get3A_5 = vector.load %arg2[%get3A_2, %get3A_3, %get3A_4] : memref<2x512x128xf32, #tpu.memory_space<vmem>>, vector<1x512x128xf32>
    %get3A_6 = vector.shape_cast %get3A_5 : vector<1x512x128xf32> to vector<512x128xf32>
    %add3A = arith.addf %get3A_1, %get3A_6 : vector<512x128xf32>
    %get3A_7 = arith.constant 1 : index
    %get3A_8 = arith.constant 0 : index
    %get3A_9 = arith.constant 0 : index
    %get3A_10 = vector.load %arg2[%get3A_7, %get3A_8, %get3A_9] : memref<2x512x128xf32, #tpu.memory_space<vmem>>, vector<1x512x128xf32>
    %get3A_11 = vector.shape_cast %get3A_10 : vector<1x512x128xf32> to vector<512x128xf32>
    %add3A_12 = arith.addf %add3A, %get3A_11 : vector<512x128xf32>
    %swap3A = arith.constant 0 : index
    %swap3A_13 = arith.constant 0 : index
    %swap3A_14 = vector.load %arg5[%swap3A, %swap3A_13] : memref<512x128xf32, #tpu.memory_space<vmem>>, vector<512x128xf32>
    tpu.vector_store %arg5[%swap3A, %swap3A_13], %add3A_12 {strides = array<i32>} : memref<512x128xf32, #tpu.memory_space<vmem>>, vector<512x128xf32>,
    %get3A_15 = arith.constant 0 : index
    %get3A_16 = arith.constant 0 : index
    %get3A_17 = vector.load %arg3[%get3A_15, %get3A_16] : memref<128x128xf32, #tpu.memory_space<vmem>>, vector<128x128xf32>
    %dot_general3A = arith.constant dense<0.000000e+00> : vector<512x128xf32>
    %dot_general3A_18 = tpu.matmul %add3A_12, %get3A_17, %dot_general3A {dimension_numbers = #tpu.dot_dimension_numbers<[1], [0], [0], [1], [0, 0, 1, 1], [], []>, transpose_lhs_hint = false} : vector<512x128xf32>, vector<128x128xf32>, vector<512x128xf32> -> vector<512x128xf32>
    %get3A_19 = arith.constant 0 : index
    %get3A_20 = arith.constant 0 : index
    %get3A_21 = vector.load %arg4[%get3A_19, %get3A_20] : memref<1x128xf32, #tpu.memory_space<vmem>>, vector<1x128xf32>
    %add3A_22 = vector.broadcast %get3A_21 : vector<1x128xf32> to vector<512x128xf32>
    %add3A_23 = arith.addf %dot_general3A_18, %add3A_22 : vector<512x128xf32>
    %swap3A_24 = arith.constant 0 : index
    %swap3A_25 = arith.constant 0 : index
    %swap3A_26 = vector.load %arg6[%swap3A_24, %swap3A_25] : memref<512x128xf32, #tpu.memory_space<vmem>>, vector<512x128xf32>
    tpu.vector_store %arg6[%swap3A_24, %swap3A_25], %add3A_23 {strides = array<i32>} : memref<512x128xf32, #tpu.memory_space<vmem>>, vector<512x128xf32>,
    return
  }
  func.func @transform_0(%arg0: i32) -> (i32, i32) {
    %c0_i32 = arith.constant 0 : i32
    %c0_i32_0 = arith.constant 0 : i32
    return %arg0, %c0_i32 : i32, i32
  }
  func.func @transform_1(%arg0: i32) -> (i32, i32, i32) {
    %c0_i32 = arith.constant 0 : i32
    %c0_i32_0 = arith.constant 0 : i32
    %c0_i32_1 = arith.constant 0 : i32
    return %c0_i32, %arg0, %c0_i32_0 : i32, i32, i32
  }
  func.func @transform_2(%arg0: i32) -> (i32, i32) {
    %c0_i32 = arith.constant 0 : i32
    %c0_i32_0 = arith.constant 0 : i32
    %c0_i32_1 = arith.constant 0 : i32
    return %c0_i32, %c0_i32_0 : i32, i32
  }
  func.func @transform_3(%arg0: i32) -> (i32, i32) {
    %c0_i32 = arith.constant 0 : i32
    %c0_i32_0 = arith.constant 0 : i32
    %c0_i32_1 = arith.constant 0 : i32
    return %c0_i32, %c0_i32_0 : i32, i32
  }
  func.func @transform_4(%arg0: i32) -> (i32, i32) {
    %c0_i32 = arith.constant 0 : i32
    %c0_i32_0 = arith.constant 0 : i32
    return %arg0, %c0_i32 : i32, i32
  }
  func.func @transform_5(%arg0: i32) -> (i32, i32) {
    %c0_i32 = arith.constant 0 : i32
    %c0_i32_0 = arith.constant 0 : i32
    return %arg0, %c0_i32 : i32, i32
  }
}

module attributes {stable_mosaic.version = 14 : i64} {
  func.func @_tc_c_body(%arg0: i32, %arg1: memref<512x128xf32, #tpu.memory_space<vmem>>, %arg2: memref<2x512x128xf32, #tpu.memory_space<vmem>>, %arg3: memref<128x128xf32, #tpu.memory_space<vmem>>, %arg4: memref<512x128xf32, #tpu.memory_space<vmem>>) attributes {dimension_semantics = [#tpu.dimension_semantics<arbitrary>], iteration_bounds = array<i64: 20>, scalar_prefetch = 0 : i64, scratch_operands = 0 : i64, tpu.core_type = #tpu.core_type<tc>, window_params = [{transform_indices = @transform_0, window_bounds = array<i64: 512, 128>}, {transform_indices = @transform_1, window_bounds = array<i64: 2, 512, 128>}, {pipeline_mode = #tpu.pipeline_mode<synchronous>, transform_indices = @transform_2, window_bounds = array<i64: 128, 128>}, {transform_indices = @transform_3, window_bounds = array<i64: 512, 128>}]} {
    %get3A = arith.constant 0 : index
    %get3A_0 = arith.constant 0 : index
    %get3A_1 = arith.constant 0 : index
    %get3A_2 = vector.load %arg2[%get3A, %get3A_0, %get3A_1] : memref<2x512x128xf32, #tpu.memory_space<vmem>>, vector<1x512x128xf32>
    %get3A_3 = vector.shape_cast %get3A_2 : vector<1x512x128xf32> to vector<512x128xf32>
    %get3A_4 = arith.constant 1 : index
    %get3A_5 = arith.constant 0 : index
    %get3A_6 = arith.constant 0 : index
    %get3A_7 = vector.load %arg2[%get3A_4, %get3A_5, %get3A_6] : memref<2x512x128xf32, #tpu.memory_space<vmem>>, vector<1x512x128xf32>
    %get3A_8 = vector.shape_cast %get3A_7 : vector<1x512x128xf32> to vector<512x128xf32>
    %add3A = arith.addf %get3A_3, %get3A_8 : vector<512x128xf32>
    %get3A_9 = arith.constant 0 : index
    %get3A_10 = arith.constant 0 : index
    %get3A_11 = vector.load %arg1[%get3A_9, %get3A_10] : memref<512x128xf32, #tpu.memory_space<vmem>>, vector<512x128xf32>
    %get3A_12 = arith.constant 0 : index
    %get3A_13 = arith.constant 0 : index
    %get3A_14 = vector.load %arg3[%get3A_12, %get3A_13] : memref<128x128xf32, #tpu.memory_space<vmem>>, vector<128x128xf32>
    %dot_general3A = arith.constant dense<0.000000e+00> : vector<512x128xf32>
    %dot_general3A_15 = tpu.matmul %add3A, %get3A_14, %dot_general3A {dimension_numbers = #tpu.dot_dimension_numbers<[1], [0], [0], [1], [0, 0, 1, 1], [], []>, transpose_lhs_hint = false} : vector<512x128xf32>, vector<128x128xf32>, vector<512x128xf32> -> vector<512x128xf32>
    %add3A_16 = arith.addf %get3A_11, %dot_general3A_15 : vector<512x128xf32>
    %swap3A = arith.constant 0 : index
    %swap3A_17 = arith.constant 0 : index
    %swap3A_18 = vector.load %arg4[%swap3A, %swap3A_17] : memref<512x128xf32, #tpu.memory_space<vmem>>, vector<512x128xf32>
    tpu.vector_store %arg4[%swap3A, %swap3A_17], %add3A_16 {strides = array<i32>} : memref<512x128xf32, #tpu.memory_space<vmem>>, vector<512x128xf32>,
    return
  }
  func.func @transform_0(%arg0: i32) -> (i32, i32) {
    %c0_i32 = arith.constant 0 : i32
    %c0_i32_0 = arith.constant 0 : i32
    return %arg0, %c0_i32 : i32, i32
  }
  func.func @transform_1(%arg0: i32) -> (i32, i32, i32) {
    %c0_i32 = arith.constant 0 : i32
    %c0_i32_0 = arith.constant 0 : i32
    %c0_i32_1 = arith.constant 0 : i32
    return %c0_i32, %arg0, %c0_i32_0 : i32, i32, i32
  }
  func.func @transform_2(%arg0: i32) -> (i32, i32) {
    %c0_i32 = arith.constant 0 : i32
    %c0_i32_0 = arith.constant 0 : i32
    %c0_i32_1 = arith.constant 0 : i32
    return %c0_i32, %c0_i32_0 : i32, i32
  }
  func.func @transform_3(%arg0: i32) -> (i32, i32) {
    %c0_i32 = arith.constant 0 : i32
    %c0_i32_0 = arith.constant 0 : i32
    return %arg0, %c0_i32 : i32, i32
  }
}

</mosaic_0001>

<sc_bundles>
// kernel: kernel.12.cloned.1.call-start
scs
__scs_entry_jumppad:
0x0: {  	(pc) =	sbr.rel $0x88, $3  }
0x1: {  	(tag) =	ssettag $0x0;
	lr =	simm.s32 $0x1  }
0x2: {  	[smem:$0x3F97] =	sst lr;
	_ =	strace $0xD0000000  }
0x3: {  	_ = 	snop  }
0x4: {  	_ = 	snop  }
0x5: {  	_ = 	snop  }
0x6: {  	_ = 	snop  }
0x7: {  	_ = 	snop  }
__scs_overlays_trampoline_lowered:
0x8: {  	[smem:$0x3FA6] =	sst s0  }
0x9: {  	[smem:$0x3FA7] =	sst s1  }
0xa: {  	[smem:$0x3FA8] =	sst s2  }
0xb: {  	[smem:$0x3FA9] =	sst s3  }
0xc: {  	[smem:$0x3FAA] =	sst s4  }
0xd: {  	[smem:$0x3FAB] =	sst s5  }
0xe: {  	[smem:$0x3FAC] =	sst s6  }
0xf: {  	[smem:$0x3FAD] =	sst s7  }
0x10: {  	[smem:$0x3FAE] =	sst s8  }
0x11: {  	[smem:$0x3FAF] =	sst s9;
	s0 =	simm.s32 @!p0 $0x0  }
0x12: {  	s1 =	sld [smem:$0x3F95];
	s0 =	simm.s32 @p0 $0x1  }
0x13: {  	[smem:$0x3FB0] =	sst s0;
	s0 =	simm.s32 @!p1 $0x0  }
0x14: {  	s2 =	sld [smem:$0x3F94];
	s0 =	simm.s32 @p1 $0x1  }
0x15: {  	[smem:$0x3FB1] =	sst s0;
	s0 =	simm.s32 @!p2 $0x0  }
0x16: {  	s3 =	sld [smem:$0x3FDB];
	s0 =	simm.s32 @p2 $0x1  }
0x17: {  	s4 =	simm.s32 $0x1BF5;
	[smem:$0x3FB3] =	sst s0  }
0x18: {  	s0 =	sld [smem:$0x3F96];
	_ =	swait.ge [sflag:s4], $0x0  }
0x19: {  	s7 =	sld [smem:$0x3F97]  }
0x1a: {  	s8 =	sadd.s32 $0xFFFFE003, lr  }
0x1b: {  	s9 =	sadd.s32 $0xFFFFFEF7, lr;
	s5 =	simm.s32 $0xFFFFFFFF;
	p2 =	slt.u32 s8, $0xFFFFF086  }
0x1c: {  	p1 =	slt.u32 s9, $0xF7A;
	s5 =	simm.s32 @!p2 $0x0  }
0x1d: {  	s5 =	simm.s32 @p1 $0x1;
	p0 =	seq.s32 s7, s2  }
0x1e: {  	s7 =	smul.u32 @!p0 $0xF7A, s2;
	p2 =	seq.s32 @!p0 s5, $0x0  }
0x1f: {  	s9 =	smul.u32 $0xF7A, s1;
	s8 =	simm.s32 @!p0 $0x1BF5;
	p2 =	por !p2, p0  }
0x20: {  	[sflag:s8] =	ssyncset.s32 @!p0 $0xFFFFF086;
	s6 =	sadd.s32 @!p0 s3, s7;
	s7 =	simm.s32 @!p0 $0x108  }
0x21: {  	s3 =	sadd.s32 s3, s9;
	s6 =	sadd.s32 @!p0 $0x88, s6;
	s7 =	simm.s32 @p2 $0x1082  }
0x22: {  	[simem:s7], [sflag:s8] =	dma.local @!p0 [hbm:s6], $0xF7A  }
0x23: {  	s9 =	sor.u32 $0xD0000000, s2;
	s6 =	simm.s32 $0x108;
	_ =	swait.ge @!p0 [sflag:s8], $0x0  }
0x24: {  	s3 =	sadd.s32 $0x88, s3;
	s6 =	simm.s32 @!p1 $0x1082;
	[sflag:s4] =	ssyncset.s32 $0xFFFFF086  }
0x25: {  	[simem:s6], [sflag:s4] =	dma.local [hbm:s3], $0xF7A  }
0x26: {  	[smem:$0x3F97] =	sst s1;
	(tag) =	ssettag s2;
	_ =	strace s9  }
0x27: {  	s1 =	sld [smem:$0x3FA7]  }
0x28: {  	s2 =	sld [smem:$0x3FA8]  }
0x29: {  	s4 =	sld [smem:$0x3FAA]  }
0x2a: {  	p0 =	seq.s32 s5, $0x0;
	s5 =	sld [smem:$0x3FAB]  }
0x2b: {  	s6 =	sld [smem:$0x3FAC]  }
0x2c: {  	s7 =	sld [smem:$0x3FAD]  }
0x2d: {  	s3 =	simm.s32 $0x108;
	s8 =	sld [smem:$0x3FAE]  }
0x2e: {  	s3 =	simm.s32 @!p0 $0x1082;
	s9 =	sld [smem:$0x3FAF]  }
0x2f: {  	lr =	sadd.s32 s0, s3;
	s0 =	sld [smem:$0x3FA6]  }
0x30: {  	s3 =	sld [smem:$0x3FA9]  }
0x31: {  	[smem:$0x3FB2] =	sst s10  }
0x32: {  	s10 =	sld [smem:$0x3FB0];
	_ =	sdelay $0x3  }
0x33: {  	p0 =	seq.s32 s10, $0x1;
	s10 =	sld [smem:$0x3FB2];
	_ =	sdelay $0x3  }
0x34: {  	[smem:$0x3FB2] =	sst s10  }
0x35: {  	s10 =	sld [smem:$0x3FB1];
	_ =	sdelay $0x3  }
0x36: {  	p1 =	seq.s32 s10, $0x1;
	s10 =	sld [smem:$0x3FB2];
	_ =	sdelay $0x3  }
0x37: {  	[smem:$0x3FB2] =	sst s10  }
0x38: {  	s10 =	sld [smem:$0x3FB3]  }
0x39: {  	_ = 	snop;
	(pc) =	sbr.ind lr, $3  }
0x3a: {  	_ = 	snop  }
0x3b: {  	_ = 	snop  }
0x3c: {  	p2 =	seq.s32 s10, $0x1;
	s10 =	sld [smem:$0x3FB2]  }
0x3d: {  	_ =	shalt  }
0x3e: {  	_ =	shalt  }
0x3f: {  	_ =	shalt  }
0x40: {  	_ =	shalt  }
0x41: {  	_ =	shalt  }
0x42: {  	_ =	shalt  }
0x43: {  	_ =	shalt  }
0x44: {  	_ =	shalt  }
0x45: {  	_ =	shalt  }
0x46: {  	_ =	shalt  }
0x47: {  	_ =	shalt  }
0x48: {  	_ =	shalt  }
0x49: {  	_ =	shalt  }
0x4a: {  	_ =	shalt  }
0x4b: {  	_ =	shalt  }
0x4c: {  	_ =	shalt  }
0x4d: {  	_ =	shalt  }
0x4e: {  	_ =	shalt  }
0x4f: {  	_ =	shalt  }
0x50: {  	_ =	shalt  }
0x51: {  	_ =	shalt  }
0x52: {  	_ =	shalt  }
0x53: {  	_ =	shalt  }
0x54: {  	_ =	shalt  }
0x55: {  	_ =	shalt  }
0x56: {  	_ =	shalt  }
0x57: {  	_ =	shalt  }
0x58: {  	_ =	shalt  }
0x59: {  	_ =	shalt  }
0x5a: {  	_ =	shalt  }
0x5b: {  	_ =	shalt  }
0x5c: {  	_ =	shalt  }
0x5d: {  	_ =	shalt  }
0x5e: {  	_ =	shalt  }
0x5f: {  	_ =	shalt  }
0x60: {  	_ =	shalt  }
0x61: {  	_ =	shalt  }
0x62: {  	_ =	shalt  }
0x63: {  	_ =	shalt  }
0x64: {  	_ =	shalt  }
0x65: {  	_ =	shalt  }
0x66: {  	_ =	shalt  }
0x67: {  	_ =	shalt  }
0x68: {  	_ =	shalt  }
0x69: {  	_ =	shalt  }
0x6a: {  	_ =	shalt  }
0x6b: {  	_ =	shalt  }
0x6c: {  	_ =	shalt  }
0x6d: {  	_ =	shalt  }
0x6e: {  	_ =	shalt  }
0x6f: {  	_ =	shalt  }
0x70: {  	_ =	shalt  }
0x71: {  	_ =	shalt  }
0x72: {  	_ =	shalt  }
0x73: {  	_ =	shalt  }
0x74: {  	_ =	shalt  }
0x75: {  	_ =	shalt  }
0x76: {  	_ =	shalt  }
0x77: {  	_ =	shalt  }
0x78: {  	_ =	shalt  }
0x79: {  	_ =	shalt  }
0x7a: {  	_ =	shalt  }
0x7b: {  	_ =	shalt  }
0x7c: {  	_ =	shalt  }
0x7d: {  	_ =	shalt  }
0x7e: {  	_ =	shalt  }
0x7f: {  	_ =	shalt  }
0x80: {  	_ =	shalt  }
0x81: {  	_ =	shalt  }
0x82: {  	_ =	shalt  }
0x83: {  	_ =	shalt  }
0x84: {  	_ =	shalt  }
0x85: {  	_ =	shalt  }
0x86: {  	_ =	shalt  }
0x87: {  	_ =	shalt  }
.Lfunc_end0:
.L_simem_size_0:
called_computation.1_lowered:
.L_overlay_start_0:
0x88: {  	s2 =	sld [smem:$0x3FD9]  }
0x89: {  	s3 =	sld [smem:$0x3FFE];
	_ =	sdelay $0x1  }
0x8a: {  	s1 =	srdreg.scid  }
0x8b: {  	s0 =	sand.u32 $0x1, s1  }
0x8c: {  	s17 =	sshll.u32 s0, $0xA;
	s2 =	sadd.s32 s3, s2  }
0x8d: {  	s2 =	sadd.s32 s2, s17  }
0x8e: {  	[smem:$0x3FBE] =	sst s2  }
0x8f: {  	_ = 	snop  }
0x90: {  	s2 =	sld [smem:$0x3FC7];
	(tm) =	ssettm $0x1  }
0x91: {  	s18 =	sld [smem:$0x3FFB];
	_ =	sdelay $0x3  }
0x92: {  	_ =	strace s18  }
0x93: {  	s3 =	sld [smem:$0x3FFC];
	_ =	sdelay $0x3  }
0x94: {  	_ =	strace s3  }
0x95: {  	s3 =	sld [smem:$0x3FFD];
	_ =	sdelay $0x3  }
0x96: {  	_ =	strace s3  }
0x97: {  	_ =	strace $0x8FFFFFFF  }
0x98: {  	s19 =	sld [smem:$0x3FDB];
	_ =	sdelay $0x1  }
0x99: {  	s4 =	simm.s32 $_scs_section_size  }
0x9a: {  	s5 =	simm.s32 $_size__tile_overlayer_lowered;
	s6 =	simm.s32 $_tile_overlayer_lowered  }
0x9b: {  	s22 =	simm.s32 $0x1BFF;
	s21 =	sshll.u32 s6, $0x1;
	s3 =	sadd.s32 s4, s19  }
0x9c: {  	s7 =	simm.s32 $0x0;
	s20 =	sshll.u32 s5, $0x1;
	s5 =	sadd.s32 s21, s3  }
0x9d: {  	[timem:s7], [sflag:s22] =	dma.local [hbm:s5], s20  }
0x9e: {  	_ =	swait.ge [sflag:s22], s20  }
0x9f: {  	s4 =	ssub.s32 $0x0, s20;
	[sflag:s22] =	ssyncset.done $0x0  }
0xa0: {  	[sflag:s22] =	ssyncadd.s32 s4;
	_ =	sdelay $0x1  }
0xa1: {  	s23 =	simm.s32 $0x1B8B  }
0xa2: {  	_ =	swait.ge [sflag:s23], $0x1  }
0xa3: {  	[sflag:s23] =	ssyncset.done $0x0  }
0xa4: {  	s25 =	simm.s32 $0x1B8E;
	s24 =	sld [smem:$0x3FFE];
	[sflag:s23] =	ssyncadd.s32 $0xFFFFFFFF  }
0xa5: {  	s26 =	simm.s32 $execute0_lowered;
	[smem:$0x3FD2] =	sst s25  }
0xa6: {  	s5 =	sshll.u32 s26, $0x1;
	_ =	strace $0x80000049;
	[dreg:$0x1] =	wrdreg $0xFFFFFFFF  }
0xa7: {  	s28 =	simm.s32 $_size_execute0_lowered;
	s3 =	sadd.s32 s3, s5;
	[dreg:$0x0] =	wrdreg $0x0  }
0xa8: {  	s5 =	sshll.u32 s28, $0x1;
	[dreg:$0x2] =	wrdreg s3  }
0xa9: {  	[dreg:$0x3] =	wrdreg s5  }
0xaa: {  	[dreg:$0x4] =	wrdreg $0xC0  }
0xab: {  	_ =	task [dreg:s7], $0x5FFFF  }
0xac: {  	[dreg:$0x1] =	wrdreg $0xFFFFFFFF  }
0xad: {  	[dreg:$0x0] =	wrdreg $0x60  }
0xae: {  	[dreg:$0x2] =	wrdreg s24  }
0xaf: {  	[dreg:$0x3] =	wrdreg s2  }
0xb0: {  	[dreg:$0x4] =	wrdreg $0x9  }
0xb1: {  	_ =	task.clear_ibuf [dreg:s7], $0x5FFFF;
	_ =	strace $0x90000049  }
0xb2: {  	s29 =	simm.s32 $0x9;
	_ =	strace $0x8000004B  }
0xb3: {  	_ =	swait.ge [sflag:s29], $0x1  }
0xb4: {  	[sflag:s29] =	ssyncadd.s32 $0xFFFFFFFF  }
0xb5: {  	_ =	strace $0x9000004B  }
0xb6: {  	_ =	sfence  }
0xb7: {  	s30 =	sld [smem:$0x0];
	_ =	sdelay $0x2  }
0xb8: {  	s31 =	sshll.u32 s1, $0xD;
	s1 =	sshrl.u32 s1, $0x2  }
0xb9: {  	s3 =	sand.u32 $0x4000, s31;
	s1 =	sadd.s32 s1, s30  }
0xba: {  	s0 =	sor.u32 s3, s0;
	s1 =	sshll.u32 s1, $0x11  }
0xbb: {  	s0 =	sor.u32 s1, s0  }
0xbc: {  	s0 =	sadd.s32 $0x8F2B, s0  }
0xbd: {  	[sflag:s0] =	ssyncadd.remote.s32 $0x1  }
0xbe: {  	_ =	sfence.sel $0xFFFF  }
0xbf: {  	[dreg:$0x0] =	wrdreg $0xFFFFFFFF;
	(pc) =	sbr.abs _section_cstart, $3  }
0xc0: {  	[dreg:$0x1] =	wrdreg $0xFFFFFFFF  }
0xc1: {  	_ =	task.clear_ibuf [dreg:s7], $0x2FFFF;
	_ =	strace $0x9FFFFFFF  }
0xc2: {  	(tm) =	ssettm $0x7FFFFFFF  }
0xc3: {  	_ =	shalt  }
tec
execute0_lowered:
.L_overlay_start_1:
0x0: {  	(tag) =	ssettag $0x1  }
0x1: {  	s3 =	rddreg [dreg:$0x0]  }
0x2: {  	s6 =	rddreg [dreg:$0x1]  }
0x3: {  	s0 =	rddreg [dreg:$0x2]  }
0x4: {  	s2 =	simm.s32 $0x0;
	s4 =	srdreg.scid;
	s1 =	stileid.u32  }
0x5: {  	s11 =	simm.s32 $0x14080;
	s12 =	simm.s32 $0x1;
	s13 =	simm.s32 $0x14100  }
0x6: {  	s14 =	simm.s32 $0x0;
	[smem:$0x7FF] =	sst s2;
	s5 =	sand.u32 $0x1, s4  }
0x7: {  	s7 =	sshll.u32 s1, $0x5;
	_ =	strace $0x8000004A;
	s4 =	ssub.s32 $0x2, s5  }
.Ltmp0:
0x8: {  	s8 =	sadd.s32 s7, s3;
	s3 =	sadd.s32 $0x14C400, s3;
	(pc) =	sbr.rel .LBB2_1-.Ltmp0, $4  }
0x9: {  	s10 =	sshll.u32 s5, $0x4;
	s7 =	sadd.s32 s7, s6;
	s9 =	sshrl.u32 s4, $0x1  }
0xa: {  	s8 =	sadd.s32 s10, s8;
	s7 =	sadd.s32 s10, s7;
	s10 =	simm.s32 $0x14000  }
0xb: {  	s9 =	ssub.s32 s4, s9;
	s4 =	sshll.u32 s1, $0x1;
	s6 =	sadd.s32 $0x14EC00, s8  }
0xc: {  	s8 =	sadd.s32 $0x2600, s8;
	s5 =	smax.u32 s9, $0x1;
	s9 =	simm.s32 $0x2  }
.LBB2_5:
0xd: {  	s14 =	sadd.s32 $0x1, s14  }
0xe: {  	p0 =	sne.s32 s14, s5  }
.Ltmp1:
0xf: {  	_ = 	snop;
	(pc) =	sbr.rel @!p0 .LBB2_6-.Ltmp1, $1  }
0x10: {  	_ =	sdelay $0x3  }
.LBB2_1:
.Ltmp2:
0x11: {  	(pc) =	sbr.rel .LBB2_2-.Ltmp2, $4  }
0x12: {  	[tilespmem:s2], [sflag:$0x2] =	stream.linear.gather [hbm4b:s3+s2], $0x14000, $0x38;
	[tilespmem:$0x14180] =	vst v63  }
0x13: {  	_ =	swait.ge [sflag:s9], $0x14000  }
0x14: {  	[sflag:s9] =	ssyncset.done $0x0  }
0x15: {  	s15 =	smov.u32 s4;
	s16 =	simm.s32 $0x0;
	[sflag:s9] =	ssyncadd.s32 $0xFFFEC000  }
.LBB2_4:
0x16: {  	s16 =	sadd.s32 $0x200, s16  }
0x17: {  	p0 =	sne.s32 s16, $0x9E00  }
.Ltmp3:
0x18: {  	_ = 	snop;
	(pc) =	sbr.rel @!p0 .LBB2_5-.Ltmp3, $2  }
0x19: {  	_ =	sdelay $0x2  }
0x1a: {  	s15 =	sadd.s32 $0x20, s15  }
.LBB2_2:
0x1b: {  	p0 =	sgt.u32 s15, $0x9C3  }
.Ltmp4:
0x1c: {  	_ = 	snop;
	(pc) =	sbr.rel @p0 .LBB2_4-.Ltmp4, $1  }
0x1d: {  	_ =	sdelay $0x3  }
0x1e: {  	s17 =	sadd.s32 s16, s8  }
0x1f: {  	[tilespmem:s10], [sflag:$0x1] =	stream.linear.gather [hbm4b:s17+s2], $0x80, $0x38;
	[tilespmem:$0x14180] =	vst v63  }
0x20: {  	s30 =	sadd.s32 s16, s7  }
0x21: {  	[tilespmem:s11], [sflag:$0x1] =	stream.linear.gather [hbm4b:s30+s2], $0x80, $0x38;
	[tilespmem:$0x14180] =	vst v63  }
0x22: {  	_ =	swait.ge [sflag:s12], $0x80  }
0x23: {  	[sflag:s12] =	ssyncset.done $0x0  }
0x24: {  	[sflag:s12] =	ssyncadd.s32 $0xFFFFFF80  }
0x25: {  	_ =	swait.ge [sflag:s12], $0x80  }
0x26: {  	[sflag:s12] =	ssyncset.done $0x0  }
0x27: {  	[sflag:s12] =	ssyncadd.s32 $0xFFFFFF80  }
0x28: {  	v0 =	vld [tilespmem:$0x14000]  }
0x29: {  	v1 =	vld [tilespmem:$0x14080];
	_ =	sdelay $0x3  }
0x2a: {  	v0 =	vshll.u32 v0, $0x3  }
0x2b: {  	v46 =	vld [tilespmem:$0x14010];
	v0 =	vadd.s32 v1, v0  }
0x2c: {  	v2 =	vld [tilespmem:$0x14090];
	_ =	sdelay $0x3  }
0x2d: {  	v1 =	vshll.u32 v46, $0x3;
	v0 =	vld.idx.msk [tilespmem:v0+s2+$0x0], $0xffff  }
0x2e: {  	v47 =	vld [tilespmem:$0x14020];
	v1 =	vadd.s32 v2, v1  }
0x2f: {  	v3 =	vld [tilespmem:$0x140A0];
	_ =	sdelay $0x2  }
0x30: {  	[tilespmem:$0x14100] =	vst v0  }
0x31: {  	v48 =	vshll.u32 v47, $0x3;
	v0 =	vld.idx.msk [tilespmem:v1+s2+$0x0], $0xffff  }
0x32: {  	v49 =	vld [tilespmem:$0x14030];
	v1 =	vadd.s32 v3, v48  }
0x33: {  	v50 =	vld [tilespmem:$0x140B0];
	_ =	sdelay $0x2  }
0x34: {  	[tilespmem:$0x14110] =	vst v0  }
0x35: {  	v51 =	vshll.u32 v49, $0x3;
	v0 =	vld.idx.msk [tilespmem:v1+s2+$0x0], $0xffff  }
0x36: {  	v52 =	vld [tilespmem:$0x14040];
	v1 =	vadd.s32 v50, v51  }
0x37: {  	v53 =	vld [tilespmem:$0x140C0];
	_ =	sdelay $0x2  }
0x38: {  	[tilespmem:$0x14120] =	vst v0  }
0x39: {  	v54 =	vshll.u32 v52, $0x3;
	v0 =	vld.idx.msk [tilespmem:v1+s2+$0x0], $0xffff  }
0x3a: {  	v55 =	vld [tilespmem:$0x14050];
	v1 =	vadd.s32 v53, v54  }
0x3b: {  	v56 =	vld [tilespmem:$0x140D0];
	_ =	sdelay $0x2  }
0x3c: {  	[tilespmem:$0x14130] =	vst v0  }
0x3d: {  	v57 =	vshll.u32 v55, $0x3;
	v0 =	vld.idx.msk [tilespmem:v1+s2+$0x0], $0xffff  }
0x3e: {  	v58 =	vld [tilespmem:$0x14060];
	v1 =	vadd.s32 v56, v57  }
0x3f: {  	v59 =	vld [tilespmem:$0x140E0];
	_ =	sdelay $0x2  }
0x40: {  	[tilespmem:$0x14140] =	vst v0  }
0x41: {  	v60 =	vshll.u32 v58, $0x3;
	v0 =	vld.idx.msk [tilespmem:v1+s2+$0x0], $0xffff  }
0x42: {  	v61 =	vld [tilespmem:$0x14070];
	v1 =	vadd.s32 v59, v60  }
0x43: {  	v62 =	vld [tilespmem:$0x140F0];
	_ =	sdelay $0x2  }
0x44: {  	[tilespmem:$0x14150] =	vst v0  }
0x45: {  	v63 =	vshll.u32 v61, $0x3;
	v0 =	vld.idx.msk [tilespmem:v1+s2+$0x0], $0xffff  }
0x46: {  	v1 =	vadd.s32 v62, v63;
	_ =	sdelay $0x3  }
0x47: {  	[tilespmem:$0x14160] =	vst v0  }
0x48: {  	v0 =	vld.idx.msk [tilespmem:v1+s2+$0x0], $0xffff;
	_ =	sdelay $0x4  }
.Ltmp5:
0x49: {  	s31 =	sadd.s32 s16, s6;
	[tilespmem:$0x14170] =	vst v0;
	(pc) =	sbr.rel .LBB2_4-.Ltmp5, $4  }
0x4a: {  	[hbm4b:s31+s2] =	stream.linear.scatter [tilespmem:s13], [sflag:$0x2], $0x80, $0x38;
	[tilespmem:$0x14180] =	vst v63  }
0x4b: {  	_ =	swait.ge [sflag:s9], $0x80  }
0x4c: {  	[sflag:s9] =	ssyncset.done $0x0  }
0x4d: {  	[sflag:s9] =	ssyncadd.s32 $0xFFFFFF80  }
.LBB2_6:
0x4e: {  	_ =	sfence.sel $0x180000  }
0x4f: {  	[bflag:$0x0] =	sbarrier.arrive $0xFFFF  }
0x50: {  	p0 =	sne.s32 s1, $0x0;
	_ =	strace $0x9000004A  }
0x51: {  	s0 =	sadd.s32 @!p0 $0x100000, s0;
	[bflag:$0x2] =	sbarrier.arrive $0xFFFF  }
0x52: {  	[sflag:s0] =	ssyncadd.tile.s32 @!p0 $0x1;
	_ =	shalt  }
.Lfunc_end2:
_tile_overlayer_lowered:
.L_overlay_start_2:
0x53: {  	(tag) =	ssettag $0x2  }
0x54: {  	s0 =	rddreg [dreg:$0x0];
	s2 =	stileid.u32  }
0x55: {  	s1 =	rddreg [dreg:$0x1];
	p0 =	sne.s32 s2, $0x0  }
0x56: {  	s3 =	rddreg [dreg:$0x2];
	[bflag:$0x3] =	sbarrier.arrive $0xFFFF;
	s2 =	simm.s32 @!p0 $0x1C02  }
0x57: {  	[timem:s3], [sflag:s2] =	dma.local @!p0 [hbm:s0], s1  }
0x58: {  	s0 =	simm.s32 @!p0 $0x2  }
0x59: {  	_ =	swait.ge @!p0 [sflag:s0], s1  }
0x5a: {  	s1 =	ssub.s32 @!p0 $0x0, s1;
	[sflag:s0] =	ssyncset.done @!p0 $0x0  }
0x5b: {  	[sflag:s0] =	ssyncadd.s32 @!p0 s1  }
0x5c: {  	[bflag:$0x3] =	sbarrier.arrive $0xFFFF  }
0x5d: {  	_ =	shalt  }

// kernel: kernel.15.cloned.1.call-start
scs
__scs_entry_jumppad:
0x0: {  	(pc) =	sbr.rel $0x88, $3  }
0x1: {  	(tag) =	ssettag $0x0;
	lr =	simm.s32 $0x1  }
0x2: {  	[smem:$0x3F97] =	sst lr;
	_ =	strace $0xD0000000  }
0x3: {  	_ = 	snop  }
0x4: {  	_ = 	snop  }
0x5: {  	_ = 	snop  }
0x6: {  	_ = 	snop  }
0x7: {  	_ = 	snop  }
__scs_overlays_trampoline_lowered:
0x8: {  	[smem:$0x3FA6] =	sst s0  }
0x9: {  	[smem:$0x3FA7] =	sst s1  }
0xa: {  	[smem:$0x3FA8] =	sst s2  }
0xb: {  	[smem:$0x3FA9] =	sst s3  }
0xc: {  	[smem:$0x3FAA] =	sst s4  }
0xd: {  	[smem:$0x3FAB] =	sst s5  }
0xe: {  	[smem:$0x3FAC] =	sst s6  }
0xf: {  	[smem:$0x3FAD] =	sst s7  }
0x10: {  	[smem:$0x3FAE] =	sst s8  }
0x11: {  	[smem:$0x3FAF] =	sst s9;
	s0 =	simm.s32 @!p0 $0x0  }
0x12: {  	s1 =	sld [smem:$0x3F95];
	s0 =	simm.s32 @p0 $0x1  }
0x13: {  	[smem:$0x3FB0] =	sst s0;
	s0 =	simm.s32 @!p1 $0x0  }
0x14: {  	s2 =	sld [smem:$0x3F94];
	s0 =	simm.s32 @p1 $0x1  }
0x15: {  	[smem:$0x3FB1] =	sst s0;
	s0 =	simm.s32 @!p2 $0x0  }
0x16: {  	s3 =	sld [smem:$0x3FDB];
	s0 =	simm.s32 @p2 $0x1  }
0x17: {  	s4 =	simm.s32 $0x1BF5;
	[smem:$0x3FB3] =	sst s0  }
0x18: {  	s0 =	sld [smem:$0x3F96];
	_ =	swait.ge [sflag:s4], $0x0  }
0x19: {  	s7 =	sld [smem:$0x3F97]  }
0x1a: {  	s8 =	sadd.s32 $0xFFFFE003, lr  }
0x1b: {  	s9 =	sadd.s32 $0xFFFFFEF7, lr;
	s5 =	simm.s32 $0xFFFFFFFF;
	p2 =	slt.u32 s8, $0xFFFFF086  }
0x1c: {  	p1 =	slt.u32 s9, $0xF7A;
	s5 =	simm.s32 @!p2 $0x0  }
0x1d: {  	s5 =	simm.s32 @p1 $0x1;
	p0 =	seq.s32 s7, s2  }
0x1e: {  	s7 =	smul.u32 @!p0 $0xF7A, s2;
	p2 =	seq.s32 @!p0 s5, $0x0  }
0x1f: {  	s9 =	smul.u32 $0xF7A, s1;
	s8 =	simm.s32 @!p0 $0x1BF5;
	p2 =	por !p2, p0  }
0x20: {  	[sflag:s8] =	ssyncset.s32 @!p0 $0xFFFFF086;
	s6 =	sadd.s32 @!p0 s3, s7;
	s7 =	simm.s32 @!p0 $0x108  }
0x21: {  	s3 =	sadd.s32 s3, s9;
	s6 =	sadd.s32 @!p0 $0x88, s6;
	s7 =	simm.s32 @p2 $0x1082  }
0x22: {  	[simem:s7], [sflag:s8] =	dma.local @!p0 [hbm:s6], $0xF7A  }
0x23: {  	s9 =	sor.u32 $0xD0000000, s2;
	s6 =	simm.s32 $0x108;
	_ =	swait.ge @!p0 [sflag:s8], $0x0  }
0x24: {  	s3 =	sadd.s32 $0x88, s3;
	s6 =	simm.s32 @!p1 $0x1082;
	[sflag:s4] =	ssyncset.s32 $0xFFFFF086  }
0x25: {  	[simem:s6], [sflag:s4] =	dma.local [hbm:s3], $0xF7A  }
0x26: {  	[smem:$0x3F97] =	sst s1;
	(tag) =	ssettag s2;
	_ =	strace s9  }
0x27: {  	s1 =	sld [smem:$0x3FA7]  }
0x28: {  	s2 =	sld [smem:$0x3FA8]  }
0x29: {  	s4 =	sld [smem:$0x3FAA]  }
0x2a: {  	p0 =	seq.s32 s5, $0x0;
	s5 =	sld [smem:$0x3FAB]  }
0x2b: {  	s6 =	sld [smem:$0x3FAC]  }
0x2c: {  	s7 =	sld [smem:$0x3FAD]  }
0x2d: {  	s3 =	simm.s32 $0x108;
	s8 =	sld [smem:$0x3FAE]  }
0x2e: {  	s3 =	simm.s32 @!p0 $0x1082;
	s9 =	sld [smem:$0x3FAF]  }
0x2f: {  	lr =	sadd.s32 s0, s3;
	s0 =	sld [smem:$0x3FA6]  }
0x30: {  	s3 =	sld [smem:$0x3FA9]  }
0x31: {  	[smem:$0x3FB2] =	sst s10  }
0x32: {  	s10 =	sld [smem:$0x3FB0];
	_ =	sdelay $0x3  }
0x33: {  	p0 =	seq.s32 s10, $0x1;
	s10 =	sld [smem:$0x3FB2];
	_ =	sdelay $0x3  }
0x34: {  	[smem:$0x3FB2] =	sst s10  }
0x35: {  	s10 =	sld [smem:$0x3FB1];
	_ =	sdelay $0x3  }
0x36: {  	p1 =	seq.s32 s10, $0x1;
	s10 =	sld [smem:$0x3FB2];
	_ =	sdelay $0x3  }
0x37: {  	[smem:$0x3FB2] =	sst s10  }
0x38: {  	s10 =	sld [smem:$0x3FB3]  }
0x39: {  	_ = 	snop;
	(pc) =	sbr.ind lr, $3  }
0x3a: {  	_ = 	snop  }
0x3b: {  	_ = 	snop  }
0x3c: {  	p2 =	seq.s32 s10, $0x1;
	s10 =	sld [smem:$0x3FB2]  }
0x3d: {  	_ =	shalt  }
0x3e: {  	_ =	shalt  }
0x3f: {  	_ =	shalt  }
0x40: {  	_ =	shalt  }
0x41: {  	_ =	shalt  }
0x42: {  	_ =	shalt  }
0x43: {  	_ =	shalt  }
0x44: {  	_ =	shalt  }
0x45: {  	_ =	shalt  }
0x46: {  	_ =	shalt  }
0x47: {  	_ =	shalt  }
0x48: {  	_ =	shalt  }
0x49: {  	_ =	shalt  }
0x4a: {  	_ =	shalt  }
0x4b: {  	_ =	shalt  }
0x4c: {  	_ =	shalt  }
0x4d: {  	_ =	shalt  }
0x4e: {  	_ =	shalt  }
0x4f: {  	_ =	shalt  }
0x50: {  	_ =	shalt  }
0x51: {  	_ =	shalt  }
0x52: {  	_ =	shalt  }
0x53: {  	_ =	shalt  }
0x54: {  	_ =	shalt  }
0x55: {  	_ =	shalt  }
0x56: {  	_ =	shalt  }
0x57: {  	_ =	shalt  }
0x58: {  	_ =	shalt  }
0x59: {  	_ =	shalt  }
0x5a: {  	_ =	shalt  }
0x5b: {  	_ =	shalt  }
0x5c: {  	_ =	shalt  }
0x5d: {  	_ =	shalt  }
0x5e: {  	_ =	shalt  }
0x5f: {  	_ =	shalt  }
0x60: {  	_ =	shalt  }
0x61: {  	_ =	shalt  }
0x62: {  	_ =	shalt  }
0x63: {  	_ =	shalt  }
0x64: {  	_ =	shalt  }
0x65: {  	_ =	shalt  }
0x66: {  	_ =	shalt  }
0x67: {  	_ =	shalt  }
0x68: {  	_ =	shalt  }
0x69: {  	_ =	shalt  }
0x6a: {  	_ =	shalt  }
0x6b: {  	_ =	shalt  }
0x6c: {  	_ =	shalt  }
0x6d: {  	_ =	shalt  }
0x6e: {  	_ =	shalt  }
0x6f: {  	_ =	shalt  }
0x70: {  	_ =	shalt  }
0x71: {  	_ =	shalt  }
0x72: {  	_ =	shalt  }
0x73: {  	_ =	shalt  }
0x74: {  	_ =	shalt  }
0x75: {  	_ =	shalt  }
0x76: {  	_ =	shalt  }
0x77: {  	_ =	shalt  }
0x78: {  	_ =	shalt  }
0x79: {  	_ =	shalt  }
0x7a: {  	_ =	shalt  }
0x7b: {  	_ =	shalt  }
0x7c: {  	_ =	shalt  }
0x7d: {  	_ =	shalt  }
0x7e: {  	_ =	shalt  }
0x7f: {  	_ =	shalt  }
0x80: {  	_ =	shalt  }
0x81: {  	_ =	shalt  }
0x82: {  	_ =	shalt  }
0x83: {  	_ =	shalt  }
0x84: {  	_ =	shalt  }
0x85: {  	_ =	shalt  }
0x86: {  	_ =	shalt  }
0x87: {  	_ =	shalt  }
.Lfunc_end0:
.L_simem_size_0:
called_computation.2_lowered:
.L_overlay_start_0:
0x88: {  	s2 =	sld [smem:$0x3FD9]  }
0x89: {  	s3 =	sld [smem:$0x3FFE];
	_ =	sdelay $0x1  }
0x8a: {  	s1 =	srdreg.scid  }
0x8b: {  	s0 =	sand.u32 $0x1, s1  }
0x8c: {  	s17 =	sshll.u32 s0, $0xA;
	s2 =	sadd.s32 s3, s2  }
0x8d: {  	s2 =	sadd.s32 s2, s17  }
0x8e: {  	[smem:$0x3FBE] =	sst s2  }
0x8f: {  	_ = 	snop  }
0x90: {  	s2 =	sld [smem:$0x3FC7]  }
0x91: {  	s18 =	sld [smem:$0x3FD0];
	(tm) =	ssettm $0x1  }
0x92: {  	s4 =	sld [smem:$0x3FFB];
	_ =	sdelay $0x3  }
0x93: {  	_ =	strace s4  }
0x94: {  	s4 =	sld [smem:$0x3FFC];
	_ =	sdelay $0x3  }
0x95: {  	_ =	strace s4  }
0x96: {  	s4 =	sld [smem:$0x3FFD];
	_ =	sdelay $0x3  }
0x97: {  	_ =	strace s4  }
0x98: {  	_ =	strace $0x8FFFFFFF  }
0x99: {  	s19 =	sld [smem:$0x3FDB];
	_ =	sdelay $0x1  }
0x9a: {  	s5 =	simm.s32 $_scs_section_size  }
0x9b: {  	s6 =	simm.s32 $_size__tile_overlayer_lowered;
	s7 =	simm.s32 $_tile_overlayer_lowered  }
0x9c: {  	s22 =	simm.s32 $0x1BFF;
	s21 =	sshll.u32 s7, $0x1;
	s4 =	sadd.s32 s5, s19  }
0x9d: {  	s8 =	simm.s32 $0x0;
	s20 =	sshll.u32 s6, $0x1;
	s6 =	sadd.s32 s21, s4  }
0x9e: {  	[timem:s8], [sflag:s22] =	dma.local [hbm:s6], s20  }
0x9f: {  	_ =	swait.ge [sflag:s22], s20  }
0xa0: {  	s5 =	ssub.s32 $0x0, s20;
	[sflag:s22] =	ssyncset.done $0x0  }
0xa1: {  	[sflag:s22] =	ssyncadd.s32 s5;
	_ =	sdelay $0x1  }
0xa2: {  	s23 =	simm.s32 $0x1B8B  }
0xa3: {  	_ =	swait.ge [sflag:s23], $0x1  }
0xa4: {  	[sflag:s23] =	ssyncset.done $0x0  }
0xa5: {  	s25 =	simm.s32 $0x1B8E;
	s24 =	sld [smem:$0x3FFE];
	[sflag:s23] =	ssyncadd.s32 $0xFFFFFFFF  }
0xa6: {  	s26 =	simm.s32 $execute0_lowered;
	[smem:$0x3FD2] =	sst s25  }
0xa7: {  	s6 =	sshll.u32 s26, $0x1;
	_ =	strace $0x8000004C;
	[dreg:$0x1] =	wrdreg $0xFFFFFFFF  }
0xa8: {  	s28 =	simm.s32 $_size_execute0_lowered;
	s4 =	sadd.s32 s4, s6;
	[dreg:$0x0] =	wrdreg $0x0  }
0xa9: {  	s6 =	sshll.u32 s28, $0x1;
	[dreg:$0x2] =	wrdreg s4  }
0xaa: {  	[dreg:$0x3] =	wrdreg s6  }
0xab: {  	[dreg:$0x4] =	wrdreg $0xC0  }
0xac: {  	_ =	task [dreg:s8], $0x5FFFF  }
0xad: {  	[dreg:$0x1] =	wrdreg $0xFFFFFFFF  }
0xae: {  	[dreg:$0x0] =	wrdreg $0x60  }
0xaf: {  	[dreg:$0x2] =	wrdreg s18  }
0xb0: {  	[dreg:$0x3] =	wrdreg s24  }
0xb1: {  	[dreg:$0x4] =	wrdreg s2  }
0xb2: {  	[dreg:$0x5] =	wrdreg $0x42800  }
0xb3: {  	[dreg:$0x6] =	wrdreg $0x9  }
0xb4: {  	_ =	task.clear_ibuf [dreg:s8], $0x7FFFF;
	_ =	strace $0x9000004C  }
0xb5: {  	s29 =	simm.s32 $0x9;
	_ =	strace $0x8000004E  }
0xb6: {  	_ =	swait.ge [sflag:s29], $0x1  }
0xb7: {  	[sflag:s29] =	ssyncadd.s32 $0xFFFFFFFF  }
0xb8: {  	_ =	strace $0x9000004E  }
0xb9: {  	_ =	sfence  }
0xba: {  	s30 =	sld [smem:$0x0];
	_ =	sdelay $0x2  }
0xbb: {  	s31 =	sshll.u32 s1, $0xD;
	s1 =	sshrl.u32 s1, $0x2  }
0xbc: {  	s3 =	sand.u32 $0x4000, s31;
	s1 =	sadd.s32 s1, s30  }
0xbd: {  	s0 =	sor.u32 s3, s0;
	s1 =	sshll.u32 s1, $0x11  }
0xbe: {  	s0 =	sor.u32 s1, s0  }
0xbf: {  	s0 =	sadd.s32 $0x8F2B, s0  }
0xc0: {  	[sflag:s0] =	ssyncadd.remote.s32 $0x1  }
0xc1: {  	_ =	sfence.sel $0xFFFF  }
0xc2: {  	[dreg:$0x0] =	wrdreg $0xFFFFFFFF;
	(pc) =	sbr.abs _section_cstart, $3  }
0xc3: {  	[dreg:$0x1] =	wrdreg $0xFFFFFFFF  }
0xc4: {  	_ =	task.clear_ibuf [dreg:s8], $0x2FFFF;
	_ =	strace $0x9FFFFFFF  }
0xc5: {  	(tm) =	ssettm $0x7FFFFFFF  }
tec
execute0_lowered:
.L_overlay_start_1:
0x0: {  	(tag) =	ssettag $0x1  }
0x1: {  	s1 =	rddreg [dreg:$0x0]  }
0x2: {  	s0 =	rddreg [dreg:$0x1]  }
0x3: {  	s2 =	rddreg [dreg:$0x2]  }
0x4: {  	s3 =	rddreg [dreg:$0x3];
	s4 =	srdreg.scid;
	s6 =	simm.s32 $0x0  }
0x5: {  	s13 =	stileid.u32;
	s18 =	simm.s32 $0x2;
	s19 =	simm.s32 $0x4000  }
0x6: {  	s20 =	simm.s32 $0x4080;
	s21 =	simm.s32 $0x4100;
	s22 =	simm.s32 $0x4200  }
0x7: {  	s23 =	simm.s32 $0x1;
	s24 =	simm.s32 $0x80;
	s9 =	smul.u32 $0x14000, s13  }
0x8: {  	s25 =	simm.s32 $0x4180;
	s5 =	sand.u32 $0x1, s4;
	s10 =	smul.u32 $0x50000, s13  }
0x9: {  	s26 =	simm.s32 $0x0;
	[smem:$0x7FF] =	sst s6;
	s4 =	smul.u32 $0x140000, s5  }
0xa: {  	s7 =	sadd.s32 $0x2600, s0;
	s8 =	sadd.s32 $0xC400, s0;
	s11 =	ssub.s32 $0x2, s5  }
0xb: {  	s31 =	sshrl.u32 s11, $0x1;
	s12 =	sshrl.u32 s10, $0x2;
	s4 =	sadd.s32 s9, s4  }
.Ltmp0:
0xc: {  	s9 =	sadd.s32 $0x14EC00, s0;
	s4 =	sshrl.u32 s4, $0x3;
	(pc) =	sbr.rel .LBB2_1-.Ltmp0, $4  }
0xd: {  	s0 =	sadd.s32 s4, s0;
	s4 =	ssub.s32 s11, s31;
	s11 =	sadd.s32 s12, s3  }
0xe: {  	_ =	strace $0x8000004D;
	s10 =	sshll.u32 s13, $0x1;
	s12 =	sadd.s32 $0x4000, s11  }
0xf: {  	s13 =	sadd.s32 $0x8000, s11;
	s14 =	sadd.s32 $0xC000, s11;
	s15 =	sadd.s32 $0x10000, s11  }
0x10: {  	v0 =	vimm.f32 $0.0e+00;
	s16 =	sadd.s32 $0x158A00, s0;
	s17 =	smax.u32 s4, $0x1;
	[dreg:$0x5] =	wrdreg s12  }
.LBB2_9:
0x11: {  	s0 =	stileid.u32;
	s26 =	sadd.s32 $0x1, s26  }
0x12: {  	[bflag:$0x0] =	sbarrier.arrive $0xFFFF;
	s0 =	sshll.u32 s0, $0x6;
	p0 =	sne.s32 s26, s17  }
.Ltmp1:
0x13: {  	s4 =	sshrl.u32 s11, $0x3;
	s0 =	sor.u32 $0x1C02, s0;
	(pc) =	sbr.rel @!p0 .LBB2_10-.Ltmp1, $4  }
0x14: {  	[hbm:s16], [sflag:s0] =	dma.local [spmem:s4], $0x2800  }
0x15: {  	_ =	swait.ge [sflag:s18], $0x2800  }
0x16: {  	[sflag:s18] =	ssyncset.done $0x0  }
0x17: {  	[sflag:s18] =	ssyncadd.s32 $0xFFFFD800  }
.LBB2_1:
0x18: {  	s0 =	simm.s32 $0x0;
	s4 =	simm.s32 $0x200  }
.LBB2_2:
0x19: {  	p0 =	sne.s32 s4, $0xFE00;
	[tilespmem:s0+$0x70] =	vst v0  }
0x1a: {  	[tilespmem:s0+$0x0] =	vst v0  }
0x1b: {  	[tilespmem:s0+$0x10] =	vst v0  }
.Ltmp2:
0x1c: {  	[tilespmem:s0+$0x20] =	vst v0;
	(pc) =	sbr.rel @p0 .LBB2_2-.Ltmp2, $4  }
0x1d: {  	[tilespmem:s0+$0x30] =	vst v0  }
0x1e: {  	[tilespmem:s0+$0x40] =	vst v0  }
0x1f: {  	[tilespmem:s0+$0x50] =	vst v0  }
0x20: {  	[tilespmem:s0+$0x60] =	vst v0;
	s0 =	sshra.s32 s4, $0x2;
	s4 =	sadd.s32 $0x200, s4  }
0x21: {  	[tilespmem:s0+$0x70] =	vst v0  }
0x22: {  	[tilespmem:s0+$0x0] =	vst v0  }
0x23: {  	[tilespmem:s0+$0x10] =	vst v0  }
0x24: {  	[tilespmem:s0+$0x20] =	vst v0  }
0x25: {  	[tilespmem:s0+$0x30] =	vst v0  }
0x26: {  	[tilespmem:s0+$0x40] =	vst v0  }
0x27: {  	[tilespmem:s0+$0x50] =	vst v0  }
0x28: {  	[tilespmem:s0+$0x60] =	vst v0;
	s28 =	simm.s32 $0x0  }
0x29: {  	[spmem:s11] =	stream.linear.scatter [tilespmem:s28], [sflag:$0x2], $0x4000, $0x38;
	[tilespmem:$0x18280] =	vst v63  }
0x2a: {  	_ =	swait.ge [sflag:s18], $0x4000  }
0x2b: {  	[sflag:s18] =	ssyncset.done $0x0  }
0x2c: {  	s31 =	rddreg [dreg:$0x5];
	[sflag:s18] =	ssyncadd.s32 $0xFFFFC000  }
0x2d: {  	[spmem:s31] =	stream.linear.scatter [tilespmem:s28], [sflag:$0x2], $0x4000, $0x38;
	[tilespmem:$0x18280] =	vst v63  }
0x2e: {  	_ =	swait.ge [sflag:s18], $0x4000  }
0x2f: {  	[sflag:s18] =	ssyncset.done $0x0  }
0x30: {  	[sflag:s18] =	ssyncadd.s32 $0xFFFFC000  }
0x31: {  	[spmem:s13] =	stream.linear.scatter [tilespmem:s28], [sflag:$0x2], $0x4000, $0x38;
	[tilespmem:$0x18280] =	vst v63  }
0x32: {  	_ =	swait.ge [sflag:s18], $0x4000  }
0x33: {  	[sflag:s18] =	ssyncset.done $0x0  }
0x34: {  	[sflag:s18] =	ssyncadd.s32 $0xFFFFC000  }
0x35: {  	[spmem:s14] =	stream.linear.scatter [tilespmem:s28], [sflag:$0x2], $0x4000, $0x38;
	[tilespmem:$0x18280] =	vst v63  }
0x36: {  	_ =	swait.ge [sflag:s18], $0x4000  }
0x37: {  	[sflag:s18] =	ssyncset.done $0x0  }
0x38: {  	[sflag:s18] =	ssyncadd.s32 $0xFFFFC000  }
0x39: {  	[spmem:s15] =	stream.linear.scatter [tilespmem:s28], [sflag:$0x2], $0x4000, $0x38;
	[tilespmem:$0x18280] =	vst v63  }
.Ltmp3:
0x3a: {  	_ =	swait.ge [sflag:s18], $0x4000;
	(pc) =	sbr.rel .LBB2_4-.Ltmp3, $3  }
0x3b: {  	[sflag:s18] =	ssyncset.done $0x0  }
0x3c: {  	[sflag:s18] =	ssyncadd.s32 $0xFFFFC000  }
0x3d: {  	[bflag:$0x0] =	sbarrier.arrive $0xFFFF;
	_ =	sdelay $0x1  }
.LBB2_8:
0x3e: {  	s28 =	sadd.s32 $0x1, s28  }
0x3f: {  	p0 =	sne.s32 s28, $0x4F  }
.Ltmp4:
0x40: {  	_ = 	snop;
	(pc) =	sbr.rel @!p0 .LBB2_9-.Ltmp4, $1  }
0x41: {  	_ =	sdelay $0x3  }
.LBB2_4:
0x42: {  	s0 =	sshll.u32 s28, $0x5  }
0x43: {  	s0 =	sor.u32 s10, s0  }
0x44: {  	p0 =	sgt.u32 s0, $0x9C3  }
.Ltmp5:
0x45: {  	_ = 	snop;
	(pc) =	sbr.rel @p0 .LBB2_8-.Ltmp5, $1  }
0x46: {  	_ =	sdelay $0x3  }
0x47: {  	s0 =	sor.u32 s5, s0  }
0x48: {  	s0 =	sshll.u32 s0, $0x4  }
0x49: {  	s29 =	simm.s32 $0x0;
	s4 =	sadd.s32 s1, s0  }
0x4a: {  	[tilespmem:s19], [sflag:$0x1] =	stream.linear.gather [hbm4b:s4+s29], $0x80, $0x38;
	[tilespmem:$0x18280] =	vst v63  }
0x4b: {  	s12 =	sadd.s32 s7, s0  }
0x4c: {  	[tilespmem:s20], [sflag:$0x1] =	stream.linear.gather [hbm4b:s12+s29], $0x80, $0x38;
	[tilespmem:$0x18280] =	vst v63  }
0x4d: {  	s12 =	sadd.s32 s2, s0  }
0x4e: {  	[tilespmem:s21], [sflag:$0x1] =	stream.linear.gather [hbm4b:s12+s29], $0x80, $0x38;
	[tilespmem:$0x18280] =	vst v63  }
0x4f: {  	s0 =	sadd.s32 s9, s0  }
0x50: {  	[tilespmem:s22], [sflag:$0x1] =	stream.linear.gather [hbm4b:s0+s29], $0x80, $0x38;
	[tilespmem:$0x18280] =	vst v63  }
0x51: {  	_ =	swait.ge [sflag:s23], $0x80  }
0x52: {  	[sflag:s23] =	ssyncset.done $0x0  }
0x53: {  	[sflag:s23] =	ssyncadd.s32 $0xFFFFFF80  }
0x54: {  	_ =	swait.ge [sflag:s23], $0x80  }
0x55: {  	[sflag:s23] =	ssyncset.done $0x0  }
0x56: {  	[sflag:s23] =	ssyncadd.s32 $0xFFFFFF80  }
0x57: {  	_ =	swait.ge [sflag:s23], $0x80  }
0x58: {  	[sflag:s23] =	ssyncset.done $0x0  }
0x59: {  	[sflag:s23] =	ssyncadd.s32 $0xFFFFFF80  }
0x5a: {  	_ =	swait.ge [sflag:s23], $0x80  }
0x5b: {  	[sflag:s23] =	ssyncset.done $0x0  }
0x5c: {  	[sflag:s23] =	ssyncadd.s32 $0xFFFFFF80  }
0x5d: {  	v1 =	vld [tilespmem:$0x4000]  }
0x5e: {  	v2 =	vld [tilespmem:$0x4100]  }
0x5f: {  	v3 =	vld [tilespmem:$0x4010]  }
0x60: {  	v4 =	vld [tilespmem:$0x4110]  }
0x61: {  	v5 =	vld [tilespmem:$0x4020]  }
0x62: {  	v6 =	vld [tilespmem:$0x4120]  }
0x63: {  	v7 =	vld [tilespmem:$0x4030]  }
0x64: {  	v8 =	vld [tilespmem:$0x4130]  }
0x65: {  	v9 =	vld [tilespmem:$0x4040]  }
0x66: {  	v10 =	vld [tilespmem:$0x4140]  }
0x67: {  	v11 =	vld [tilespmem:$0x4050]  }
0x68: {  	v12 =	vld [tilespmem:$0x4150]  }
0x69: {  	v13 =	vld [tilespmem:$0x4060];
	v1 =	vshll.u32 v1, $0x3  }
0x6a: {  	v1 =	vadd.s32 v2, v1;
	v2 =	vshll.u32 v3, $0x3;
	v3 =	vld [tilespmem:$0x4160]  }
0x6b: {  	[tilespmem:$0x4180] =	vst v1;
	v1 =	vadd.s32 v4, v2;
	v2 =	vshll.u32 v5, $0x3;
	v4 =	vld [tilespmem:$0x4070]  }
0x6c: {  	v5 =	vld [tilespmem:$0x4170];
	[tilespmem:$0x4190] =	vst v1;
	v1 =	vadd.s32 v6, v2;
	v2 =	vshll.u32 v7, $0x3  }
0x6d: {  	[tilespmem:$0x41A0] =	vst v1;
	v1 =	vadd.s32 v8, v2;
	v2 =	vshll.u32 v9, $0x3  }
0x6e: {  	[tilespmem:$0x41B0] =	vst v1;
	v1 =	vadd.s32 v10, v2;
	v2 =	vshll.u32 v11, $0x3  }
0x6f: {  	[tilespmem:$0x41C0] =	vst v1;
	v1 =	vadd.s32 v12, v2;
	v2 =	vshll.u32 v13, $0x3  }
0x70: {  	[tilespmem:$0x41D0] =	vst v1;
	v1 =	vadd.s32 v3, v2;
	v2 =	vshll.u32 v4, $0x3  }
0x71: {  	[tilespmem:$0x41E0] =	vst v1;
	v1 =	vadd.s32 v5, v2;
	v2 =	vmov s29  }
0x72: {  	[tilespmem:$0x41F0] =	vst v1;
	v1 =	vand.u32 $0xFFFFFFF8, v2  }
0x73: {  	v1 =	vbroadcast v1, $0x0  }
0x74: {  	[tilespmem:s29], [sflag:$0x1] =	stream.indirect.gather [hbm4b:s8+s24], $0x80, s25, s24, $0xb8;
	[tilespmem:$0x18280] =	vst v63  }
0x75: {  	_ =	swait.ge [sflag:s23], $0x4000  }
0x76: {  	[sflag:s23] =	ssyncset.done $0x0  }
0x77: {  	s30 =	simm.s32 $0x200;
	[sflag:s23] =	ssyncadd.s32 $0xFFFFC000  }
0x78: {  	v3 =	vld [tilespmem:s30+$0xFFFFFE70]  }
0x79: {  	v1 =	vld.idx.msk [tilespmem:v1+s22+$0x0], $0xffff  }
0x7a: {  	v4 =	vld [tilespmem:s30+$0xFFFFFE00]  }
0x7b: {  	v5 =	vld [tilespmem:s30+$0xFFFFFE20]  }
0x7c: {  	v6 =	vld [tilespmem:s30+$0xFFFFFE30]  }
0x7d: {  	v2 =	vld [tilespmem:s30+$0xFFFFFE50]  }
0x7e: {  	v8 =	vld [tilespmem:s30+$0xFFFFFE10];
	v3 =	vmul.f32 v3, v1  }
0x7f: {  	s4 =	simm.s32 $0x1;
	v7 =	vld [tilespmem:s30+$0xFFFFFE60];
	v4 =	vmul.f32 v4, v1  }
0x80: {  	v9 =	vld [tilespmem:s30+$0xFFFFFE40];
	v5 =	vmul.f32 v5, v1;
	[tilespmem:s30+$0xFFFFFE70] =	vst v3;
	v3 =	vmov s4  }
0x81: {  	v6 =	vmul.f32 v6, v1;
	[tilespmem:s30+$0xFFFFFE00] =	vst v4;
	v3 =	vand.u32 $0xFFFFFFF9, v3  }
0x82: {  	v2 =	vmul.f32 v2, v1;
	[tilespmem:s30+$0xFFFFFE20] =	vst v5;
	v3 =	vbroadcast v3, $0x0  }
0x83: {  	v4 =	vmul.f32 v8, v1;
	[tilespmem:s30+$0xFFFFFE30] =	vst v6  }
0x84: {  	v5 =	vmul.f32 v7, v1;
	[tilespmem:s30+$0xFFFFFE50] =	vst v2  }
0x85: {  	v1 =	vmul.f32 v9, v1;
	[tilespmem:s30+$0xFFFFFE10] =	vst v4  }
0x86: {  	[tilespmem:s30+$0xFFFFFE60] =	vst v5  }
0x87: {  	[tilespmem:s30+$0xFFFFFE40] =	vst v1  }
0x88: {  	v1 =	vld.idx.msk [tilespmem:v3+s22+$0x0], $0xffff  }
0x89: {  	v3 =	vld [tilespmem:s30+$0xFFFFFE90]  }
0x8a: {  	v4 =	vld [tilespmem:s30+$0xFFFFFEC0]  }
0x8b: {  	v5 =	vld [tilespmem:s30+$0xFFFFFE80]  }
0x8c: {  	v6 =	vld [tilespmem:s30+$0xFFFFFED0]  }
0x8d: {  	v2 =	vld [tilespmem:s30+$0xFFFFFEF0]  }
0x8e: {  	v7 =	vld [tilespmem:s30+$0xFFFFFEE0];
	v3 =	vmul.f32 v3, v1  }
0x8f: {  	s12 =	simm.s32 $0x2;
	v8 =	vld [tilespmem:s30+$0xFFFFFEB0];
	v4 =	vmul.f32 v4, v1  }
0x90: {  	v9 =	vld [tilespmem:s30+$0xFFFFFEA0];
	v5 =	vmul.f32 v5, v1;
	[tilespmem:s30+$0xFFFFFE90] =	vst v3;
	v3 =	vmov s12  }
0x91: {  	v6 =	vmul.f32 v6, v1;
	[tilespmem:s30+$0xFFFFFEC0] =	vst v4;
	v3 =	vand.u32 $0xFFFFFFFA, v3  }
0x92: {  	v2 =	vmul.f32 v2, v1;
	[tilespmem:s30+$0xFFFFFE80] =	vst v5;
	v3 =	vbroadcast v3, $0x0  }
0x93: {  	v4 =	vmul.f32 v7, v1;
	[tilespmem:s30+$0xFFFFFED0] =	vst v6  }
0x94: {  	v5 =	vmul.f32 v8, v1;
	[tilespmem:s30+$0xFFFFFEF0] =	vst v2  }
0x95: {  	v1 =	vmul.f32 v9, v1;
	[tilespmem:s30+$0xFFFFFEE0] =	vst v4  }
0x96: {  	[tilespmem:s30+$0xFFFFFEB0] =	vst v5  }
0x97: {  	v2 =	vld [tilespmem:s30+$0xFFFFFF00];
	[tilespmem:s30+$0xFFFFFEA0] =	vst v1  }
0x98: {  	v1 =	vld.idx.msk [tilespmem:v3+s22+$0x0], $0xffff  }
0x99: {  	v3 =	vld [tilespmem:s30+$0xFFFFFF60]  }
0x9a: {  	v4 =	vld [tilespmem:s30+$0xFFFFFF10]  }
0x9b: {  	v5 =	vld [tilespmem:s30+$0xFFFFFF50]  }
0x9c: {  	v6 =	vld [tilespmem:s30+$0xFFFFFF70]  }
0x9d: {  	v7 =	vld [tilespmem:s30+$0xFFFFFF20];
	v2 =	vmul.f32 v2, v1  }
0x9e: {  	s4 =	simm.s32 $0x3;
	v8 =	vld [tilespmem:s30+$0xFFFFFF30];
	v3 =	vmul.f32 v3, v1  }
0x9f: {  	v9 =	vld [tilespmem:s30+$0xFFFFFF40];
	v4 =	vmul.f32 v4, v1;
	[tilespmem:s30+$0xFFFFFF00] =	vst v2;
	v2 =	vmov s4  }
0xa0: {  	v5 =	vmul.f32 v5, v1;
	[tilespmem:s30+$0xFFFFFF60] =	vst v3;
	v2 =	vand.u32 $0xFFFFFFFB, v2  }
0xa1: {  	v3 =	vmul.f32 v6, v1;
	[tilespmem:s30+$0xFFFFFF10] =	vst v4;
	v2 =	vbroadcast v2, $0x0  }
0xa2: {  	v4 =	vmul.f32 v7, v1;
	[tilespmem:s30+$0xFFFFFF50] =	vst v5  }
0xa3: {  	v5 =	vmul.f32 v8, v1;
	[tilespmem:s30+$0xFFFFFF70] =	vst v3  }
0xa4: {  	v1 =	vmul.f32 v9, v1;
	[tilespmem:s30+$0xFFFFFF20] =	vst v4  }
0xa5: {  	[tilespmem:s30+$0xFFFFFF30] =	vst v5  }
0xa6: {  	[tilespmem:s30+$0xFFFFFF40] =	vst v1  }
0xa7: {  	v1 =	vld.idx.msk [tilespmem:v2+s22+$0x0], $0xffff  }
0xa8: {  	v2 =	vld [tilespmem:s30+$0xFFFFFFB0]  }
0xa9: {  	v4 =	vld [tilespmem:s30+$0xFFFFFFE0]  }
0xaa: {  	v5 =	vld [tilespmem:s30+$0xFFFFFF80]  }
0xab: {  	v6 =	vld [tilespmem:s30+$0xFFFFFFD0]  }
0xac: {  	v3 =	vld [tilespmem:s30+$0xFFFFFFF0]  }
0xad: {  	v8 =	vld [tilespmem:s30+$0xFFFFFFA0];
	v2 =	vmul.f32 v2, v1  }
0xae: {  	s12 =	simm.s32 $0x4;
	v7 =	vld [tilespmem:s30+$0xFFFFFF90];
	v4 =	vmul.f32 v4, v1  }
0xaf: {  	v9 =	vld [tilespmem:s30+$0xFFFFFFC0];
	v5 =	vmul.f32 v5, v1;
	[tilespmem:s30+$0xFFFFFFB0] =	vst v2;
	v2 =	vmov s12  }
0xb0: {  	v6 =	vmul.f32 v6, v1;
	[tilespmem:s30+$0xFFFFFFE0] =	vst v4;
	v2 =	vand.u32 $0xFFFFFFFC, v2  }
0xb1: {  	v3 =	vmul.f32 v3, v1;
	[tilespmem:s30+$0xFFFFFF80] =	vst v5;
	v2 =	vbroadcast v2, $0x0  }
0xb2: {  	v10 =	vld [tilespmem:s30+$0x40];
	v4 =	vmul.f32 v8, v1;
	[tilespmem:s30+$0xFFFFFFD0] =	vst v6  }
0xb3: {  	v5 =	vmul.f32 v7, v1;
	[tilespmem:s30+$0xFFFFFFF0] =	vst v3;
	v8 =	vld [tilespmem:s30+$0x0]  }
0xb4: {  	v3 =	vmul.f32 v9, v1;
	v1 =	vld [tilespmem:s30+$0x70];
	[tilespmem:s30+$0xFFFFFFA0] =	vst v4  }
0xb5: {  	v7 =	vld [tilespmem:s30+$0x20];
	[tilespmem:s30+$0xFFFFFF90] =	vst v5  }
0xb6: {  	v6 =	vld [tilespmem:s30+$0x30];
	[tilespmem:s30+$0xFFFFFFC0] =	vst v3  }
0xb7: {  	v2 =	vld.idx.msk [tilespmem:v2+s22+$0x0], $0xffff  }
0xb8: {  	v3 =	vld [tilespmem:s30+$0x50]  }
0xb9: {  	v5 =	vld [tilespmem:s30+$0x10]  }
0xba: {  	v4 =	vld [tilespmem:s30+$0x60];
	_ =	sdelay $0x1  }
0xbb: {  	s31 =	simm.s32 $0x200;
	s0 =	simm.s32 $0x8;
	v9 =	vmul.f32 v8, v2;
	v8 =	vmul.f32 v10, v2  }
.LBB2_6:
0xbc: {  	p0 =	slt.u32 s0, $0x78;
	v7 =	vmul.f32 v7, v2;
	v6 =	vmul.f32 v6, v2;
	s4 =	sadd.s32 $0x5, s29;
	s30 =	sadd.s32 $0x400, s30  }
0xbd: {  	v3 =	vmul.f32 v3, v2;
	[tilespmem:s31+$0x0] =	vst v9;
	v5 =	vmul.f32 v5, v2;
	v9 =	vmov s4;
	s4 =	smov.u32 s0;
	s0 =	sadd.s32 $0x8, s0  }
0xbe: {  	v1 =	vmul.f32 v1, v2;
	[tilespmem:s31+$0x40] =	vst v8;
	v4 =	vmul.f32 v4, v2;
	v2 =	vand.u32 $0xFFFFFFFD, v9  }
0xbf: {  	[tilespmem:s31+$0x20] =	vst v7;
	v2 =	vbroadcast v2, $0x0  }
0xc0: {  	[tilespmem:s31+$0x50] =	vst v3  }
0xc1: {  	[tilespmem:s31+$0x70] =	vst v1;
	v1 =	vld [tilespmem:s31+$0xA0]  }
0xc2: {  	[tilespmem:s31+$0x30] =	vst v6;
	v3 =	vld [tilespmem:s31+$0x80]  }
0xc3: {  	[tilespmem:s31+$0x60] =	vst v4;
	v4 =	vld [tilespmem:s31+$0xD0]  }
0xc4: {  	[tilespmem:s31+$0x10] =	vst v5;
	v5 =	vld [tilespmem:s31+$0xF0]  }
0xc5: {  	v2 =	vld.idx.msk [tilespmem:v2+s22+$0x0], $0xffff  }
0xc6: {  	v6 =	vld [tilespmem:s31+$0xC0]  }
0xc7: {  	v7 =	vld [tilespmem:s31+$0xB0]  }
0xc8: {  	v8 =	vld [tilespmem:s31+$0x90]  }
0xc9: {  	v9 =	vld [tilespmem:s31+$0xE0];
	_ =	sdelay $0x1  }
0xca: {  	v3 =	vmul.f32 v3, v2;
	v6 =	vmul.f32 v6, v2  }
0xcb: {  	s12 =	sadd.s32 $0x6, s29;
	v1 =	vmul.f32 v1, v2;
	v7 =	vmul.f32 v7, v2  }
0xcc: {  	v4 =	vmul.f32 v4, v2;
	[tilespmem:s31+$0x80] =	vst v3;
	v3 =	vmul.f32 v8, v2;
	v8 =	vmov s12  }
0xcd: {  	[tilespmem:s31+$0xA0] =	vst v1;
	v1 =	vmul.f32 v9, v2;
	v2 =	vmul.f32 v5, v2;
	v5 =	vand.u32 $0xFFFFFFFE, v8  }
0xce: {  	[tilespmem:s31+$0xD0] =	vst v4;
	v4 =	vbroadcast v5, $0x0  }
0xcf: {  	[tilespmem:s31+$0xC0] =	vst v6  }
0xd0: {  	[tilespmem:s31+$0xF0] =	vst v2;
	v2 =	vld [tilespmem:s31+$0x120]  }
0xd1: {  	[tilespmem:s31+$0xB0] =	vst v7;
	v5 =	vld [tilespmem:s31+$0x100]  }
0xd2: {  	[tilespmem:s31+$0x90] =	vst v3;
	v3 =	vld [tilespmem:s31+$0x140]  }
0xd3: {  	[tilespmem:s31+$0xE0] =	vst v1;
	v1 =	vld [tilespmem:s31+$0x130]  }
0xd4: {  	v4 =	vld.idx.msk [tilespmem:v4+s22+$0x0], $0xffff  }
0xd5: {  	v6 =	vld [tilespmem:s31+$0x110]  }
0xd6: {  	v7 =	vld [tilespmem:s31+$0x160]  }
0xd7: {  	v8 =	vld [tilespmem:s31+$0x150]  }
0xd8: {  	v9 =	vld [tilespmem:s31+$0x170];
	_ =	sdelay $0x1  }
0xd9: {  	v5 =	vmul.f32 v5, v4;
	v6 =	vmul.f32 v6, v4  }
0xda: {  	v2 =	vmul.f32 v2, v4;
	v1 =	vmul.f32 v1, v4  }
0xdb: {  	v3 =	vmul.f32 v3, v4;
	[tilespmem:s31+$0x100] =	vst v5;
	v5 =	vmul.f32 v8, v4  }
0xdc: {  	[tilespmem:s31+$0x120] =	vst v2;
	v2 =	vmul.f32 v7, v4;
	v4 =	vmul.f32 v9, v4  }
0xdd: {  	s12 =	sadd.s32 $0x7, s29;
	s29 =	smov.u32 s4;
	[tilespmem:s31+$0x130] =	vst v1  }
0xde: {  	v1 =	vmov s12;
	[tilespmem:s31+$0x140] =	vst v3  }
0xdf: {  	[tilespmem:s31+$0x160] =	vst v2;
	v2 =	vld [tilespmem:s31+$0x180]  }
0xe0: {  	[tilespmem:s31+$0x110] =	vst v6;
	v3 =	vld [tilespmem:s31+$0x1D0]  }
0xe1: {  	[tilespmem:s31+$0x150] =	vst v5;
	v5 =	vld [tilespmem:s31+$0x190]  }
0xe2: {  	[tilespmem:s31+$0x170] =	vst v4;
	v4 =	vld [tilespmem:s31+$0x1F0]  }
0xe3: {  	v1 =	vld.idx.msk [tilespmem:v1+s22+$0x0], $0xffff  }
0xe4: {  	v6 =	vld [tilespmem:s31+$0x1B0]  }
0xe5: {  	v7 =	vld [tilespmem:s31+$0x1A0]  }
0xe6: {  	v8 =	vld [tilespmem:s31+$0x1C0]  }
0xe7: {  	v9 =	vld [tilespmem:s31+$0x1E0];
	_ =	sdelay $0x1  }
0xe8: {  	v2 =	vmul.f32 v2, v1;
	v5 =	vmul.f32 v5, v1  }
0xe9: {  	v6 =	vmul.f32 v6, v1;
	v7 =	vmul.f32 v7, v1  }
0xea: {  	v10 =	vmov s29;
	v3 =	vmul.f32 v3, v1;
	[tilespmem:s31+$0x180] =	vst v2;
	v2 =	vmul.f32 v8, v1  }
0xeb: {  	v8 =	vand.u32 $0xFFFFFFF8, v10;
	[tilespmem:s31+$0x190] =	vst v5;
	v5 =	vmul.f32 v9, v1;
	v1 =	vmul.f32 v4, v1  }
0xec: {  	v4 =	vbroadcast v8, $0x0;
	[tilespmem:s31+$0x1D0] =	vst v3  }
0xed: {  	[tilespmem:s31+$0x1A0] =	vst v7  }
0xee: {  	v3 =	vld [tilespmem:s30+$0xFFFFFE50];
	[tilespmem:s31+$0x1F0] =	vst v1  }
0xef: {  	v1 =	vld [tilespmem:s30+$0xFFFFFE30];
	[tilespmem:s31+$0x1B0] =	vst v6  }
0xf0: {  	v6 =	vld [tilespmem:s30+$0xFFFFFE60];
	[tilespmem:s31+$0x1E0] =	vst v5  }
0xf1: {  	v5 =	vld [tilespmem:s30+$0xFFFFFE70];
	[tilespmem:s31+$0x1C0] =	vst v2;
	s31 =	smov.u32 s30  }
0xf2: {  	v2 =	vld.idx.msk [tilespmem:v4+s22+$0x0], $0xffff  }
0xf3: {  	v4 =	vld [tilespmem:s30+$0xFFFFFE00]  }
0xf4: {  	v7 =	vld [tilespmem:s30+$0xFFFFFE20]  }
0xf5: {  	v8 =	vld [tilespmem:s30+$0xFFFFFE10]  }
0xf6: {  	v9 =	vld [tilespmem:s30+$0xFFFFFE40];
	_ =	sdelay $0x1  }
0xf7: {  	v5 =	vmul.f32 v5, v2;
	v4 =	vmul.f32 v4, v2  }
0xf8: {  	s4 =	sadd.s32 $0x1, s29;
	v6 =	vmul.f32 v6, v2;
	v7 =	vmul.f32 v7, v2  }
0xf9: {  	v1 =	vmul.f32 v1, v2;
	v8 =	vmul.f32 v8, v2;
	[tilespmem:s30+$0xFFFFFE70] =	vst v5;
	v5 =	vmov s4  }
0xfa: {  	[tilespmem:s30+$0xFFFFFE00] =	vst v4;
	v4 =	vmul.f32 v9, v2;
	v2 =	vmul.f32 v3, v2;
	v3 =	vand.u32 $0xFFFFFFF9, v5  }
0xfb: {  	[tilespmem:s30+$0xFFFFFE20] =	vst v7;
	v3 =	vbroadcast v3, $0x0  }
0xfc: {  	[tilespmem:s30+$0xFFFFFE30] =	vst v1  }
0xfd: {  	[tilespmem:s30+$0xFFFFFE50] =	vst v2;
	v1 =	vld [tilespmem:s30+$0xFFFFFEF0]  }
0xfe: {  	[tilespmem:s30+$0xFFFFFE10] =	vst v8;
	v2 =	vld [tilespmem:s30+$0xFFFFFED0]  }
0xff: {  	[tilespmem:s30+$0xFFFFFE60] =	vst v6;
	v5 =	vld [tilespmem:s30+$0xFFFFFEB0]  }
0x100: {  	[tilespmem:s30+$0xFFFFFE40] =	vst v4;
	v4 =	vld [tilespmem:s30+$0xFFFFFEC0]  }
0x101: {  	v3 =	vld.idx.msk [tilespmem:v3+s22+$0x0], $0xffff  }
0x102: {  	v6 =	vld [tilespmem:s30+$0xFFFFFE90]  }
0x103: {  	v7 =	vld [tilespmem:s30+$0xFFFFFE80]  }
0x104: {  	v8 =	vld [tilespmem:s30+$0xFFFFFEA0]  }
0x105: {  	v9 =	vld [tilespmem:s30+$0xFFFFFEE0];
	_ =	sdelay $0x1  }
0x106: {  	v4 =	vmul.f32 v4, v3;
	v6 =	vmul.f32 v6, v3  }
0x107: {  	s4 =	sadd.s32 $0x2, s29;
	v5 =	vmul.f32 v5, v3;
	v7 =	vmul.f32 v7, v3  }
0x108: {  	v2 =	vmul.f32 v2, v3;
	[tilespmem:s30+$0xFFFFFE90] =	vst v6;
	v6 =	vmul.f32 v8, v3;
	v8 =	vmov s4  }
0x109: {  	v1 =	vmul.f32 v1, v3;
	[tilespmem:s30+$0xFFFFFEC0] =	vst v4;
	v4 =	vmul.f32 v9, v3;
	v3 =	vand.u32 $0xFFFFFFFA, v8  }
0x10a: {  	[tilespmem:s30+$0xFFFFFE80] =	vst v7;
	v3 =	vbroadcast v3, $0x0  }
0x10b: {  	[tilespmem:s30+$0xFFFFFED0] =	vst v2  }
0x10c: {  	[tilespmem:s30+$0xFFFFFEE0] =	vst v4;
	v2 =	vld [tilespmem:s30+$0xFFFFFF70]  }
0x10d: {  	[tilespmem:s30+$0xFFFFFEB0] =	vst v5;
	v4 =	vld [tilespmem:s30+$0xFFFFFF50]  }
0x10e: {  	[tilespmem:s30+$0xFFFFFEF0] =	vst v1;
	v1 =	vld [tilespmem:s30+$0xFFFFFF20]  }
0x10f: {  	[tilespmem:s30+$0xFFFFFEA0] =	vst v6;
	v5 =	vld [tilespmem:s30+$0xFFFFFF60]  }
0x110: {  	v3 =	vld.idx.msk [tilespmem:v3+s22+$0x0], $0xffff  }
0x111: {  	v6 =	vld [tilespmem:s30+$0xFFFFFF00]  }
0x112: {  	v7 =	vld [tilespmem:s30+$0xFFFFFF10]  }
0x113: {  	v8 =	vld [tilespmem:s30+$0xFFFFFF40]  }
0x114: {  	v9 =	vld [tilespmem:s30+$0xFFFFFF30];
	_ =	sdelay $0x1  }
0x115: {  	v5 =	vmul.f32 v5, v3;
	v6 =	vmul.f32 v6, v3  }
0x116: {  	s4 =	sadd.s32 $0x3, s29;
	v1 =	vmul.f32 v1, v3;
	v7 =	vmul.f32 v7, v3  }
0x117: {  	v4 =	vmul.f32 v4, v3;
	[tilespmem:s30+$0xFFFFFF00] =	vst v6;
	v6 =	vmul.f32 v8, v3;
	v8 =	vmov s4  }
0x118: {  	v2 =	vmul.f32 v2, v3;
	v9 =	vmul.f32 v9, v3;
	[tilespmem:s30+$0xFFFFFF60] =	vst v5;
	v3 =	vand.u32 $0xFFFFFFFB, v8  }
0x119: {  	[tilespmem:s30+$0xFFFFFF10] =	vst v7;
	v3 =	vbroadcast v3, $0x0  }
0x11a: {  	[tilespmem:s30+$0xFFFFFF50] =	vst v4  }
0x11b: {  	[tilespmem:s30+$0xFFFFFF70] =	vst v2;
	v2 =	vld [tilespmem:s30+$0xFFFFFFF0]  }
0x11c: {  	[tilespmem:s30+$0xFFFFFF20] =	vst v1;
	v1 =	vld [tilespmem:s30+$0xFFFFFFD0]  }
0x11d: {  	[tilespmem:s30+$0xFFFFFF30] =	vst v9;
	v4 =	vld [tilespmem:s30+$0xFFFFFF90]  }
0x11e: {  	[tilespmem:s30+$0xFFFFFF40] =	vst v6;
	v5 =	vld [tilespmem:s30+$0xFFFFFFE0]  }
0x11f: {  	v3 =	vld.idx.msk [tilespmem:v3+s22+$0x0], $0xffff  }
0x120: {  	v6 =	vld [tilespmem:s30+$0xFFFFFFB0]  }
0x121: {  	v7 =	vld [tilespmem:s30+$0xFFFFFF80]  }
0x122: {  	v8 =	vld [tilespmem:s30+$0xFFFFFFC0]  }
0x123: {  	v9 =	vld [tilespmem:s30+$0xFFFFFFA0];
	_ =	sdelay $0x1  }
0x124: {  	v5 =	vmul.f32 v5, v3;
	v6 =	vmul.f32 v6, v3  }
0x125: {  	s4 =	sadd.s32 $0x4, s29;
	v4 =	vmul.f32 v4, v3;
	v7 =	vmul.f32 v7, v3  }
0x126: {  	v1 =	vmul.f32 v1, v3;
	[tilespmem:s30+$0xFFFFFFB0] =	vst v6;
	v6 =	vmul.f32 v8, v3;
	v8 =	vmov s4  }
0x127: {  	v2 =	vmul.f32 v2, v3;
	v9 =	vmul.f32 v9, v3;
	[tilespmem:s30+$0xFFFFFFE0] =	vst v5;
	v3 =	vand.u32 $0xFFFFFFFC, v8  }
0x128: {  	[tilespmem:s30+$0xFFFFFF80] =	vst v7;
	v5 =	vbroadcast v3, $0x0  }
0x129: {  	[tilespmem:s30+$0xFFFFFFD0] =	vst v1  }
0x12a: {  	[tilespmem:s30+$0xFFFFFFF0] =	vst v2;
	v8 =	vld [tilespmem:s30+$0x0]  }
0x12b: {  	[tilespmem:s30+$0xFFFFFFA0] =	vst v9;
	v1 =	vld [tilespmem:s30+$0x70]  }
0x12c: {  	[tilespmem:s30+$0xFFFFFF90] =	vst v4;
	v3 =	vld [tilespmem:s30+$0x50]  }
0x12d: {  	[tilespmem:s30+$0xFFFFFFC0] =	vst v6;
	v7 =	vld [tilespmem:s30+$0x20]  }
0x12e: {  	v2 =	vld.idx.msk [tilespmem:v5+s22+$0x0], $0xffff  }
0x12f: {  	v10 =	vld [tilespmem:s30+$0x40]  }
.Ltmp6:
0x130: {  	v6 =	vld [tilespmem:s30+$0x30];
	(pc) =	sbr.rel @p0 .LBB2_6-.Ltmp6, $3  }
0x131: {  	v5 =	vld [tilespmem:s30+$0x10]  }
0x132: {  	v4 =	vld [tilespmem:s30+$0x60];
	_ =	sdelay $0x1  }
0x133: {  	v9 =	vmul.f32 v8, v2;
	v8 =	vmul.f32 v10, v2  }
0x134: {  	s0 =	sadd.s32 $0x5, s29  }
0x135: {  	v7 =	vmul.f32 v7, v2;
	[tilespmem:s31+$0x0] =	vst v9;
	v37 =	vmov s0  }
0x136: {  	v3 =	vmul.f32 v3, v2;
	[tilespmem:s31+$0x40] =	vst v8;
	v38 =	vand.u32 $0xFFFFFFFD, v37  }
0x137: {  	v1 =	vmul.f32 v1, v2;
	[tilespmem:s31+$0x20] =	vst v7;
	v39 =	vbroadcast v38, $0x0  }
0x138: {  	v6 =	vmul.f32 v6, v2;
	[tilespmem:s31+$0x50] =	vst v3  }
0x139: {  	v3 =	vmul.f32 v4, v2;
	[tilespmem:s31+$0x70] =	vst v1  }
0x13a: {  	v1 =	vmul.f32 v5, v2;
	[tilespmem:s31+$0x30] =	vst v6  }
0x13b: {  	[tilespmem:s31+$0x60] =	vst v3  }
0x13c: {  	v2 =	vld [tilespmem:s31+$0x80];
	[tilespmem:s31+$0x10] =	vst v1  }
0x13d: {  	v1 =	vld.idx.msk [tilespmem:v39+s22+$0x0], $0xffff  }
0x13e: {  	v3 =	vld [tilespmem:s31+$0xA0]  }
0x13f: {  	v40 =	vld [tilespmem:s31+$0xD0]  }
0x140: {  	v41 =	vld [tilespmem:s31+$0xC0]  }
0x141: {  	v42 =	vld [tilespmem:s31+$0xF0]  }
0x142: {  	v44 =	vld [tilespmem:s31+$0x90];
	v2 =	vmul.f32 v2, v1  }
0x143: {  	v43 =	vld [tilespmem:s31+$0xB0];
	s12 =	sadd.s32 $0x6, s29;
	v3 =	vmul.f32 v3, v1  }
0x144: {  	v45 =	vld [tilespmem:s31+$0xE0];
	v46 =	vmov s12;
	[tilespmem:s31+$0x80] =	vst v2;
	v2 =	vmul.f32 v40, v1  }
0x145: {  	v5 =	vmul.f32 v41, v1;
	[tilespmem:s31+$0xA0] =	vst v3;
	v3 =	vand.u32 $0xFFFFFFFE, v46  }
0x146: {  	v47 =	vmul.f32 v42, v1;
	[tilespmem:s31+$0xD0] =	vst v2;
	v2 =	vbroadcast v3, $0x0  }
0x147: {  	v48 =	vmul.f32 v44, v1;
	[tilespmem:s31+$0xC0] =	vst v5  }
0x148: {  	[tilespmem:s31+$0xF0] =	vst v47;
	v3 =	vmul.f32 v43, v1  }
0x149: {  	[tilespmem:s31+$0x90] =	vst v48;
	v1 =	vmul.f32 v45, v1  }
0x14a: {  	[tilespmem:s31+$0xB0] =	vst v3  }
0x14b: {  	v3 =	vld [tilespmem:s31+$0x100];
	[tilespmem:s31+$0xE0] =	vst v1  }
0x14c: {  	v1 =	vld.idx.msk [tilespmem:v2+s22+$0x0], $0xffff  }
0x14d: {  	v2 =	vld [tilespmem:s31+$0x120]  }
0x14e: {  	v49 =	vld [tilespmem:s31+$0x130]  }
0x14f: {  	v50 =	vld [tilespmem:s31+$0x140]  }
0x150: {  	v52 =	vld [tilespmem:s31+$0x110]  }
0x151: {  	v53 =	vld [tilespmem:s31+$0x150];
	v3 =	vmul.f32 v3, v1  }
0x152: {  	v51 =	vld [tilespmem:s31+$0x160];
	v2 =	vmul.f32 v2, v1  }
0x153: {  	v54 =	vld [tilespmem:s31+$0x170];
	v4 =	vmul.f32 v49, v1;
	[tilespmem:s31+$0x100] =	vst v3  }
0x154: {  	v3 =	vmul.f32 v50, v1;
	[tilespmem:s31+$0x120] =	vst v2  }
0x155: {  	s30 =	sadd.s32 $0x7, s29;
	v55 =	vmul.f32 v52, v1;
	[tilespmem:s31+$0x130] =	vst v4  }
0x156: {  	v56 =	vmul.f32 v53, v1;
	[tilespmem:s31+$0x140] =	vst v3;
	v3 =	vmov s30  }
0x157: {  	v2 =	vmul.f32 v51, v1;
	[tilespmem:s31+$0x110] =	vst v55  }
0x158: {  	v1 =	vmul.f32 v54, v1;
	[tilespmem:s31+$0x150] =	vst v56  }
0x159: {  	[tilespmem:s31+$0x160] =	vst v2  }
0x15a: {  	v2 =	vld [tilespmem:s31+$0x180];
	[tilespmem:s31+$0x170] =	vst v1  }
0x15b: {  	v1 =	vld.idx.msk [tilespmem:v3+s22+$0x0], $0xffff  }
0x15c: {  	v57 =	vld [tilespmem:s31+$0x190]  }
0x15d: {  	v59 =	vld [tilespmem:s31+$0x1F0]  }
0x15e: {  	v3 =	vld [tilespmem:s31+$0x1D0]  }
0x15f: {  	v58 =	vld [tilespmem:s31+$0x1A0]  }
0x160: {  	v60 =	vld [tilespmem:s31+$0x1B0];
	v2 =	vmul.f32 v2, v1  }
0x161: {  	v61 =	vld [tilespmem:s31+$0x1E0];
	v4 =	vmul.f32 v57, v1  }
0x162: {  	v62 =	vld [tilespmem:s31+$0x1C0];
	v63 =	vmul.f32 v59, v1;
	[tilespmem:s31+$0x180] =	vst v2  }
0x163: {  	v2 =	vmul.f32 v3, v1;
	[tilespmem:s31+$0x190] =	vst v4  }
0x164: {  	v3 =	vmul.f32 v58, v1;
	[tilespmem:s31+$0x1F0] =	vst v63  }
0x165: {  	[tilespmem:s31+$0x1D0] =	vst v2;
	v2 =	vmul.f32 v60, v1  }
0x166: {  	[tilespmem:s31+$0x1A0] =	vst v3;
	v3 =	vmul.f32 v61, v1  }
0x167: {  	v1 =	vmul.f32 v62, v1;
	[tilespmem:s31+$0x1B0] =	vst v2  }
0x168: {  	[tilespmem:s31+$0x1E0] =	vst v3  }
.Ltmp7:
0x169: {  	[tilespmem:s31+$0x1C0] =	vst v1;
	(pc) =	sbr.rel .LBB2_8-.Ltmp7, $4  }
0x16a: {  	[spmem:s3] =	stream.indirect.scatter.add.f32 [tilespmem:s6], [sflag:$0x2], $0x80, s20, s24, $0xb8;
	[tilespmem:$0x18280] =	vst v63  }
0x16b: {  	_ =	swait.ge [sflag:s18], $0x4000  }
0x16c: {  	[sflag:s18] =	ssyncset.done $0x0  }
0x16d: {  	[sflag:s18] =	ssyncadd.s32 $0xFFFFC000  }
.LBB2_10:
0x16e: {  	_ =	sfence.sel $0x180000  }
0x16f: {  	[bflag:$0x0] =	sbarrier.arrive $0xFFFF  }
0x170: {  	_ =	strace $0x9000004D  }
0x171: {  	s0 =	stileid.u32;
	[bflag:$0x2] =	sbarrier.arrive $0xFFFF  }
0x172: {  	p0 =	sne.s32 s0, $0x0;
	s0 =	rddreg [dreg:$0x4]  }
0x173: {  	s0 =	sadd.s32 @!p0 $0x100000, s0  }
0x174: {  	[sflag:s0] =	ssyncadd.tile.s32 @!p0 $0x1;
	_ =	shalt  }
.Lfunc_end2:
_tile_overlayer_lowered:
.L_overlay_start_2:
0x175: {  	(tag) =	ssettag $0x2  }
0x176: {  	s0 =	rddreg [dreg:$0x0];
	s2 =	stileid.u32  }
0x177: {  	s1 =	rddreg [dreg:$0x1];
	p0 =	sne.s32 s2, $0x0  }
0x178: {  	s3 =	rddreg [dreg:$0x2];
	[bflag:$0x3] =	sbarrier.arrive $0xFFFF;
	s2 =	simm.s32 @!p0 $0x1C02  }
0x179: {  	[timem:s3], [sflag:s2] =	dma.local @!p0 [hbm:s0], s1  }
0x17a: {  	s0 =	simm.s32 @!p0 $0x2  }
0x17b: {  	_ =	swait.ge @!p0 [sflag:s0], s1  }
0x17c: {  	s1 =	ssub.s32 @!p0 $0x0, s1;
	[sflag:s0] =	ssyncset.done @!p0 $0x0  }
0x17d: {  	[sflag:s0] =	ssyncadd.s32 @!p0 s1  }
0x17e: {  	[bflag:$0x3] =	sbarrier.arrive $0xFFFF  }
0x17f: {  	_ =	shalt  }

// kernel: kernel.18.cloned.1.call-start
scs
__scs_entry_jumppad:
0x0: {  	(pc) =	sbr.rel $0x88, $3  }
0x1: {  	(tag) =	ssettag $0x0;
	lr =	simm.s32 $0x1  }
0x2: {  	[smem:$0x3F97] =	sst lr;
	_ =	strace $0xD0000000  }
0x3: {  	_ = 	snop  }
0x4: {  	_ = 	snop  }
0x5: {  	_ = 	snop  }
0x6: {  	_ = 	snop  }
0x7: {  	_ = 	snop  }
__scs_overlays_trampoline_lowered:
0x8: {  	[smem:$0x3FA6] =	sst s0  }
0x9: {  	[smem:$0x3FA7] =	sst s1  }
0xa: {  	[smem:$0x3FA8] =	sst s2  }
0xb: {  	[smem:$0x3FA9] =	sst s3  }
0xc: {  	[smem:$0x3FAA] =	sst s4  }
0xd: {  	[smem:$0x3FAB] =	sst s5  }
0xe: {  	[smem:$0x3FAC] =	sst s6  }
0xf: {  	[smem:$0x3FAD] =	sst s7  }
0x10: {  	[smem:$0x3FAE] =	sst s8  }
0x11: {  	[smem:$0x3FAF] =	sst s9;
	s0 =	simm.s32 @!p0 $0x0  }
0x12: {  	s1 =	sld [smem:$0x3F95];
	s0 =	simm.s32 @p0 $0x1  }
0x13: {  	[smem:$0x3FB0] =	sst s0;
	s0 =	simm.s32 @!p1 $0x0  }
0x14: {  	s2 =	sld [smem:$0x3F94];
	s0 =	simm.s32 @p1 $0x1  }
0x15: {  	[smem:$0x3FB1] =	sst s0;
	s0 =	simm.s32 @!p2 $0x0  }
0x16: {  	s3 =	sld [smem:$0x3FDB];
	s0 =	simm.s32 @p2 $0x1  }
0x17: {  	s4 =	simm.s32 $0x1BF5;
	[smem:$0x3FB3] =	sst s0  }
0x18: {  	s0 =	sld [smem:$0x3F96];
	_ =	swait.ge [sflag:s4], $0x0  }
0x19: {  	s7 =	sld [smem:$0x3F97]  }
0x1a: {  	s8 =	sadd.s32 $0xFFFFE003, lr  }
0x1b: {  	s9 =	sadd.s32 $0xFFFFFEF7, lr;
	s5 =	simm.s32 $0xFFFFFFFF;
	p2 =	slt.u32 s8, $0xFFFFF086  }
0x1c: {  	p1 =	slt.u32 s9, $0xF7A;
	s5 =	simm.s32 @!p2 $0x0  }
0x1d: {  	s5 =	simm.s32 @p1 $0x1;
	p0 =	seq.s32 s7, s2  }
0x1e: {  	s7 =	smul.u32 @!p0 $0xF7A, s2;
	p2 =	seq.s32 @!p0 s5, $0x0  }
0x1f: {  	s9 =	smul.u32 $0xF7A, s1;
	s8 =	simm.s32 @!p0 $0x1BF5;
	p2 =	por !p2, p0  }
0x20: {  	[sflag:s8] =	ssyncset.s32 @!p0 $0xFFFFF086;
	s6 =	sadd.s32 @!p0 s3, s7;
	s7 =	simm.s32 @!p0 $0x108  }
0x21: {  	s3 =	sadd.s32 s3, s9;
	s6 =	sadd.s32 @!p0 $0x88, s6;
	s7 =	simm.s32 @p2 $0x1082  }
0x22: {  	[simem:s7], [sflag:s8] =	dma.local @!p0 [hbm:s6], $0xF7A  }
0x23: {  	s9 =	sor.u32 $0xD0000000, s2;
	s6 =	simm.s32 $0x108;
	_ =	swait.ge @!p0 [sflag:s8], $0x0  }
0x24: {  	s3 =	sadd.s32 $0x88, s3;
	s6 =	simm.s32 @!p1 $0x1082;
	[sflag:s4] =	ssyncset.s32 $0xFFFFF086  }
0x25: {  	[simem:s6], [sflag:s4] =	dma.local [hbm:s3], $0xF7A  }
0x26: {  	[smem:$0x3F97] =	sst s1;
	(tag) =	ssettag s2;
	_ =	strace s9  }
0x27: {  	s1 =	sld [smem:$0x3FA7]  }
0x28: {  	s2 =	sld [smem:$0x3FA8]  }
0x29: {  	s4 =	sld [smem:$0x3FAA]  }
0x2a: {  	p0 =	seq.s32 s5, $0x0;
	s5 =	sld [smem:$0x3FAB]  }
0x2b: {  	s6 =	sld [smem:$0x3FAC]  }
0x2c: {  	s7 =	sld [smem:$0x3FAD]  }
0x2d: {  	s3 =	simm.s32 $0x108;
	s8 =	sld [smem:$0x3FAE]  }
0x2e: {  	s3 =	simm.s32 @!p0 $0x1082;
	s9 =	sld [smem:$0x3FAF]  }
0x2f: {  	lr =	sadd.s32 s0, s3;
	s0 =	sld [smem:$0x3FA6]  }
0x30: {  	s3 =	sld [smem:$0x3FA9]  }
0x31: {  	[smem:$0x3FB2] =	sst s10  }
0x32: {  	s10 =	sld [smem:$0x3FB0];
	_ =	sdelay $0x3  }
0x33: {  	p0 =	seq.s32 s10, $0x1;
	s10 =	sld [smem:$0x3FB2];
	_ =	sdelay $0x3  }
0x34: {  	[smem:$0x3FB2] =	sst s10  }
0x35: {  	s10 =	sld [smem:$0x3FB1];
	_ =	sdelay $0x3  }
0x36: {  	p1 =	seq.s32 s10, $0x1;
	s10 =	sld [smem:$0x3FB2];
	_ =	sdelay $0x3  }
0x37: {  	[smem:$0x3FB2] =	sst s10  }
0x38: {  	s10 =	sld [smem:$0x3FB3]  }
0x39: {  	_ = 	snop;
	(pc) =	sbr.ind lr, $3  }
0x3a: {  	_ = 	snop  }
0x3b: {  	_ = 	snop  }
0x3c: {  	p2 =	seq.s32 s10, $0x1;
	s10 =	sld [smem:$0x3FB2]  }
0x3d: {  	_ =	shalt  }
0x3e: {  	_ =	shalt  }
0x3f: {  	_ =	shalt  }
0x40: {  	_ =	shalt  }
0x41: {  	_ =	shalt  }
0x42: {  	_ =	shalt  }
0x43: {  	_ =	shalt  }
0x44: {  	_ =	shalt  }
0x45: {  	_ =	shalt  }
0x46: {  	_ =	shalt  }
0x47: {  	_ =	shalt  }
0x48: {  	_ =	shalt  }
0x49: {  	_ =	shalt  }
0x4a: {  	_ =	shalt  }
0x4b: {  	_ =	shalt  }
0x4c: {  	_ =	shalt  }
0x4d: {  	_ =	shalt  }
0x4e: {  	_ =	shalt  }
0x4f: {  	_ =	shalt  }
0x50: {  	_ =	shalt  }
0x51: {  	_ =	shalt  }
0x52: {  	_ =	shalt  }
0x53: {  	_ =	shalt  }
0x54: {  	_ =	shalt  }
0x55: {  	_ =	shalt  }
0x56: {  	_ =	shalt  }
0x57: {  	_ =	shalt  }
0x58: {  	_ =	shalt  }
0x59: {  	_ =	shalt  }
0x5a: {  	_ =	shalt  }
0x5b: {  	_ =	shalt  }
0x5c: {  	_ =	shalt  }
0x5d: {  	_ =	shalt  }
0x5e: {  	_ =	shalt  }
0x5f: {  	_ =	shalt  }
0x60: {  	_ =	shalt  }
0x61: {  	_ =	shalt  }
0x62: {  	_ =	shalt  }
0x63: {  	_ =	shalt  }
0x64: {  	_ =	shalt  }
0x65: {  	_ =	shalt  }
0x66: {  	_ =	shalt  }
0x67: {  	_ =	shalt  }
0x68: {  	_ =	shalt  }
0x69: {  	_ =	shalt  }
0x6a: {  	_ =	shalt  }
0x6b: {  	_ =	shalt  }
0x6c: {  	_ =	shalt  }
0x6d: {  	_ =	shalt  }
0x6e: {  	_ =	shalt  }
0x6f: {  	_ =	shalt  }
0x70: {  	_ =	shalt  }
0x71: {  	_ =	shalt  }
0x72: {  	_ =	shalt  }
0x73: {  	_ =	shalt  }
0x74: {  	_ =	shalt  }
0x75: {  	_ =	shalt  }
0x76: {  	_ =	shalt  }
0x77: {  	_ =	shalt  }
0x78: {  	_ =	shalt  }
0x79: {  	_ =	shalt  }
0x7a: {  	_ =	shalt  }
0x7b: {  	_ =	shalt  }
0x7c: {  	_ =	shalt  }
0x7d: {  	_ =	shalt  }
0x7e: {  	_ =	shalt  }
0x7f: {  	_ =	shalt  }
0x80: {  	_ =	shalt  }
0x81: {  	_ =	shalt  }
0x82: {  	_ =	shalt  }
0x83: {  	_ =	shalt  }
0x84: {  	_ =	shalt  }
0x85: {  	_ =	shalt  }
0x86: {  	_ =	shalt  }
0x87: {  	_ =	shalt  }
.Lfunc_end0:
.L_simem_size_0:
called_computation.3_lowered:
.L_overlay_start_0:
0x88: {  	s2 =	sld [smem:$0x3FD9]  }
0x89: {  	s3 =	sld [smem:$0x3FFE];
	_ =	sdelay $0x1  }
0x8a: {  	s1 =	srdreg.scid  }
0x8b: {  	s0 =	sand.u32 $0x1, s1  }
0x8c: {  	s17 =	sshll.u32 s0, $0xA;
	s2 =	sadd.s32 s3, s2  }
0x8d: {  	s2 =	sadd.s32 s2, s17  }
0x8e: {  	[smem:$0x3FBE] =	sst s2  }
0x8f: {  	_ = 	snop  }
0x90: {  	s2 =	sld [smem:$0x3FD0];
	(tm) =	ssettm $0x1  }
0x91: {  	s18 =	sld [smem:$0x3FFB];
	_ =	sdelay $0x3  }
0x92: {  	_ =	strace s18  }
0x93: {  	s3 =	sld [smem:$0x3FFC];
	_ =	sdelay $0x3  }
0x94: {  	_ =	strace s3  }
0x95: {  	s3 =	sld [smem:$0x3FFD];
	_ =	sdelay $0x3  }
0x96: {  	_ =	strace s3  }
0x97: {  	_ =	strace $0x8FFFFFFF  }
0x98: {  	s19 =	sld [smem:$0x3FDB];
	_ =	sdelay $0x1  }
0x99: {  	s4 =	simm.s32 $_scs_section_size  }
0x9a: {  	s5 =	simm.s32 $_size__tile_overlayer_lowered;
	s6 =	simm.s32 $_tile_overlayer_lowered  }
0x9b: {  	s22 =	simm.s32 $0x1BFF;
	s21 =	sshll.u32 s6, $0x1;
	s3 =	sadd.s32 s4, s19  }
0x9c: {  	s7 =	simm.s32 $0x0;
	s20 =	sshll.u32 s5, $0x1;
	s5 =	sadd.s32 s21, s3  }
0x9d: {  	[timem:s7], [sflag:s22] =	dma.local [hbm:s5], s20  }
0x9e: {  	_ =	swait.ge [sflag:s22], s20  }
0x9f: {  	s4 =	ssub.s32 $0x0, s20;
	[sflag:s22] =	ssyncset.done $0x0  }
0xa0: {  	[sflag:s22] =	ssyncadd.s32 s4;
	_ =	sdelay $0x1  }
0xa1: {  	s23 =	simm.s32 $0x1B8B  }
0xa2: {  	_ =	swait.ge [sflag:s23], $0x1  }
0xa3: {  	[sflag:s23] =	ssyncset.done $0x0  }
0xa4: {  	s25 =	simm.s32 $0x1B8E;
	s24 =	sld [smem:$0x3FFE];
	[sflag:s23] =	ssyncadd.s32 $0xFFFFFFFF  }
0xa5: {  	s26 =	simm.s32 $execute0_lowered;
	[smem:$0x3FD2] =	sst s25  }
0xa6: {  	s5 =	sshll.u32 s26, $0x1;
	_ =	strace $0x8000004F;
	[dreg:$0x1] =	wrdreg $0xFFFFFFFF  }
0xa7: {  	s28 =	simm.s32 $_size_execute0_lowered;
	s3 =	sadd.s32 s3, s5;
	[dreg:$0x0] =	wrdreg $0x0  }
0xa8: {  	s5 =	sshll.u32 s28, $0x1;
	[dreg:$0x2] =	wrdreg s3  }
0xa9: {  	[dreg:$0x3] =	wrdreg s5  }
0xaa: {  	[dreg:$0x4] =	wrdreg $0xC0  }
0xab: {  	_ =	task [dreg:s7], $0x5FFFF  }
0xac: {  	[dreg:$0x1] =	wrdreg $0xFFFFFFFF  }
0xad: {  	[dreg:$0x0] =	wrdreg $0x60  }
0xae: {  	[dreg:$0x2] =	wrdreg s2  }
0xaf: {  	[dreg:$0x3] =	wrdreg s24  }
0xb0: {  	[dreg:$0x4] =	wrdreg $0x41000  }
0xb1: {  	[dreg:$0x5] =	wrdreg $0x9  }
0xb2: {  	_ =	task.clear_ibuf [dreg:s7], $0x6FFFF;
	_ =	strace $0x9000004F  }
0xb3: {  	s29 =	simm.s32 $0x9;
	_ =	strace $0x80000051  }
0xb4: {  	_ =	swait.ge [sflag:s29], $0x1  }
0xb5: {  	[sflag:s29] =	ssyncadd.s32 $0xFFFFFFFF  }
0xb6: {  	_ =	strace $0x90000051  }
0xb7: {  	_ =	sfence  }
0xb8: {  	s30 =	sld [smem:$0x0];
	_ =	sdelay $0x2  }
0xb9: {  	s31 =	sshll.u32 s1, $0xD;
	s1 =	sshrl.u32 s1, $0x2  }
0xba: {  	s3 =	sand.u32 $0x4000, s31;
	s1 =	sadd.s32 s1, s30  }
0xbb: {  	s0 =	sor.u32 s3, s0;
	s1 =	sshll.u32 s1, $0x11  }
0xbc: {  	s0 =	sor.u32 s1, s0  }
0xbd: {  	s0 =	sadd.s32 $0x8F2B, s0  }
0xbe: {  	[sflag:s0] =	ssyncadd.remote.s32 $0x1  }
0xbf: {  	_ =	sfence.sel $0xFFFF  }
0xc0: {  	[dreg:$0x0] =	wrdreg $0xFFFFFFFF;
	(pc) =	sbr.abs _section_cstart, $3  }
0xc1: {  	[dreg:$0x1] =	wrdreg $0xFFFFFFFF  }
0xc2: {  	_ =	task.clear_ibuf [dreg:s7], $0x2FFFF;
	_ =	strace $0x9FFFFFFF  }
0xc3: {  	(tm) =	ssettm $0x7FFFFFFF  }
tec
execute0_lowered:
.L_overlay_start_1:
0x0: {  	(tag) =	ssettag $0x1  }
0x1: {  	s14 =	rddreg [dreg:$0x0]  }
0x2: {  	s5 =	rddreg [dreg:$0x1]  }
0x3: {  	s1 =	rddreg [dreg:$0x2];
	s2 =	srdreg.scid  }
0x4: {  	s0 =	rddreg [dreg:$0x3];
	s11 =	sand.u32 $0x1, s2  }
0x5: {  	s3 =	simm.s32 $0x0;
	s2 =	stileid.u32;
	s6 =	smul.u32 $0x140000, s11  }
0x6: {  	[smem:$0x7FF] =	sst s3;
	s4 =	sadd.s32 $0xC400, s5;
	s7 =	smul.u32 $0x14000, s2  }
0x7: {  	s15 =	sshll.u32 s2, $0x5;
	_ =	strace $0x80000050;
	s8 =	smul.u32 $0x50000, s2  }
0x8: {  	s30 =	ssub.s32 $0x2, s11;
	s17 =	sshll.u32 s11, $0x4;
	s31 =	sshll.u32 s2, $0x6  }
0x9: {  	s13 =	sadd.s32 s15, s5;
	s9 =	sshrl.u32 s30, $0x1;
	s14 =	sadd.s32 s15, s14  }
0xa: {  	s15 =	simm.s32 $0x2;
	s6 =	sadd.s32 s7, s6;
	s8 =	sshrl.u32 s8, $0x2  }
0xb: {  	s16 =	ssub.s32 s30, s9;
	s13 =	sadd.s32 s17, s13;
	s6 =	sshrl.u32 s6, $0x3  }
0xc: {  	s14 =	sadd.s32 s17, s14;
	s12 =	sadd.s32 s6, s5;
	s5 =	sadd.s32 s8, s1  }
0xd: {  	s13 =	sadd.s32 $0x2600, s13;
	s6 =	sshll.u32 s2, $0x1;
	s7 =	sadd.s32 $0x4000, s5  }
0xe: {  	s8 =	sadd.s32 $0x8000, s5;
	s9 =	sadd.s32 $0xC000, s5;
	s10 =	sadd.s32 $0x10000, s5  }
0xf: {  	v0 =	vimm.f32 $0.0e+00;
	s11 =	sadd.s32 $0x34400, s12;
	s12 =	smax.u32 s16, $0x1;
	s16 =	sor.u32 $0x1C02, s31  }
.LBB2_1:
0x10: {  	s17 =	simm.s32 $0x0;
	s18 =	simm.s32 $0x200  }
.LBB2_2:
0x11: {  	p0 =	sne.s32 s18, $0xFE00;
	[tilespmem:s17+$0x70] =	vst v0  }
0x12: {  	[tilespmem:s17+$0x0] =	vst v0  }
0x13: {  	[tilespmem:s17+$0x10] =	vst v0  }
.Ltmp0:
0x14: {  	[tilespmem:s17+$0x20] =	vst v0;
	(pc) =	sbr.rel @p0 .LBB2_2-.Ltmp0, $4  }
0x15: {  	[tilespmem:s17+$0x30] =	vst v0  }
0x16: {  	[tilespmem:s17+$0x40] =	vst v0  }
0x17: {  	[tilespmem:s17+$0x50] =	vst v0  }
0x18: {  	[tilespmem:s17+$0x60] =	vst v0;
	s17 =	sshra.s32 s18, $0x2;
	s18 =	sadd.s32 $0x200, s18  }
0x19: {  	[tilespmem:s17+$0x70] =	vst v0  }
0x1a: {  	[tilespmem:s17+$0x0] =	vst v0  }
0x1b: {  	[tilespmem:s17+$0x10] =	vst v0  }
0x1c: {  	[tilespmem:s17+$0x20] =	vst v0  }
0x1d: {  	[tilespmem:s17+$0x30] =	vst v0  }
0x1e: {  	[tilespmem:s17+$0x40] =	vst v0  }
0x1f: {  	[tilespmem:s17+$0x50] =	vst v0  }
0x20: {  	[tilespmem:s17+$0x60] =	vst v0;
	s31 =	simm.s32 $0x0  }
0x21: {  	[spmem:s5] =	stream.linear.scatter [tilespmem:s31], [sflag:$0x2], $0x4000, $0x38;
	[tilespmem:$0x18100] =	vst v63  }
0x22: {  	_ =	swait.ge [sflag:s15], $0x4000  }
0x23: {  	[sflag:s15] =	ssyncset.done $0x0  }
0x24: {  	[sflag:s15] =	ssyncadd.s32 $0xFFFFC000  }
0x25: {  	[spmem:s7] =	stream.linear.scatter [tilespmem:s31], [sflag:$0x2], $0x4000, $0x38;
	[tilespmem:$0x18100] =	vst v63  }
0x26: {  	_ =	swait.ge [sflag:s15], $0x4000  }
0x27: {  	[sflag:s15] =	ssyncset.done $0x0  }
0x28: {  	[sflag:s15] =	ssyncadd.s32 $0xFFFFC000  }
0x29: {  	[spmem:s8] =	stream.linear.scatter [tilespmem:s31], [sflag:$0x2], $0x4000, $0x38;
	[tilespmem:$0x18100] =	vst v63  }
0x2a: {  	_ =	swait.ge [sflag:s15], $0x4000  }
0x2b: {  	[sflag:s15] =	ssyncset.done $0x0  }
0x2c: {  	[sflag:s15] =	ssyncadd.s32 $0xFFFFC000  }
0x2d: {  	[spmem:s9] =	stream.linear.scatter [tilespmem:s31], [sflag:$0x2], $0x4000, $0x38;
	[tilespmem:$0x18100] =	vst v63  }
0x2e: {  	_ =	swait.ge [sflag:s15], $0x4000  }
0x2f: {  	[sflag:s15] =	ssyncset.done $0x0  }
0x30: {  	[sflag:s15] =	ssyncadd.s32 $0xFFFFC000  }
0x31: {  	[spmem:s10] =	stream.linear.scatter [tilespmem:s31], [sflag:$0x2], $0x4000, $0x38;
	[tilespmem:$0x18100] =	vst v63  }
0x32: {  	_ =	swait.ge [sflag:s15], $0x4000  }
0x33: {  	p0 =	sgt.u32 s6, $0x9C3;
	[sflag:s15] =	ssyncset.done $0x0  }
0x34: {  	s17 =	sadd.s32 @!p0 $0x0, s14;
	[sflag:s15] =	ssyncadd.s32 $0xFFFFC000  }
0x35: {  	s18 =	simm.s32 @!p0 $0x0;
	s19 =	simm.s32 @!p0 $0x4000;
	[bflag:$0x0] =	sbarrier.arrive $0xFFFF  }
0x36: {  	[tilespmem:s19], [sflag:$0x1] =	stream.linear.gather @!p0 [hbm4b:s17+s18], $0x80, $0x38;
	[tilespmem:$0x18100] =	vst v63  }
0x37: {  	s20 =	simm.s32 @!p0 $0x4080;
	s21 =	simm.s32 @!p0 $0x1;
	s17 =	sadd.s32 @!p0 $0x0, s13  }
0x38: {  	[tilespmem:s20], [sflag:$0x1] =	stream.linear.gather @!p0 [hbm4b:s17+s18], $0x80, $0x38;
	[tilespmem:$0x18100] =	vst v63  }
0x39: {  	_ =	swait.ge @!p0 [sflag:s21], $0x80  }
0x3a: {  	[sflag:s21] =	ssyncset.done @!p0 $0x0;
	p0 =	por p0, p0  }
0x3b: {  	[sflag:s21] =	ssyncadd.s32 @!p0 $0xFFFFFF80  }
0x3c: {  	_ =	swait.ge @!p0 [sflag:s21], $0x80  }
0x3d: {  	[sflag:s21] =	ssyncset.done @!p0 $0x0  }
0x3e: {  	s17 =	simm.s32 @!p0 $0x80;
	[sflag:s21] =	ssyncadd.s32 @!p0 $0xFFFFFF80  }
0x3f: {  	[tilespmem:s18], [sflag:$0x1] =	stream.indirect.gather @!p0 [hbm4b:s4+s17], $0x80, s19, s17, $0xb8;
	[tilespmem:$0x18100] =	vst v63  }
0x40: {  	_ =	swait.ge @!p0 [sflag:s21], $0x4000  }
0x41: {  	[sflag:s21] =	ssyncset.done @!p0 $0x0  }
0x42: {  	[sflag:s21] =	ssyncadd.s32 @!p0 $0xFFFFC000  }
0x43: {  	[spmem:s1] =	stream.indirect.scatter.add.f32 @!p0 [tilespmem:s18], [sflag:$0x2], $0x80, s20, s17, $0xb8;
	[tilespmem:$0x18100] =	vst v63  }
0x44: {  	s19 =	simm.s32 $0x400;
	s20 =	simm.s32 @!p0 $0x2;
	s18 =	sadd.s32 $0x20, s6  }
0x45: {  	s17 =	simm.s32 $0x200;
	p1 =	sgt.u32 s18, $0x9C3;
	_ =	swait.ge @!p0 [sflag:s20], $0x4000  }
.LBB2_4:
0x46: {  	s21 =	sadd.s32 @!p1 s17, s14  }
0x47: {  	s22 =	simm.s32 @!p1 $0x0;
	[sflag:s20] =	ssyncset.done @!p0 $0x0;
	s23 =	smov.u32 s19  }
0x48: {  	s19 =	sadd.s32 $0x200, s19;
	s24 =	simm.s32 @!p1 $0x4000;
	[sflag:s20] =	ssyncadd.s32 @!p0 $0xFFFFC000  }
0x49: {  	[tilespmem:s24], [sflag:$0x1] =	stream.linear.gather @!p1 [hbm4b:s21+s22], $0x80, $0x38;
	[tilespmem:$0x18100] =	vst v63  }
0x4a: {  	s17 =	sadd.s32 @!p1 s17, s13;
	s20 =	simm.s32 @!p1 $0x1;
	s21 =	simm.s32 @!p1 $0x4080  }
0x4b: {  	[tilespmem:s21], [sflag:$0x1] =	stream.linear.gather @!p1 [hbm4b:s17+s22], $0x80, $0x38;
	[tilespmem:$0x18100] =	vst v63  }
0x4c: {  	p2 =	sne.s32 s19, $0x9E00;
	s17 =	smov.u32 s23;
	_ =	swait.ge @!p1 [sflag:s20], $0x80  }
0x4d: {  	p0 =	por p1, p1;
	[sflag:s20] =	ssyncset.done @!p1 $0x0  }
0x4e: {  	[sflag:s20] =	ssyncadd.s32 @!p0 $0xFFFFFF80  }
0x4f: {  	_ =	swait.ge @!p0 [sflag:s20], $0x80  }
0x50: {  	[sflag:s20] =	ssyncset.done @!p0 $0x0  }
0x51: {  	s23 =	simm.s32 @!p0 $0x80;
	[sflag:s20] =	ssyncadd.s32 @!p0 $0xFFFFFF80  }
0x52: {  	[tilespmem:s22], [sflag:$0x1] =	stream.indirect.gather @!p0 [hbm4b:s4+s23], $0x80, s24, s23, $0xb8;
	[tilespmem:$0x18100] =	vst v63  }
.Ltmp1:
0x53: {  	_ =	swait.ge @!p0 [sflag:s20], $0x4000;
	(pc) =	sbr.rel @p2 .LBB2_4-.Ltmp1, $4  }
0x54: {  	[sflag:s20] =	ssyncset.done @!p0 $0x0  }
0x55: {  	s18 =	sadd.s32 $0x20, s18;
	[sflag:s20] =	ssyncadd.s32 @!p0 $0xFFFFC000;
	s20 =	simm.s32 @!p0 $0x2  }
0x56: {  	[spmem:s1] =	stream.indirect.scatter.add.f32 @!p0 [tilespmem:s22], [sflag:$0x2], $0x80, s21, s23, $0xb8;
	[tilespmem:$0x18100] =	vst v63  }
0x57: {  	p1 =	sgt.u32 s18, $0x9C3;
	_ =	swait.ge @!p0 [sflag:s20], $0x4000  }
0x58: {  	s18 =	sadd.s32 @!p1 s17, s14;
	[sflag:s20] =	ssyncset.done @!p0 $0x0  }
0x59: {  	s19 =	simm.s32 @!p1 $0x0;
	s21 =	simm.s32 @!p1 $0x4000;
	[sflag:s20] =	ssyncadd.s32 @!p0 $0xFFFFC000  }
0x5a: {  	[tilespmem:s21], [sflag:$0x1] =	stream.linear.gather @!p1 [hbm4b:s18+s19], $0x80, $0x38;
	[tilespmem:$0x18100] =	vst v63  }
0x5b: {  	s17 =	sadd.s32 @!p1 s17, s13;
	s20 =	simm.s32 @!p1 $0x1;
	s18 =	simm.s32 @!p1 $0x4080  }
0x5c: {  	[tilespmem:s18], [sflag:$0x1] =	stream.linear.gather @!p1 [hbm4b:s17+s19], $0x80, $0x38;
	[tilespmem:$0x18100] =	vst v63  }
0x5d: {  	_ =	swait.ge @!p1 [sflag:s20], $0x80  }
0x5e: {  	p0 =	por p1, p1;
	[sflag:s20] =	ssyncset.done @!p1 $0x0  }
0x5f: {  	[sflag:s20] =	ssyncadd.s32 @!p0 $0xFFFFFF80  }
0x60: {  	_ =	swait.ge @!p0 [sflag:s20], $0x80  }
0x61: {  	[sflag:s20] =	ssyncset.done @!p0 $0x0  }
0x62: {  	s17 =	simm.s32 @!p0 $0x80;
	[sflag:s20] =	ssyncadd.s32 @!p0 $0xFFFFFF80  }
0x63: {  	[tilespmem:s19], [sflag:$0x1] =	stream.indirect.gather @!p0 [hbm4b:s4+s17], $0x80, s21, s17, $0xb8;
	[tilespmem:$0x18100] =	vst v63  }
0x64: {  	_ =	swait.ge @!p0 [sflag:s20], $0x4000  }
0x65: {  	[sflag:s20] =	ssyncset.done @!p0 $0x0  }
0x66: {  	[sflag:s20] =	ssyncadd.s32 @!p0 $0xFFFFC000;
	s20 =	simm.s32 @!p0 $0x2  }
0x67: {  	[spmem:s1] =	stream.indirect.scatter.add.f32 @!p0 [tilespmem:s19], [sflag:$0x2], $0x80, s18, s17, $0xb8;
	[tilespmem:$0x18100] =	vst v63  }
0x68: {  	_ =	swait.ge @!p0 [sflag:s20], $0x4000  }
0x69: {  	s3 =	sadd.s32 $0x1, s3;
	[sflag:s20] =	ssyncset.done @!p0 $0x0  }
0x6a: {  	[sflag:s20] =	ssyncadd.s32 @!p0 $0xFFFFC000;
	p0 =	sne.s32 s3, s12  }
.Ltmp2:
0x6b: {  	s31 =	sshrl.u32 s5, $0x3;
	[bflag:$0x0] =	sbarrier.arrive $0xFFFF;
	(pc) =	sbr.rel @p0 .LBB2_1-.Ltmp2, $4  }
0x6c: {  	[hbm:s11], [sflag:s16] =	dma.local [spmem:s31], $0x2800  }
0x6d: {  	_ =	swait.ge [sflag:s15], $0x2800  }
0x6e: {  	[sflag:s15] =	ssyncset.done $0x0  }
0x6f: {  	[sflag:s15] =	ssyncadd.s32 $0xFFFFD800  }
0x70: {  	_ =	sfence.sel $0x180000  }
0x71: {  	[bflag:$0x0] =	sbarrier.arrive $0xFFFF  }
0x72: {  	p0 =	sne.s32 s2, $0x0;
	_ =	strace $0x90000050  }
0x73: {  	s0 =	sadd.s32 @!p0 $0x100000, s0;
	[bflag:$0x2] =	sbarrier.arrive $0xFFFF  }
0x74: {  	[sflag:s0] =	ssyncadd.tile.s32 @!p0 $0x1;
	_ =	shalt  }
.Lfunc_end2:
_tile_overlayer_lowered:
.L_overlay_start_2:
0x75: {  	(tag) =	ssettag $0x2  }
0x76: {  	s0 =	rddreg [dreg:$0x0];
	s2 =	stileid.u32  }
0x77: {  	s1 =	rddreg [dreg:$0x1];
	p0 =	sne.s32 s2, $0x0  }
0x78: {  	s3 =	rddreg [dreg:$0x2];
	[bflag:$0x3] =	sbarrier.arrive $0xFFFF;
	s2 =	simm.s32 @!p0 $0x1C02  }
0x79: {  	[timem:s3], [sflag:s2] =	dma.local @!p0 [hbm:s0], s1  }
0x7a: {  	s0 =	simm.s32 @!p0 $0x2  }
0x7b: {  	_ =	swait.ge @!p0 [sflag:s0], s1  }
0x7c: {  	s1 =	ssub.s32 @!p0 $0x0, s1;
	[sflag:s0] =	ssyncset.done @!p0 $0x0  }
0x7d: {  	[sflag:s0] =	ssyncadd.s32 @!p0 s1  }
0x7e: {  	[bflag:$0x3] =	sbarrier.arrive $0xFFFF  }
0x7f: {  	_ =	shalt  }

// kernel: kernel.9.cloned.1.call-start
scs
__scs_entry_jumppad:
0x0: {  	(pc) =	sbr.rel $0x88, $3  }
0x1: {  	(tag) =	ssettag $0x0;
	lr =	simm.s32 $0x1  }
0x2: {  	[smem:$0x3F97] =	sst lr;
	_ =	strace $0xD0000000  }
0x3: {  	_ = 	snop  }
0x4: {  	_ = 	snop  }
0x5: {  	_ = 	snop  }
0x6: {  	_ = 	snop  }
0x7: {  	_ = 	snop  }
__scs_overlays_trampoline_lowered:
0x8: {  	[smem:$0x3FA6] =	sst s0  }
0x9: {  	[smem:$0x3FA7] =	sst s1  }
0xa: {  	[smem:$0x3FA8] =	sst s2  }
0xb: {  	[smem:$0x3FA9] =	sst s3  }
0xc: {  	[smem:$0x3FAA] =	sst s4  }
0xd: {  	[smem:$0x3FAB] =	sst s5  }
0xe: {  	[smem:$0x3FAC] =	sst s6  }
0xf: {  	[smem:$0x3FAD] =	sst s7  }
0x10: {  	[smem:$0x3FAE] =	sst s8  }
0x11: {  	[smem:$0x3FAF] =	sst s9;
	s0 =	simm.s32 @!p0 $0x0  }
0x12: {  	s1 =	sld [smem:$0x3F95];
	s0 =	simm.s32 @p0 $0x1  }
0x13: {  	[smem:$0x3FB0] =	sst s0;
	s0 =	simm.s32 @!p1 $0x0  }
0x14: {  	s2 =	sld [smem:$0x3F94];
	s0 =	simm.s32 @p1 $0x1  }
0x15: {  	[smem:$0x3FB1] =	sst s0;
	s0 =	simm.s32 @!p2 $0x0  }
0x16: {  	s3 =	sld [smem:$0x3FDB];
	s0 =	simm.s32 @p2 $0x1  }
0x17: {  	s4 =	simm.s32 $0x1BF5;
	[smem:$0x3FB3] =	sst s0  }
0x18: {  	s0 =	sld [smem:$0x3F96];
	_ =	swait.ge [sflag:s4], $0x0  }
0x19: {  	s7 =	sld [smem:$0x3F97]  }
0x1a: {  	s8 =	sadd.s32 $0xFFFFE003, lr  }
0x1b: {  	s9 =	sadd.s32 $0xFFFFFEF7, lr;
	s5 =	simm.s32 $0xFFFFFFFF;
	p2 =	slt.u32 s8, $0xFFFFF086  }
0x1c: {  	p1 =	slt.u32 s9, $0xF7A;
	s5 =	simm.s32 @!p2 $0x0  }
0x1d: {  	s5 =	simm.s32 @p1 $0x1;
	p0 =	seq.s32 s7, s2  }
0x1e: {  	s7 =	smul.u32 @!p0 $0xF7A, s2;
	p2 =	seq.s32 @!p0 s5, $0x0  }
0x1f: {  	s9 =	smul.u32 $0xF7A, s1;
	s8 =	simm.s32 @!p0 $0x1BF5;
	p2 =	por !p2, p0  }
0x20: {  	[sflag:s8] =	ssyncset.s32 @!p0 $0xFFFFF086;
	s6 =	sadd.s32 @!p0 s3, s7;
	s7 =	simm.s32 @!p0 $0x108  }
0x21: {  	s3 =	sadd.s32 s3, s9;
	s6 =	sadd.s32 @!p0 $0x88, s6;
	s7 =	simm.s32 @p2 $0x1082  }
0x22: {  	[simem:s7], [sflag:s8] =	dma.local @!p0 [hbm:s6], $0xF7A  }
0x23: {  	s9 =	sor.u32 $0xD0000000, s2;
	s6 =	simm.s32 $0x108;
	_ =	swait.ge @!p0 [sflag:s8], $0x0  }
0x24: {  	s3 =	sadd.s32 $0x88, s3;
	s6 =	simm.s32 @!p1 $0x1082;
	[sflag:s4] =	ssyncset.s32 $0xFFFFF086  }
0x25: {  	[simem:s6], [sflag:s4] =	dma.local [hbm:s3], $0xF7A  }
0x26: {  	[smem:$0x3F97] =	sst s1;
	(tag) =	ssettag s2;
	_ =	strace s9  }
0x27: {  	s1 =	sld [smem:$0x3FA7]  }
0x28: {  	s2 =	sld [smem:$0x3FA8]  }
0x29: {  	s4 =	sld [smem:$0x3FAA]  }
0x2a: {  	p0 =	seq.s32 s5, $0x0;
	s5 =	sld [smem:$0x3FAB]  }
0x2b: {  	s6 =	sld [smem:$0x3FAC]  }
0x2c: {  	s7 =	sld [smem:$0x3FAD]  }
0x2d: {  	s3 =	simm.s32 $0x108;
	s8 =	sld [smem:$0x3FAE]  }
0x2e: {  	s3 =	simm.s32 @!p0 $0x1082;
	s9 =	sld [smem:$0x3FAF]  }
0x2f: {  	lr =	sadd.s32 s0, s3;
	s0 =	sld [smem:$0x3FA6]  }
0x30: {  	s3 =	sld [smem:$0x3FA9]  }
0x31: {  	[smem:$0x3FB2] =	sst s10  }
0x32: {  	s10 =	sld [smem:$0x3FB0];
	_ =	sdelay $0x3  }
0x33: {  	p0 =	seq.s32 s10, $0x1;
	s10 =	sld [smem:$0x3FB2];
	_ =	sdelay $0x3  }
0x34: {  	[smem:$0x3FB2] =	sst s10  }
0x35: {  	s10 =	sld [smem:$0x3FB1];
	_ =	sdelay $0x3  }
0x36: {  	p1 =	seq.s32 s10, $0x1;
	s10 =	sld [smem:$0x3FB2];
	_ =	sdelay $0x3  }
0x37: {  	[smem:$0x3FB2] =	sst s10  }
0x38: {  	s10 =	sld [smem:$0x3FB3]  }
0x39: {  	_ = 	snop;
	(pc) =	sbr.ind lr, $3  }
0x3a: {  	_ = 	snop  }
0x3b: {  	_ = 	snop  }
0x3c: {  	p2 =	seq.s32 s10, $0x1;
	s10 =	sld [smem:$0x3FB2]  }
0x3d: {  	_ =	shalt  }
0x3e: {  	_ =	shalt  }
0x3f: {  	_ =	shalt  }
0x40: {  	_ =	shalt  }
0x41: {  	_ =	shalt  }
0x42: {  	_ =	shalt  }
0x43: {  	_ =	shalt  }
0x44: {  	_ =	shalt  }
0x45: {  	_ =	shalt  }
0x46: {  	_ =	shalt  }
0x47: {  	_ =	shalt  }
0x48: {  	_ =	shalt  }
0x49: {  	_ =	shalt  }
0x4a: {  	_ =	shalt  }
0x4b: {  	_ =	shalt  }
0x4c: {  	_ =	shalt  }
0x4d: {  	_ =	shalt  }
0x4e: {  	_ =	shalt  }
0x4f: {  	_ =	shalt  }
0x50: {  	_ =	shalt  }
0x51: {  	_ =	shalt  }
0x52: {  	_ =	shalt  }
0x53: {  	_ =	shalt  }
0x54: {  	_ =	shalt  }
0x55: {  	_ =	shalt  }
0x56: {  	_ =	shalt  }
0x57: {  	_ =	shalt  }
0x58: {  	_ =	shalt  }
0x59: {  	_ =	shalt  }
0x5a: {  	_ =	shalt  }
0x5b: {  	_ =	shalt  }
0x5c: {  	_ =	shalt  }
0x5d: {  	_ =	shalt  }
0x5e: {  	_ =	shalt  }
0x5f: {  	_ =	shalt  }
0x60: {  	_ =	shalt  }
0x61: {  	_ =	shalt  }
0x62: {  	_ =	shalt  }
0x63: {  	_ =	shalt  }
0x64: {  	_ =	shalt  }
0x65: {  	_ =	shalt  }
0x66: {  	_ =	shalt  }
0x67: {  	_ =	shalt  }
0x68: {  	_ =	shalt  }
0x69: {  	_ =	shalt  }
0x6a: {  	_ =	shalt  }
0x6b: {  	_ =	shalt  }
0x6c: {  	_ =	shalt  }
0x6d: {  	_ =	shalt  }
0x6e: {  	_ =	shalt  }
0x6f: {  	_ =	shalt  }
0x70: {  	_ =	shalt  }
0x71: {  	_ =	shalt  }
0x72: {  	_ =	shalt  }
0x73: {  	_ =	shalt  }
0x74: {  	_ =	shalt  }
0x75: {  	_ =	shalt  }
0x76: {  	_ =	shalt  }
0x77: {  	_ =	shalt  }
0x78: {  	_ =	shalt  }
0x79: {  	_ =	shalt  }
0x7a: {  	_ =	shalt  }
0x7b: {  	_ =	shalt  }
0x7c: {  	_ =	shalt  }
0x7d: {  	_ =	shalt  }
0x7e: {  	_ =	shalt  }
0x7f: {  	_ =	shalt  }
0x80: {  	_ =	shalt  }
0x81: {  	_ =	shalt  }
0x82: {  	_ =	shalt  }
0x83: {  	_ =	shalt  }
0x84: {  	_ =	shalt  }
0x85: {  	_ =	shalt  }
0x86: {  	_ =	shalt  }
0x87: {  	_ =	shalt  }
.Lfunc_end0:
.L_simem_size_0:
called_computation_lowered:
.L_overlay_start_0:
0x88: {  	s2 =	sld [smem:$0x3FD9]  }
0x89: {  	s3 =	sld [smem:$0x3FFE];
	_ =	sdelay $0x1  }
0x8a: {  	s1 =	srdreg.scid  }
0x8b: {  	s0 =	sand.u32 $0x1, s1  }
0x8c: {  	s17 =	sshll.u32 s0, $0xA;
	s2 =	sadd.s32 s3, s2  }
0x8d: {  	s2 =	sadd.s32 s2, s17  }
0x8e: {  	[smem:$0x3FBE] =	sst s2  }
0x8f: {  	_ = 	snop  }
0x90: {  	s2 =	sld [smem:$0x3FC7];
	(tm) =	ssettm $0x1  }
0x91: {  	s18 =	sld [smem:$0x3FFB];
	_ =	sdelay $0x3  }
0x92: {  	_ =	strace s18  }
0x93: {  	s3 =	sld [smem:$0x3FFC];
	_ =	sdelay $0x3  }
0x94: {  	_ =	strace s3  }
0x95: {  	s3 =	sld [smem:$0x3FFD];
	_ =	sdelay $0x3  }
0x96: {  	_ =	strace s3  }
0x97: {  	_ =	strace $0x8FFFFFFF  }
0x98: {  	s19 =	sld [smem:$0x3FDB];
	_ =	sdelay $0x1  }
0x99: {  	s4 =	simm.s32 $_scs_section_size  }
0x9a: {  	s5 =	simm.s32 $_size__tile_overlayer_lowered;
	s6 =	simm.s32 $_tile_overlayer_lowered  }
0x9b: {  	s22 =	simm.s32 $0x1BFF;
	s21 =	sshll.u32 s6, $0x1;
	s3 =	sadd.s32 s4, s19  }
0x9c: {  	s7 =	simm.s32 $0x0;
	s20 =	sshll.u32 s5, $0x1;
	s5 =	sadd.s32 s21, s3  }
0x9d: {  	[timem:s7], [sflag:s22] =	dma.local [hbm:s5], s20  }
0x9e: {  	_ =	swait.ge [sflag:s22], s20  }
0x9f: {  	s4 =	ssub.s32 $0x0, s20;
	[sflag:s22] =	ssyncset.done $0x0  }
0xa0: {  	[sflag:s22] =	ssyncadd.s32 s4;
	_ =	sdelay $0x1  }
0xa1: {  	s23 =	simm.s32 $0x1B8B  }
0xa2: {  	_ =	swait.ge [sflag:s23], $0x1  }
0xa3: {  	[sflag:s23] =	ssyncset.done $0x0  }
0xa4: {  	s25 =	simm.s32 $0x1B8E;
	s24 =	sld [smem:$0x3FFE];
	[sflag:s23] =	ssyncadd.s32 $0xFFFFFFFF  }
0xa5: {  	s26 =	simm.s32 $execute0_lowered;
	[smem:$0x3FD2] =	sst s25  }
0xa6: {  	s5 =	sshll.u32 s26, $0x1;
	_ =	strace $0x80000046;
	[dreg:$0x1] =	wrdreg $0xFFFFFFFF  }
0xa7: {  	s28 =	simm.s32 $_size_execute0_lowered;
	s3 =	sadd.s32 s3, s5;
	[dreg:$0x0] =	wrdreg $0x0  }
0xa8: {  	s5 =	sshll.u32 s28, $0x1;
	[dreg:$0x2] =	wrdreg s3  }
0xa9: {  	[dreg:$0x3] =	wrdreg s5  }
0xaa: {  	[dreg:$0x4] =	wrdreg $0xC0  }
0xab: {  	_ =	task [dreg:s7], $0x5FFFF  }
0xac: {  	[dreg:$0x1] =	wrdreg $0xFFFFFFFF  }
0xad: {  	[dreg:$0x0] =	wrdreg $0x60  }
0xae: {  	[dreg:$0x2] =	wrdreg s24  }
0xaf: {  	[dreg:$0x3] =	wrdreg s2  }
0xb0: {  	[dreg:$0x4] =	wrdreg $0x9  }
0xb1: {  	_ =	task.clear_ibuf [dreg:s7], $0x5FFFF;
	_ =	strace $0x90000046  }
0xb2: {  	s29 =	simm.s32 $0x9;
	_ =	strace $0x80000048  }
0xb3: {  	_ =	swait.ge [sflag:s29], $0x1  }
0xb4: {  	[sflag:s29] =	ssyncadd.s32 $0xFFFFFFFF  }
0xb5: {  	_ =	strace $0x90000048  }
0xb6: {  	_ =	sfence  }
0xb7: {  	s30 =	sld [smem:$0x0];
	_ =	sdelay $0x2  }
0xb8: {  	s31 =	sshll.u32 s1, $0xD;
	s1 =	sshrl.u32 s1, $0x2  }
0xb9: {  	s3 =	sand.u32 $0x4000, s31;
	s1 =	sadd.s32 s1, s30  }
0xba: {  	s0 =	sor.u32 s3, s0;
	s1 =	sshll.u32 s1, $0x11  }
0xbb: {  	s0 =	sor.u32 s1, s0  }
0xbc: {  	s0 =	sadd.s32 $0x8F2B, s0  }
0xbd: {  	[sflag:s0] =	ssyncadd.remote.s32 $0x1  }
0xbe: {  	_ =	sfence.sel $0xFFFF  }
0xbf: {  	[dreg:$0x0] =	wrdreg $0xFFFFFFFF;
	(pc) =	sbr.abs _section_cstart, $3  }
0xc0: {  	[dreg:$0x1] =	wrdreg $0xFFFFFFFF  }
0xc1: {  	_ =	task.clear_ibuf [dreg:s7], $0x2FFFF;
	_ =	strace $0x9FFFFFFF  }
0xc2: {  	(tm) =	ssettm $0x7FFFFFFF  }
0xc3: {  	_ =	shalt  }
tec
execute0_lowered:
.L_overlay_start_1:
0x0: {  	(tag) =	ssettag $0x1  }
0x1: {  	s4 =	rddreg [dreg:$0x0];
	s0 =	stileid.u32  }
0x2: {  	s1 =	srdreg.scid;
	s6 =	rddreg [dreg:$0x1]  }
0x3: {  	s3 =	simm.s32 $0x0;
	s11 =	simm.s32 $0x0;
	s5 =	sand.u32 $0x1, s1  }
0x4: {  	s2 =	sshll.u32 s0, $0x1;
	s1 =	rddreg [dreg:$0x2];
	s7 =	sshrl.u32 s0, $0x2  }
0x5: {  	[smem:$0x7FF] =	sst s3;
	s28 =	sshll.u32 s0, $0x5;
	s2 =	sor.u32 s5, s2  }
0x6: {  	s7 =	smul.u32 $0xA0000, s7;
	_ =	strace $0x80000047;
	s9 =	ssub.s32 $0x2, s5  }
0x7: {  	s10 =	sadd.s32 s28, s4;
	s30 =	sshll.u32 s5, $0x4;
	s8 =	sshll.u32 s2, $0x7  }
0x8: {  	s6 =	sadd.s32 s28, s6;
	s29 =	sshrl.u32 s9, $0x1;
	s8 =	sand.u32 $0x380, s8  }
0x9: {  	s31 =	sadd.s32 s30, s10;
	s6 =	sadd.s32 s30, s6;
	s7 =	sor.u32 s7, s8  }
0xa: {  	s10 =	simm.s32 $0x2;
	s8 =	simm.s32 $0x80;
	s7 =	sshrl.u32 s7, $0x3  }
0xb: {  	s4 =	sadd.s32 s7, s4;
	s7 =	ssub.s32 s9, s29;
	s9 =	simm.s32 $0x400  }
0xc: {  	v0 =	vimm.f32 $0.0e+00;
	s4 =	sadd.s32 $0xC400, s4;
	s5 =	smax.u32 s7, $0x1;
	s7 =	sadd.s32 $0x2600, s31  }
.LBB2_1:
0xd: {  	s12 =	simm.s32 $0x0  }
.LBB2_2:
0xe: {  	p0 =	sne.s32 s12, $0x4FFC0  }
.Ltmp0:
0xf: {  	_ = 	snop;
	(pc) =	sbr.rel @p0 .LBB2_2-.Ltmp0, $3  }
0x10: {  	_ =	sdelay $0x1  }
0x11: {  	s13 =	sshra.s32 s12, $0x2  }
0x12: {  	s12 =	sadd.s32 $0x40, s12;
	[tilespmem:s13+$0x0] =	vst v0  }
0x13: {  	s12 =	simm.s32 $0x0;
	s13 =	smov.u32 s2  }
.LBB2_4:
0x14: {  	p0 =	sgt.u32 s13, $0x9C3  }
0x15: {  	s14 =	sadd.s32 @!p0 s12, s7;
	s15 =	simm.s32 @!p0 $0x0;
	s16 =	simm.s32 @!p0 $0x14000  }
0x16: {  	[tilespmem:s16], [sflag:$0x1] =	stream.linear.gather @!p0 [hbm4b:s14+s15], $0x80, $0x38;
	[tilespmem:$0x14100] =	vst v63  }
0x17: {  	s14 =	sadd.s32 @!p0 s12, s6;
	s16 =	simm.s32 @!p0 $0x14080  }
0x18: {  	[tilespmem:s16], [sflag:$0x1] =	stream.linear.gather @!p0 [hbm4b:s14+s15], $0x80, $0x38;
	[tilespmem:$0x14100] =	vst v63  }
0x19: {  	s14 =	simm.s32 @!p0 $0x1  }
0x1a: {  	_ =	swait.ge @!p0 [sflag:s14], $0x80  }
0x1b: {  	[sflag:s14] =	ssyncset.done @!p0 $0x0  }
0x1c: {  	[sflag:s14] =	ssyncadd.s32 @!p0 $0xFFFFFF80  }
0x1d: {  	_ =	swait.ge @!p0 [sflag:s14], $0x80  }
0x1e: {  	[sflag:s14] =	ssyncset.done @!p0 $0x0  }
0x1f: {  	[sflag:s14] =	ssyncadd.s32 @!p0 $0xFFFFFF80  }
0x20: {  	v1 =	vld @!p0 [tilespmem:$0x14000]  }
0x21: {  	v2 =	vld @!p0 [tilespmem:$0x14080];
	_ =	sdelay $0x3  }
0x22: {  	v1 =	vshll.u32 @!p0 v1, $0x3  }
0x23: {  	v1 =	vadd.s32 @!p0 v2, v1;
	_ =	sdelay $0x3  }
0x24: {  	v2 =	vimm.f32 @!p0 $1.000000000e+00  }
0x25: {  	[tilespmem:v1+s15+$0x0] =	vst.idx.add.f32.msk @!p0 $0xffff, v2  }
0x26: {  	v1 =	vld @!p0 [tilespmem:$0x14010]  }
0x27: {  	v3 =	vld @!p0 [tilespmem:$0x14090];
	_ =	sdelay $0x3  }
0x28: {  	v1 =	vshll.u32 @!p0 v1, $0x3  }
0x29: {  	v1 =	vadd.s32 @!p0 v3, v1;
	_ =	sdelay $0x4  }
0x2a: {  	[tilespmem:v1+s15+$0x0] =	vst.idx.add.f32.msk @!p0 $0xffff, v2  }
0x2b: {  	v1 =	vld @!p0 [tilespmem:$0x14020]  }
0x2c: {  	v3 =	vld @!p0 [tilespmem:$0x140A0];
	_ =	sdelay $0x3  }
0x2d: {  	v1 =	vshll.u32 @!p0 v1, $0x3  }
0x2e: {  	v1 =	vadd.s32 @!p0 v3, v1;
	_ =	sdelay $0x4  }
0x2f: {  	[tilespmem:v1+s15+$0x0] =	vst.idx.add.f32.msk @!p0 $0xffff, v2  }
0x30: {  	v1 =	vld @!p0 [tilespmem:$0x14030]  }
0x31: {  	v3 =	vld @!p0 [tilespmem:$0x140B0];
	_ =	sdelay $0x3  }
0x32: {  	v1 =	vshll.u32 @!p0 v1, $0x3  }
0x33: {  	v1 =	vadd.s32 @!p0 v3, v1;
	_ =	sdelay $0x4  }
0x34: {  	[tilespmem:v1+s15+$0x0] =	vst.idx.add.f32.msk @!p0 $0xffff, v2  }
0x35: {  	v1 =	vld @!p0 [tilespmem:$0x14040]  }
0x36: {  	v3 =	vld @!p0 [tilespmem:$0x140C0];
	_ =	sdelay $0x3  }
0x37: {  	v1 =	vshll.u32 @!p0 v1, $0x3  }
0x38: {  	v1 =	vadd.s32 @!p0 v3, v1;
	_ =	sdelay $0x4  }
0x39: {  	[tilespmem:v1+s15+$0x0] =	vst.idx.add.f32.msk @!p0 $0xffff, v2  }
0x3a: {  	v1 =	vld @!p0 [tilespmem:$0x14050]  }
0x3b: {  	v3 =	vld @!p0 [tilespmem:$0x140D0];
	_ =	sdelay $0x3  }
0x3c: {  	v1 =	vshll.u32 @!p0 v1, $0x3  }
0x3d: {  	v1 =	vadd.s32 @!p0 v3, v1;
	_ =	sdelay $0x4  }
0x3e: {  	[tilespmem:v1+s15+$0x0] =	vst.idx.add.f32.msk @!p0 $0xffff, v2  }
0x3f: {  	v1 =	vld @!p0 [tilespmem:$0x14060]  }
0x40: {  	v3 =	vld @!p0 [tilespmem:$0x140E0];
	_ =	sdelay $0x3  }
0x41: {  	v1 =	vshll.u32 @!p0 v1, $0x3  }
0x42: {  	v1 =	vadd.s32 @!p0 v3, v1;
	_ =	sdelay $0x4  }
0x43: {  	[tilespmem:v1+s15+$0x0] =	vst.idx.add.f32.msk @!p0 $0xffff, v2  }
0x44: {  	v1 =	vld @!p0 [tilespmem:$0x14070]  }
0x45: {  	v3 =	vld @!p0 [tilespmem:$0x140F0];
	_ =	sdelay $0x3  }
0x46: {  	s12 =	sadd.s32 $0x200, s12;
	v1 =	vshll.u32 @!p0 v1, $0x3  }
0x47: {  	p1 =	sne.s32 s12, $0x9E00;
	v1 =	vadd.s32 @!p0 v3, v1  }
.Ltmp1:
0x48: {  	_ = 	snop;
	(pc) =	sbr.rel @p1 .LBB2_4-.Ltmp1, $2  }
0x49: {  	_ =	sdelay $0x2  }
0x4a: {  	s13 =	sadd.s32 $0x20, s13;
	[tilespmem:v1+s15+$0x0] =	vst.idx.add.f32.msk @!p0 $0xffff, v2  }
0x4b: {  	s11 =	sadd.s32 $0x1, s11  }
0x4c: {  	p0 =	sne.s32 s11, s5  }
.Ltmp2:
0x4d: {  	_ = 	snop;
	(pc) =	sbr.rel @p0 .LBB2_1-.Ltmp2, $4  }
0x4e: {  	[hbm4b:s4+s8] =	stream.strided.scatter [tilespmem:s3], [sflag:$0x2], $0x14000, s9, s8, $0x38;
	[tilespmem:$0x14100] =	vst v63  }
0x4f: {  	_ =	swait.ge [sflag:s10], $0x14000  }
0x50: {  	[sflag:s10] =	ssyncset.done $0x0  }
0x51: {  	[sflag:s10] =	ssyncadd.s32 $0xFFFEC000  }
0x52: {  	_ =	sfence.sel $0x180000  }
0x53: {  	[bflag:$0x0] =	sbarrier.arrive $0xFFFF  }
0x54: {  	p0 =	sne.s32 s0, $0x0;
	_ =	strace $0x90000047  }
0x55: {  	s0 =	sadd.s32 @!p0 $0x100000, s1;
	[bflag:$0x2] =	sbarrier.arrive $0xFFFF  }
0x56: {  	[sflag:s0] =	ssyncadd.tile.s32 @!p0 $0x1;
	_ =	shalt  }
.Lfunc_end2:
_tile_overlayer_lowered:
.L_overlay_start_2:
0x57: {  	(tag) =	ssettag $0x2  }
0x58: {  	s0 =	rddreg [dreg:$0x0];
	s2 =	stileid.u32  }
0x59: {  	s1 =	rddreg [dreg:$0x1];
	p0 =	sne.s32 s2, $0x0  }
0x5a: {  	s3 =	rddreg [dreg:$0x2];
	[bflag:$0x3] =	sbarrier.arrive $0xFFFF;
	s2 =	simm.s32 @!p0 $0x1C02  }
0x5b: {  	[timem:s3], [sflag:s2] =	dma.local @!p0 [hbm:s0], s1  }
0x5c: {  	s0 =	simm.s32 @!p0 $0x2  }
0x5d: {  	_ =	swait.ge @!p0 [sflag:s0], s1  }
0x5e: {  	s1 =	ssub.s32 @!p0 $0x0, s1;
	[sflag:s0] =	ssyncset.done @!p0 $0x0  }
0x5f: {  	[sflag:s0] =	ssyncadd.s32 @!p0 s1  }
0x60: {  	[bflag:$0x3] =	sbarrier.arrive $0xFFFF  }
0x61: {  	_ =	shalt  }

</sc_bundles>
